<compile_context>
chip_gen: v7x
topology: tpu7x:2x2x1
jax: 0.10.2.dev20260603
libtpu: 0.0.44.dev20260713+nightly
codegen_flags: <defaults>
</compile_context>

<pallas_src>
import jax
import jax.numpy as jnp
from jax import lax
from jax.experimental import pallas as pl
from jax.experimental.pallas import tpu as pltpu
from jax.experimental.pallas import tpu_sc as plsc

D = 32
B = 16384
H = 50
N = B * H
NC, NS = 2, 16
NW = NC * NS
SB = B // NW
PER_W = N // NW
BLK = 10
NBLK = H // BLK


def _format_body(idx_hbm, out_hbm, idx_v):
    wid = lax.axis_index("s") * NC + lax.axis_index("c")
    b0 = wid * SB
    pltpu.sync_copy(idx_hbm.at[:, pl.ds(b0, SB)], idx_v)
    for h in range(H):
        pltpu.sync_copy(idx_v.at[h],
                        out_hbm.at[pl.ds(wid * PER_W + h * SB, SB)])


@jax.jit
def _format_idx(idx_t):
    f = pl.kernel(
        _format_body,
        out_type=jax.ShapeDtypeStruct((N,), jnp.int32),
        mesh=plsc.VectorSubcoreMesh(core_axis_name="c", subcore_axis_name="s"),
        scratch_types=[
            pltpu.VMEM((H, SB), jnp.int32),
        ],
        compiler_params=pltpu.CompilerParams(use_tc_tiling_on_sc=True),
    )
    return f(idx_t)


V = 1000000
TW = 512
NFB = V // TW
TAIL = V - NFB * TW
SLOTS = 62


def _transpose_diag(src, dst, jgs):
    iota = lax.iota(jnp.int32, 16)

    @plsc.parallel_loop(0, D * jgs, unroll=16)
    def _(i):
        d0 = i & (D - 1)
        jv = (i >> 5) * 16 + iota
        dv = (d0 + iota) & (D - 1)
        v = plsc.load_gather(src, [dv, jv])
        plsc.store_scatter(dst, [jv * D + dv], v)


def _tformat_body(embt_hbm, tail_hbm, t2_hbm, src0_v, src1_v, dst0_v, dst1_v,
                  isem0, isem1, osem0, osem1):
    wid = lax.axis_index("s") * NC + lax.axis_index("c")
    src_b = (src0_v, src1_v)
    dst_b = (dst0_v, dst1_v)
    isem = (isem0, isem1)
    osem = (osem0, osem1)

    def blk_id(slot):
        return wid + NW * slot

    def start_in(slot, par):
        @pl.when(blk_id(slot) < NFB)
        def _():
            pltpu.make_async_copy(
                embt_hbm.at[:, pl.ds(blk_id(slot) * TW, TW)], src_b[par],
                isem[par]).start()

    def wait_in(par):
        pltpu.make_async_copy(
            embt_hbm.at[:, pl.ds(0, TW)], src_b[par], isem[par]).wait()

    def wait_out(par):
        pltpu.make_async_copy(
            dst_b[par], t2_hbm.at[pl.ds(0, TW * D)], osem[par]).wait()

    start_in(0, 0)

    def pair(k, carry):
        for par in range(2):
            slot = 2 * k + par
            start_in(slot + 1, 1 - par)

            @pl.when(blk_id(slot) < NFB)
            def _():
                wait_in(par)

                @pl.when(slot >= 2)
                def _():
                    wait_out(par)

                _transpose_diag(src_b[par], dst_b[par], TW // 16)
                pltpu.make_async_copy(
                    dst_b[par],
                    t2_hbm.at[pl.ds(blk_id(slot) * TW * D, TW * D)],
                    osem[par]).start()
        return carry

    lax.fori_loop(0, SLOTS // 2, pair, 0)

    wait_out(0)
    wait_out(1)

    @pl.when(wid == NW - 1)
    def _():
        pltpu.sync_copy(tail_hbm, dst0_v.at[pl.ds(0, TAIL * D)])
        pltpu.sync_copy(dst0_v.at[pl.ds(0, TAIL * D)],
                        t2_hbm.at[pl.ds(NFB * TW * D, TAIL * D)])


@jax.jit
def _format_table(emb_t, tail_flat):
    f = pl.kernel(
        _tformat_body,
        out_type=jax.ShapeDtypeStruct((V * D,), jnp.float32),
        mesh=plsc.VectorSubcoreMesh(core_axis_name="c", subcore_axis_name="s"),
        scratch_types=[
            pltpu.VMEM((D, TW), jnp.float32),
            pltpu.VMEM((D, TW), jnp.float32),
            pltpu.VMEM((TW * D,), jnp.float32),
            pltpu.VMEM((TW * D,), jnp.float32),
            pltpu.SemaphoreType.DMA,
            pltpu.SemaphoreType.DMA,
            pltpu.SemaphoreType.DMA,
            pltpu.SemaphoreType.DMA,
        ],
        compiler_params=pltpu.CompilerParams(use_tc_tiling_on_sc=True,
                                             needs_layout_passes=False),
    )
    return f(emb_t, tail_flat)


def _transpose_chunk(rows, tr):
    iota = lax.iota(jnp.int32, 16)

    @plsc.parallel_loop(0, D * (SB // 16), unroll=16)
    def _(i):
        d0 = i & 31
        rowv = (i >> 5) * 16 + iota
        colv = (d0 + iota) & (D - 1)
        v = plsc.load_gather(rows, [rowv, colv])
        plsc.store_scatter(tr, [colv, rowv], v)


def _gather_body(idx_hbm, table_hbm, out_hbm, idx_v, rows_v, tr_v,
                 gsem0, gsem1, ssem0, ssem1):
    wid = lax.axis_index("s") * NC + lax.axis_index("c")
    base = wid * PER_W
    b0 = wid * SB
    gsem = (gsem0, gsem1)
    ssem = (ssem0, ssem1)

    pltpu.sync_copy(idx_hbm.at[pl.ds(base, PER_W)], idx_v)

    def block(g, carry):
        stores = [None, None]
        gathers = [None, None]

        def emit(j, c):
            p = j % 2
            gathers[p].wait()
            _transpose_chunk(rows_v.at[p], tr_v.at[p])
            stores[p] = pltpu.make_async_copy(
                tr_v.at[p], out_hbm.at[c, :, pl.ds(b0, SB)], ssem[p])
            stores[p].start()

        for j in range(BLK):
            c = g * BLK + j
            s = j % 2
            if stores[s] is not None:
                stores[s].wait()
            gathers[s] = pltpu.make_async_copy(
                table_hbm.at[idx_v.at[pl.ds(c * SB, SB)]], rows_v.at[s],
                gsem[s])
            gathers[s].start()
            if j > 0:
                emit(j - 1, c - 1)
        emit(BLK - 1, g * BLK + BLK - 1)
        stores[0].wait()
        stores[1].wait()
        return carry

    lax.fori_loop(0, NBLK, block, 0)


@jax.jit
def _gather(idx_flat, table):
    f = pl.kernel(
        _gather_body,
        out_type=jax.ShapeDtypeStruct((H, D, B), jnp.float32),
        mesh=plsc.VectorSubcoreMesh(core_axis_name="c", subcore_axis_name="s"),
        scratch_types=[
            pltpu.VMEM((PER_W,), jnp.int32),
            pltpu.VMEM((2, SB, D), jnp.float32),
            pltpu.VMEM((2, D, SB), jnp.float32),
            pltpu.SemaphoreType.DMA,
            pltpu.SemaphoreType.DMA,
            pltpu.SemaphoreType.DMA,
            pltpu.SemaphoreType.DMA,
        ],
        compiler_params=pltpu.CompilerParams(use_tc_tiling_on_sc=False,
                                             needs_layout_passes=False),
    )
    return f(idx_flat, table)


def kernel(input, embeddings):
    idx_flat = _format_idx(input.T.astype(jnp.int32))
    tail_flat = embeddings[NFB * TW:, :].reshape(-1)
    table_rm = _format_table(embeddings.T, tail_flat).reshape(V, D)
    out = _gather(idx_flat, table_rm)
    return jnp.transpose(out, (2, 0, 1))

# --- scband reference (transcript-rebuilt; emitter-appended) ---
"""Pipeline reference for scband-partial-embeddings-update-90074054132237 (READ-ONLY COPY).

The authoritative reference and input builder live on the scoring server;
editing this copy changes nothing except your own understanding.
"""

import jax, jax.numpy as jnp
import numpy as np

INPUT_DIM = 1000000
OUTPUT_DIM = 32
INDICES_TO_UPDATE = np.arange(32, dtype=np.int32)
BATCH = 16384
HIST = 50


def setup_inputs(seed: int = 0) -> dict:
    key = jax.random.key(seed)
    k1, k2 = jax.random.split(key)
    inp = jax.random.randint(k1, (BATCH, HIST), 0, INPUT_DIM, dtype=jnp.int32)
    # glorot_uniform init for embeddings table
    limit = np.sqrt(6.0 / (INPUT_DIM + OUTPUT_DIM))
    embeddings = jax.random.uniform(k2, (INPUT_DIM, OUTPUT_DIM), dtype=jnp.float32, minval=-limit, maxval=limit)
    return {"input": inp, "embeddings": embeddings}


def reference(input, embeddings):
    idx = input.astype(jnp.int32)
    # bool_mask: True for rows that are trainable (in indices_to_update)
    mask = jnp.zeros((embeddings.shape[0],), dtype=bool).at[jnp.asarray(INDICES_TO_UPDATE)].set(True)
    bool_mask = mask.astype(embeddings.dtype)[:, None]
    bool_mask_not = jnp.logical_not(mask).astype(embeddings.dtype)[:, None]
    emb = jax.lax.stop_gradient(bool_mask_not * embeddings) + bool_mask * embeddings
    return jnp.take(emb, idx, axis=0)

if __name__ == "__main__":
    import jax
    _d = setup_inputs()
    print(jax.jit(kernel)(*tuple(_d.values())))

</pallas_src>

<mosaic_0001>
#map = affine_map<(d0, d1) -> (0, 0)>
#map1 = affine_map<(d0, d1) -> (0)>
module attributes {stable_mosaic.version = 14 : i64} {
  func.func @_format_body(%arg0: i32, %arg1: i32, %arg2: memref<50x16384xi32, #tpu.memory_space<hbm>>, %arg3: memref<819200xi32, #tpu.memory_space<hbm>>, %arg4: memref<50x512xi32, #tpu.memory_space<vmem>>) attributes {dimension_semantics = [#tpu.dimension_semantics<core_parallel>, #tpu.dimension_semantics<subcore_parallel>], iteration_bounds = array<i64: 2, 16>, scalar_prefetch = 0 : i64, scratch_operands = 1 : i64, tpu.core_type = #tpu.core_type<sc_vector_subcore>, window_params = [{transform_indices = #map}, {transform_indices = #map1}]} {
    %mul3A = arith.constant 2 : i32
    %mul3A_0 = arith.muli %arg1, %mul3A : i32
    %add3A = arith.addi %mul3A_0, %arg0 : i32
    %mul3A_1 = arith.constant 512 : i32
    %mul3A_2 = arith.muli %add3A, %mul3A_1 : i32
    "tpu.region"() ({
      %run_scoped3A_252 = tpu.sem_alloc : memref<!tpu.dma_semaphore, #tpu.memory_space<semaphore_mem>>
      %dma_start3A = arith.constant 0 : i32
      %dma_start3A_253 = tpu.memref_slice %arg2[%dma_start3A, %mul3A_2] : memref<50x16384xi32, #tpu.memory_space<hbm>> -> memref<50x512xi32, #tpu.memory_space<hbm>>
      %dma_start3A_254 = arith.constant 0 : i32
      %dma_start3A_255 = tpu.memref_slice %arg2[%dma_start3A_254, %mul3A_2] : memref<50x16384xi32, #tpu.memory_space<hbm>> -> memref<50x512xi32, #tpu.memory_space<hbm>>
      tpu.enqueue_dma source(%dma_start3A_255 : memref<50x512xi32, #tpu.memory_space<hbm>>) target(%arg4 : memref<50x512xi32, #tpu.memory_space<vmem>>) target_semaphore(%run_scoped3A_252 : memref<!tpu.dma_semaphore, #tpu.memory_space<semaphore_mem>>)
      %dma_wait3A = arith.constant 0 : i32
      %dma_wait3A_256 = tpu.memref_slice %arg2[%dma_wait3A, %mul3A_2] : memref<50x16384xi32, #tpu.memory_space<hbm>> -> memref<50x512xi32, #tpu.memory_space<hbm>>
      %dma_wait3A_257 = arith.constant 0 : i32
      %dma_wait3A_258 = tpu.memref_slice %arg2[%dma_wait3A_257, %mul3A_2] : memref<50x16384xi32, #tpu.memory_space<hbm>> -> memref<50x512xi32, #tpu.memory_space<hbm>>
      tpu.wait_dma2 semaphore(%run_scoped3A_252 : memref<!tpu.dma_semaphore, #tpu.memory_space<semaphore_mem>>) src(%dma_wait3A_258 : memref<50x512xi32, #tpu.memory_space<hbm>>) dst(%arg4 : memref<50x512xi32, #tpu.memory_space<vmem>>)
      tpu.yield
    }) : () -> ()
    %mul3A_3 = arith.constant 25600 : i32
    %mul3A_4 = arith.muli %add3A, %mul3A_3 : i32
    %add3A_5 = arith.constant 0 : i32
    %add3A_6 = arith.addi %mul3A_4, %add3A_5 : i32
    %run_scoped3A = arith.constant 0 : i32
    "tpu.region"() ({
      %run_scoped3A_252 = tpu.sem_alloc : memref<!tpu.dma_semaphore, #tpu.memory_space<semaphore_mem>>
      %dma_start3A = arith.constant 0 : i32
      %dma_start3A_253 = tpu.memref_slice %arg4[%run_scoped3A, %dma_start3A] : memref<50x512xi32, #tpu.memory_space<vmem>> -> memref<1x512xi32, #tpu.memory_space<vmem>>
      %dma_start3A_254 = tpu.memref_squeeze %dma_start3A_253 : memref<1x512xi32, #tpu.memory_space<vmem>> -> memref<512xi32, #tpu.memory_space<vmem>>
      %dma_start3A_255 = tpu.memref_slice %arg3[%add3A_6] : memref<819200xi32, #tpu.memory_space<hbm>> -> memref<512xi32, #tpu.memory_space<hbm>>
      %dma_start3A_256 = tpu.memref_slice %arg3[%add3A_6] : memref<819200xi32, #tpu.memory_space<hbm>> -> memref<512xi32, #tpu.memory_space<hbm>>
      %dma_start3A_257 = arith.constant 0 : i32
      %dma_start3A_258 = tpu.memref_slice %arg4[%run_scoped3A, %dma_start3A_257] : memref<50x512xi32, #tpu.memory_space<vmem>> -> memref<1x512xi32, #tpu.memory_space<vmem>>
      %dma_start3A_259 = tpu.memref_squeeze %dma_start3A_258 : memref<1x512xi32, #tpu.memory_space<vmem>> -> memref<512xi32, #tpu.memory_space<vmem>>
      tpu.enqueue_dma source(%dma_start3A_259 : memref<512xi32, #tpu.memory_space<vmem>>) target(%dma_start3A_256 : memref<512xi32, #tpu.memory_space<hbm>>) target_semaphore(%run_scoped3A_252 : memref<!tpu.dma_semaphore, #tpu.memory_space<semaphore_mem>>)
      %dma_wait3A = arith.constant 0 : i32
      %dma_wait3A_260 = tpu.memref_slice %arg4[%run_scoped3A, %dma_wait3A] : memref<50x512xi32, #tpu.memory_space<vmem>> -> memref<1x512xi32, #tpu.memory_space<vmem>>
      %dma_wait3A_261 = tpu.memref_squeeze %dma_wait3A_260 : memref<1x512xi32, #tpu.memory_space<vmem>> -> memref<512xi32, #tpu.memory_space<vmem>>
      %dma_wait3A_262 = tpu.memref_slice %arg3[%add3A_6] : memref<819200xi32, #tpu.memory_space<hbm>> -> memref<512xi32, #tpu.memory_space<hbm>>
      %dma_wait3A_263 = tpu.memref_slice %arg3[%add3A_6] : memref<819200xi32, #tpu.memory_space<hbm>> -> memref<512xi32, #tpu.memory_space<hbm>>
      %dma_wait3A_264 = arith.constant 0 : i32
      %dma_wait3A_265 = tpu.memref_slice %arg4[%run_scoped3A, %dma_wait3A_264] : memref<50x512xi32, #tpu.memory_space<vmem>> -> memref<1x512xi32, #tpu.memory_space<vmem>>
      %dma_wait3A_266 = tpu.memref_squeeze %dma_wait3A_265 : memref<1x512xi32, #tpu.memory_space<vmem>> -> memref<512xi32, #tpu.memory_space<vmem>>
      tpu.wait_dma2 semaphore(%run_scoped3A_252 : memref<!tpu.dma_semaphore, #tpu.memory_space<semaphore_mem>>) src(%dma_wait3A_266 : memref<512xi32, #tpu.memory_space<vmem>>) dst(%dma_wait3A_263 : memref<512xi32, #tpu.memory_space<hbm>>)
      tpu.yield
    }) : () -> ()
    %mul3A_7 = arith.constant 25600 : i32
    %mul3A_8 = arith.muli %add3A, %mul3A_7 : i32
    %add3A_9 = arith.constant 512 : i32
    %add3A_10 = arith.addi %mul3A_8, %add3A_9 : i32
    %run_scoped3A_11 = arith.constant 1 : i32
    "tpu.region"() ({
      %run_scoped3A_252 = tpu.sem_alloc : memref<!tpu.dma_semaphore, #tpu.memory_space<semaphore_mem>>
      %dma_start3A = arith.constant 0 : i32
      %dma_start3A_253 = tpu.memref_slice %arg4[%run_scoped3A_11, %dma_start3A] : memref<50x512xi32, #tpu.memory_space<vmem>> -> memref<1x512xi32, #tpu.memory_space<vmem>>
      %dma_start3A_254 = tpu.memref_squeeze %dma_start3A_253 : memref<1x512xi32, #tpu.memory_space<vmem>> -> memref<512xi32, #tpu.memory_space<vmem>>
      %dma_start3A_255 = tpu.memref_slice %arg3[%add3A_10] : memref<819200xi32, #tpu.memory_space<hbm>> -> memref<512xi32, #tpu.memory_space<hbm>>
      %dma_start3A_256 = tpu.memref_slice %arg3[%add3A_10] : memref<819200xi32, #tpu.memory_space<hbm>> -> memref<512xi32, #tpu.memory_space<hbm>>
      %dma_start3A_257 = arith.constant 0 : i32
      %dma_start3A_258 = tpu.memref_slice %arg4[%run_scoped3A_11, %dma_start3A_257] : memref<50x512xi32, #tpu.memory_space<vmem>> -> memref<1x512xi32, #tpu.memory_space<vmem>>
      %dma_start3A_259 = tpu.memref_squeeze %dma_start3A_258 : memref<1x512xi32, #tpu.memory_space<vmem>> -> memref<512xi32, #tpu.memory_space<vmem>>
      tpu.enqueue_dma source(%dma_start3A_259 : memref<512xi32, #tpu.memory_space<vmem>>) target(%dma_start3A_256 : memref<512xi32, #tpu.memory_space<hbm>>) target_semaphore(%run_scoped3A_252 : memref<!tpu.dma_semaphore, #tpu.memory_space<semaphore_mem>>)
      %dma_wait3A = arith.constant 0 : i32
      %dma_wait3A_260 = tpu.memref_slice %arg4[%run_scoped3A_11, %dma_wait3A] : memref<50x512xi32, #tpu.memory_space<vmem>> -> memref<1x512xi32, #tpu.memory_space<vmem>>
      %dma_wait3A_261 = tpu.memref_squeeze %dma_wait3A_260 : memref<1x512xi32, #tpu.memory_space<vmem>> -> memref<512xi32, #tpu.memory_space<vmem>>
      %dma_wait3A_262 = tpu.memref_slice %arg3[%add3A_10] : memref<819200xi32, #tpu.memory_space<hbm>> -> memref<512xi32, #tpu.memory_space<hbm>>
      %dma_wait3A_263 = tpu.memref_slice %arg3[%add3A_10] : memref<819200xi32, #tpu.memory_space<hbm>> -> memref<512xi32, #tpu.memory_space<hbm>>
      %dma_wait3A_264 = arith.constant 0 : i32
      %dma_wait3A_265 = tpu.memref_slice %arg4[%run_scoped3A_11, %dma_wait3A_264] : memref<50x512xi32, #tpu.memory_space<vmem>> -> memref<1x512xi32, #tpu.memory_space<vmem>>
      %dma_wait3A_266 = tpu.memref_squeeze %dma_wait3A_265 : memref<1x512xi32, #tpu.memory_space<vmem>> -> memref<512xi32, #tpu.memory_space<vmem>>
      tpu.wait_dma2 semaphore(%run_scoped3A_252 : memref<!tpu.dma_semaphore, #tpu.memory_space<semaphore_mem>>) src(%dma_wait3A_266 : memref<512xi32, #tpu.memory_space<vmem>>) dst(%dma_wait3A_263 : memref<512xi32, #tpu.memory_space<hbm>>)
      tpu.yield
    }) : () -> ()
    %mul3A_12 = arith.constant 25600 : i32
    %mul3A_13 = arith.muli %add3A, %mul3A_12 : i32
    %add3A_14 = arith.constant 1024 : i32
    %add3A_15 = arith.addi %mul3A_13, %add3A_14 : i32
    %run_scoped3A_16 = arith.constant 2 : i32
    "tpu.region"() ({
      %run_scoped3A_252 = tpu.sem_alloc : memref<!tpu.dma_semaphore, #tpu.memory_space<semaphore_mem>>
      %dma_start3A = arith.constant 0 : i32
      %dma_start3A_253 = tpu.memref_slice %arg4[%run_scoped3A_16, %dma_start3A] : memref<50x512xi32, #tpu.memory_space<vmem>> -> memref<1x512xi32, #tpu.memory_space<vmem>>
      %dma_start3A_254 = tpu.memref_squeeze %dma_start3A_253 : memref<1x512xi32, #tpu.memory_space<vmem>> -> memref<512xi32, #tpu.memory_space<vmem>>
      %dma_start3A_255 = tpu.memref_slice %arg3[%add3A_15] : memref<819200xi32, #tpu.memory_space<hbm>> -> memref<512xi32, #tpu.memory_space<hbm>>
      %dma_start3A_256 = tpu.memref_slice %arg3[%add3A_15] : memref<819200xi32, #tpu.memory_space<hbm>> -> memref<512xi32, #tpu.memory_space<hbm>>
      %dma_start3A_257 = arith.constant 0 : i32
      %dma_start3A_258 = tpu.memref_slice %arg4[%run_scoped3A_16, %dma_start3A_257] : memref<50x512xi32, #tpu.memory_space<vmem>> -> memref<1x512xi32, #tpu.memory_space<vmem>>
      %dma_start3A_259 = tpu.memref_squeeze %dma_start3A_258 : memref<1x512xi32, #tpu.memory_space<vmem>> -> memref<512xi32, #tpu.memory_space<vmem>>
      tpu.enqueue_dma source(%dma_start3A_259 : memref<512xi32, #tpu.memory_space<vmem>>) target(%dma_start3A_256 : memref<512xi32, #tpu.memory_space<hbm>>) target_semaphore(%run_scoped3A_252 : memref<!tpu.dma_semaphore, #tpu.memory_space<semaphore_mem>>)
      %dma_wait3A = arith.constant 0 : i32
      %dma_wait3A_260 = tpu.memref_slice %arg4[%run_scoped3A_16, %dma_wait3A] : memref<50x512xi32, #tpu.memory_space<vmem>> -> memref<1x512xi32, #tpu.memory_space<vmem>>
      %dma_wait3A_261 = tpu.memref_squeeze %dma_wait3A_260 : memref<1x512xi32, #tpu.memory_space<vmem>> -> memref<512xi32, #tpu.memory_space<vmem>>
      %dma_wait3A_262 = tpu.memref_slice %arg3[%add3A_15] : memref<819200xi32, #tpu.memory_space<hbm>> -> memref<512xi32, #tpu.memory_space<hbm>>
      %dma_wait3A_263 = tpu.memref_slice %arg3[%add3A_15] : memref<819200xi32, #tpu.memory_space<hbm>> -> memref<512xi32, #tpu.memory_space<hbm>>
      %dma_wait3A_264 = arith.constant 0 : i32
      %dma_wait3A_265 = tpu.memref_slice %arg4[%run_scoped3A_16, %dma_wait3A_264] : memref<50x512xi32, #tpu.memory_space<vmem>> -> memref<1x512xi32, #tpu.memory_space<vmem>>
      %dma_wait3A_266 = tpu.memref_squeeze %dma_wait3A_265 : memref<1x512xi32, #tpu.memory_space<vmem>> -> memref<512xi32, #tpu.memory_space<vmem>>
      tpu.wait_dma2 semaphore(%run_scoped3A_252 : memref<!tpu.dma_semaphore, #tpu.memory_space<semaphore_mem>>) src(%dma_wait3A_266 : memref<512xi32, #tpu.memory_space<vmem>>) dst(%dma_wait3A_263 : memref<512xi32, #tpu.memory_space<hbm>>)
      tpu.yield
    }) : () -> ()
    %mul3A_17 = arith.constant 25600 : i32
    %mul3A_18 = arith.muli %add3A, %mul3A_17 : i32
    %add3A_19 = arith.constant 1536 : i32
    %add3A_20 = arith.addi %mul3A_18, %add3A_19 : i32
    %run_scoped3A_21 = arith.constant 3 : i32
    "tpu.region"() ({
      %run_scoped3A_252 = tpu.sem_alloc : memref<!tpu.dma_semaphore, #tpu.memory_space<semaphore_mem>>
      %dma_start3A = arith.constant 0 : i32
      %dma_start3A_253 = tpu.memref_slice %arg4[%run_scoped3A_21, %dma_start3A] : memref<50x512xi32, #tpu.memory_space<vmem>> -> memref<1x512xi32, #tpu.memory_space<vmem>>
      %dma_start3A_254 = tpu.memref_squeeze %dma_start3A_253 : memref<1x512xi32, #tpu.memory_space<vmem>> -> memref<512xi32, #tpu.memory_space<vmem>>
      %dma_start3A_255 = tpu.memref_slice %arg3[%add3A_20] : memref<819200xi32, #tpu.memory_space<hbm>> -> memref<512xi32, #tpu.memory_space<hbm>>
      %dma_start3A_256 = tpu.memref_slice %arg3[%add3A_20] : memref<819200xi32, #tpu.memory_space<hbm>> -> memref<512xi32, #tpu.memory_space<hbm>>
      %dma_start3A_257 = arith.constant 0 : i32
      %dma_start3A_258 = tpu.memref_slice %arg4[%run_scoped3A_21, %dma_start3A_257] : memref<50x512xi32, #tpu.memory_space<vmem>> -> memref<1x512xi32, #tpu.memory_space<vmem>>
      %dma_start3A_259 = tpu.memref_squeeze %dma_start3A_258 : memref<1x512xi32, #tpu.memory_space<vmem>> -> memref<512xi32, #tpu.memory_space<vmem>>
      tpu.enqueue_dma source(%dma_start3A_259 : memref<512xi32, #tpu.memory_space<vmem>>) target(%dma_start3A_256 : memref<512xi32, #tpu.memory_space<hbm>>) target_semaphore(%run_scoped3A_252 : memref<!tpu.dma_semaphore, #tpu.memory_space<semaphore_mem>>)
      %dma_wait3A = arith.constant 0 : i32
      %dma_wait3A_260 = tpu.memref_slice %arg4[%run_scoped3A_21, %dma_wait3A] : memref<50x512xi32, #tpu.memory_space<vmem>> -> memref<1x512xi32, #tpu.memory_space<vmem>>
      %dma_wait3A_261 = tpu.memref_squeeze %dma_wait3A_260 : memref<1x512xi32, #tpu.memory_space<vmem>> -> memref<512xi32, #tpu.memory_space<vmem>>
      %dma_wait3A_262 = tpu.memref_slice %arg3[%add3A_20] : memref<819200xi32, #tpu.memory_space<hbm>> -> memref<512xi32, #tpu.memory_space<hbm>>
      %dma_wait3A_263 = tpu.memref_slice %arg3[%add3A_20] : memref<819200xi32, #tpu.memory_space<hbm>> -> memref<512xi32, #tpu.memory_space<hbm>>
      %dma_wait3A_264 = arith.constant 0 : i32
      %dma_wait3A_265 = tpu.memref_slice %arg4[%run_scoped3A_21, %dma_wait3A_264] : memref<50x512xi32, #tpu.memory_space<vmem>> -> memref<1x512xi32, #tpu.memory_space<vmem>>
      %dma_wait3A_266 = tpu.memref_squeeze %dma_wait3A_265 : memref<1x512xi32, #tpu.memory_space<vmem>> -> memref<512xi32, #tpu.memory_space<vmem>>
      tpu.wait_dma2 semaphore(%run_scoped3A_252 : memref<!tpu.dma_semaphore, #tpu.memory_space<semaphore_mem>>) src(%dma_wait3A_266 : memref<512xi32, #tpu.memory_space<vmem>>) dst(%dma_wait3A_263 : memref<512xi32, #tpu.memory_space<hbm>>)
      tpu.yield
    }) : () -> ()
    %mul3A_22 = arith.constant 25600 : i32
    %mul3A_23 = arith.muli %add3A, %mul3A_22 : i32
    %add3A_24 = arith.constant 2048 : i32
    %add3A_25 = arith.addi %mul3A_23, %add3A_24 : i32
    %run_scoped3A_26 = arith.constant 4 : i32
    "tpu.region"() ({
      %run_scoped3A_252 = tpu.sem_alloc : memref<!tpu.dma_semaphore, #tpu.memory_space<semaphore_mem>>
      %dma_start3A = arith.constant 0 : i32
      %dma_start3A_253 = tpu.memref_slice %arg4[%run_scoped3A_26, %dma_start3A] : memref<50x512xi32, #tpu.memory_space<vmem>> -> memref<1x512xi32, #tpu.memory_space<vmem>>
      %dma_start3A_254 = tpu.memref_squeeze %dma_start3A_253 : memref<1x512xi32, #tpu.memory_space<vmem>> -> memref<512xi32, #tpu.memory_space<vmem>>
      %dma_start3A_255 = tpu.memref_slice %arg3[%add3A_25] : memref<819200xi32, #tpu.memory_space<hbm>> -> memref<512xi32, #tpu.memory_space<hbm>>
      %dma_start3A_256 = tpu.memref_slice %arg3[%add3A_25] : memref<819200xi32, #tpu.memory_space<hbm>> -> memref<512xi32, #tpu.memory_space<hbm>>
      %dma_start3A_257 = arith.constant 0 : i32
      %dma_start3A_258 = tpu.memref_slice %arg4[%run_scoped3A_26, %dma_start3A_257] : memref<50x512xi32, #tpu.memory_space<vmem>> -> memref<1x512xi32, #tpu.memory_space<vmem>>
      %dma_start3A_259 = tpu.memref_squeeze %dma_start3A_258 : memref<1x512xi32, #tpu.memory_space<vmem>> -> memref<512xi32, #tpu.memory_space<vmem>>
      tpu.enqueue_dma source(%dma_start3A_259 : memref<512xi32, #tpu.memory_space<vmem>>) target(%dma_start3A_256 : memref<512xi32, #tpu.memory_space<hbm>>) target_semaphore(%run_scoped3A_252 : memref<!tpu.dma_semaphore, #tpu.memory_space<semaphore_mem>>)
      %dma_wait3A = arith.constant 0 : i32
      %dma_wait3A_260 = tpu.memref_slice %arg4[%run_scoped3A_26, %dma_wait3A] : memref<50x512xi32, #tpu.memory_space<vmem>> -> memref<1x512xi32, #tpu.memory_space<vmem>>
      %dma_wait3A_261 = tpu.memref_squeeze %dma_wait3A_260 : memref<1x512xi32, #tpu.memory_space<vmem>> -> memref<512xi32, #tpu.memory_space<vmem>>
      %dma_wait3A_262 = tpu.memref_slice %arg3[%add3A_25] : memref<819200xi32, #tpu.memory_space<hbm>> -> memref<512xi32, #tpu.memory_space<hbm>>
      %dma_wait3A_263 = tpu.memref_slice %arg3[%add3A_25] : memref<819200xi32, #tpu.memory_space<hbm>> -> memref<512xi32, #tpu.memory_space<hbm>>
      %dma_wait3A_264 = arith.constant 0 : i32
      %dma_wait3A_265 = tpu.memref_slice %arg4[%run_scoped3A_26, %dma_wait3A_264] : memref<50x512xi32, #tpu.memory_space<vmem>> -> memref<1x512xi32, #tpu.memory_space<vmem>>
      %dma_wait3A_266 = tpu.memref_squeeze %dma_wait3A_265 : memref<1x512xi32, #tpu.memory_space<vmem>> -> memref<512xi32, #tpu.memory_space<vmem>>
      tpu.wait_dma2 semaphore(%run_scoped3A_252 : memref<!tpu.dma_semaphore, #tpu.memory_space<semaphore_mem>>) src(%dma_wait3A_266 : memref<512xi32, #tpu.memory_space<vmem>>) dst(%dma_wait3A_263 : memref<512xi32, #tpu.memory_space<hbm>>)
      tpu.yield
    }) : () -> ()
    %mul3A_27 = arith.constant 25600 : i32
    %mul3A_28 = arith.muli %add3A, %mul3A_27 : i32
    %add3A_29 = arith.constant 2560 : i32
    %add3A_30 = arith.addi %mul3A_28, %add3A_29 : i32
    %run_scoped3A_31 = arith.constant 5 : i32
    "tpu.region"() ({
      %run_scoped3A_252 = tpu.sem_alloc : memref<!tpu.dma_semaphore, #tpu.memory_space<semaphore_mem>>
      %dma_start3A = arith.constant 0 : i32
      %dma_start3A_253 = tpu.memref_slice %arg4[%run_scoped3A_31, %dma_start3A] : memref<50x512xi32, #tpu.memory_space<vmem>> -> memref<1x512xi32, #tpu.memory_space<vmem>>
      %dma_start3A_254 = tpu.memref_squeeze %dma_start3A_253 : memref<1x512xi32, #tpu.memory_space<vmem>> -> memref<512xi32, #tpu.memory_space<vmem>>
      %dma_start3A_255 = tpu.memref_slice %arg3[%add3A_30] : memref<819200xi32, #tpu.memory_space<hbm>> -> memref<512xi32, #tpu.memory_space<hbm>>
      %dma_start3A_256 = tpu.memref_slice %arg3[%add3A_30] : memref<819200xi32, #tpu.memory_space<hbm>> -> memref<512xi32, #tpu.memory_space<hbm>>
      %dma_start3A_257 = arith.constant 0 : i32
      %dma_start3A_258 = tpu.memref_slice %arg4[%run_scoped3A_31, %dma_start3A_257] : memref<50x512xi32, #tpu.memory_space<vmem>> -> memref<1x512xi32, #tpu.memory_space<vmem>>
      %dma_start3A_259 = tpu.memref_squeeze %dma_start3A_258 : memref<1x512xi32, #tpu.memory_space<vmem>> -> memref<512xi32, #tpu.memory_space<vmem>>
      tpu.enqueue_dma source(%dma_start3A_259 : memref<512xi32, #tpu.memory_space<vmem>>) target(%dma_start3A_256 : memref<512xi32, #tpu.memory_space<hbm>>) target_semaphore(%run_scoped3A_252 : memref<!tpu.dma_semaphore, #tpu.memory_space<semaphore_mem>>)
      %dma_wait3A = arith.constant 0 : i32
      %dma_wait3A_260 = tpu.memref_slice %arg4[%run_scoped3A_31, %dma_wait3A] : memref<50x512xi32, #tpu.memory_space<vmem>> -> memref<1x512xi32, #tpu.memory_space<vmem>>
      %dma_wait3A_261 = tpu.memref_squeeze %dma_wait3A_260 : memref<1x512xi32, #tpu.memory_space<vmem>> -> memref<512xi32, #tpu.memory_space<vmem>>
      %dma_wait3A_262 = tpu.memref_slice %arg3[%add3A_30] : memref<819200xi32, #tpu.memory_space<hbm>> -> memref<512xi32, #tpu.memory_space<hbm>>
      %dma_wait3A_263 = tpu.memref_slice %arg3[%add3A_30] : memref<819200xi32, #tpu.memory_space<hbm>> -> memref<512xi32, #tpu.memory_space<hbm>>
      %dma_wait3A_264 = arith.constant 0 : i32
      %dma_wait3A_265 = tpu.memref_slice %arg4[%run_scoped3A_31, %dma_wait3A_264] : memref<50x512xi32, #tpu.memory_space<vmem>> -> memref<1x512xi32, #tpu.memory_space<vmem>>
      %dma_wait3A_266 = tpu.memref_squeeze %dma_wait3A_265 : memref<1x512xi32, #tpu.memory_space<vmem>> -> memref<512xi32, #tpu.memory_space<vmem>>
      tpu.wait_dma2 semaphore(%run_scoped3A_252 : memref<!tpu.dma_semaphore, #tpu.memory_space<semaphore_mem>>) src(%dma_wait3A_266 : memref<512xi32, #tpu.memory_space<vmem>>) dst(%dma_wait3A_263 : memref<512xi32, #tpu.memory_space<hbm>>)
      tpu.yield
    }) : () -> ()
    %mul3A_32 = arith.constant 25600 : i32
    %mul3A_33 = arith.muli %add3A, %mul3A_32 : i32
    %add3A_34 = arith.constant 3072 : i32
    %add3A_35 = arith.addi %mul3A_33, %add3A_34 : i32
    %run_scoped3A_36 = arith.constant 6 : i32
    "tpu.region"() ({
      %run_scoped3A_252 = tpu.sem_alloc : memref<!tpu.dma_semaphore, #tpu.memory_space<semaphore_mem>>
      %dma_start3A = arith.constant 0 : i32
      %dma_start3A_253 = tpu.memref_slice %arg4[%run_scoped3A_36, %dma_start3A] : memref<50x512xi32, #tpu.memory_space<vmem>> -> memref<1x512xi32, #tpu.memory_space<vmem>>
      %dma_start3A_254 = tpu.memref_squeeze %dma_start3A_253 : memref<1x512xi32, #tpu.memory_space<vmem>> -> memref<512xi32, #tpu.memory_space<vmem>>
      %dma_start3A_255 = tpu.memref_slice %arg3[%add3A_35] : memref<819200xi32, #tpu.memory_space<hbm>> -> memref<512xi32, #tpu.memory_space<hbm>>
      %dma_start3A_256 = tpu.memref_slice %arg3[%add3A_35] : memref<819200xi32, #tpu.memory_space<hbm>> -> memref<512xi32, #tpu.memory_space<hbm>>
      %dma_start3A_257 = arith.constant 0 : i32
      %dma_start3A_258 = tpu.memref_slice %arg4[%run_scoped3A_36, %dma_start3A_257] : memref<50x512xi32, #tpu.memory_space<vmem>> -> memref<1x512xi32, #tpu.memory_space<vmem>>
      %dma_start3A_259 = tpu.memref_squeeze %dma_start3A_258 : memref<1x512xi32, #tpu.memory_space<vmem>> -> memref<512xi32, #tpu.memory_space<vmem>>
      tpu.enqueue_dma source(%dma_start3A_259 : memref<512xi32, #tpu.memory_space<vmem>>) target(%dma_start3A_256 : memref<512xi32, #tpu.memory_space<hbm>>) target_semaphore(%run_scoped3A_252 : memref<!tpu.dma_semaphore, #tpu.memory_space<semaphore_mem>>)
      %dma_wait3A = arith.constant 0 : i32
      %dma_wait3A_260 = tpu.memref_slice %arg4[%run_scoped3A_36, %dma_wait3A] : memref<50x512xi32, #tpu.memory_space<vmem>> -> memref<1x512xi32, #tpu.memory_space<vmem>>
      %dma_wait3A_261 = tpu.memref_squeeze %dma_wait3A_260 : memref<1x512xi32, #tpu.memory_space<vmem>> -> memref<512xi32, #tpu.memory_space<vmem>>
      %dma_wait3A_262 = tpu.memref_slice %arg3[%add3A_35] : memref<819200xi32, #tpu.memory_space<hbm>> -> memref<512xi32, #tpu.memory_space<hbm>>
      %dma_wait3A_263 = tpu.memref_slice %arg3[%add3A_35] : memref<819200xi32, #tpu.memory_space<hbm>> -> memref<512xi32, #tpu.memory_space<hbm>>
      %dma_wait3A_264 = arith.constant 0 : i32
      %dma_wait3A_265 = tpu.memref_slice %arg4[%run_scoped3A_36, %dma_wait3A_264] : memref<50x512xi32, #tpu.memory_space<vmem>> -> memref<1x512xi32, #tpu.memory_space<vmem>>
      %dma_wait3A_266 = tpu.memref_squeeze %dma_wait3A_265 : memref<1x512xi32, #tpu.memory_space<vmem>> -> memref<512xi32, #tpu.memory_space<vmem>>
      tpu.wait_dma2 semaphore(%run_scoped3A_252 : memref<!tpu.dma_semaphore, #tpu.memory_space<semaphore_mem>>) src(%dma_wait3A_266 : memref<512xi32, #tpu.memory_space<vmem>>) dst(%dma_wait3A_263 : memref<512xi32, #tpu.memory_space<hbm>>)
      tpu.yield
    }) : () -> ()
    %mul3A_37 = arith.constant 25600 : i32
    %mul3A_38 = arith.muli %add3A, %mul3A_37 : i32
    %add3A_39 = arith.constant 3584 : i32
    %add3A_40 = arith.addi %mul3A_38, %add3A_39 : i32
    %run_scoped3A_41 = arith.constant 7 : i32
    "tpu.region"() ({
      %run_scoped3A_252 = tpu.sem_alloc : memref<!tpu.dma_semaphore, #tpu.memory_space<semaphore_mem>>
      %dma_start3A = arith.constant 0 : i32
      %dma_start3A_253 = tpu.memref_slice %arg4[%run_scoped3A_41, %dma_start3A] : memref<50x512xi32, #tpu.memory_space<vmem>> -> memref<1x512xi32, #tpu.memory_space<vmem>>
      %dma_start3A_254 = tpu.memref_squeeze %dma_start3A_253 : memref<1x512xi32, #tpu.memory_space<vmem>> -> memref<512xi32, #tpu.memory_space<vmem>>
      %dma_start3A_255 = tpu.memref_slice %arg3[%add3A_40] : memref<819200xi32, #tpu.memory_space<hbm>> -> memref<512xi32, #tpu.memory_space<hbm>>
      %dma_start3A_256 = tpu.memref_slice %arg3[%add3A_40] : memref<819200xi32, #tpu.memory_space<hbm>> -> memref<512xi32, #tpu.memory_space<hbm>>
      %dma_start3A_257 = arith.constant 0 : i32
      %dma_start3A_258 = tpu.memref_slice %arg4[%run_scoped3A_41, %dma_start3A_257] : memref<50x512xi32, #tpu.memory_space<vmem>> -> memref<1x512xi32, #tpu.memory_space<vmem>>
      %dma_start3A_259 = tpu.memref_squeeze %dma_start3A_258 : memref<1x512xi32, #tpu.memory_space<vmem>> -> memref<512xi32, #tpu.memory_space<vmem>>
      tpu.enqueue_dma source(%dma_start3A_259 : memref<512xi32, #tpu.memory_space<vmem>>) target(%dma_start3A_256 : memref<512xi32, #tpu.memory_space<hbm>>) target_semaphore(%run_scoped3A_252 : memref<!tpu.dma_semaphore, #tpu.memory_space<semaphore_mem>>)
      %dma_wait3A = arith.constant 0 : i32
      %dma_wait3A_260 = tpu.memref_slice %arg4[%run_scoped3A_41, %dma_wait3A] : memref<50x512xi32, #tpu.memory_space<vmem>> -> memref<1x512xi32, #tpu.memory_space<vmem>>
      %dma_wait3A_261 = tpu.memref_squeeze %dma_wait3A_260 : memref<1x512xi32, #tpu.memory_space<vmem>> -> memref<512xi32, #tpu.memory_space<vmem>>
      %dma_wait3A_262 = tpu.memref_slice %arg3[%add3A_40] : memref<819200xi32, #tpu.memory_space<hbm>> -> memref<512xi32, #tpu.memory_space<hbm>>
      %dma_wait3A_263 = tpu.memref_slice %arg3[%add3A_40] : memref<819200xi32, #tpu.memory_space<hbm>> -> memref<512xi32, #tpu.memory_space<hbm>>
      %dma_wait3A_264 = arith.constant 0 : i32
      %dma_wait3A_265 = tpu.memref_slice %arg4[%run_scoped3A_41, %dma_wait3A_264] : memref<50x512xi32, #tpu.memory_space<vmem>> -> memref<1x512xi32, #tpu.memory_space<vmem>>
      %dma_wait3A_266 = tpu.memref_squeeze %dma_wait3A_265 : memref<1x512xi32, #tpu.memory_space<vmem>> -> memref<512xi32, #tpu.memory_space<vmem>>
      tpu.wait_dma2 semaphore(%run_scoped3A_252 : memref<!tpu.dma_semaphore, #tpu.memory_space<semaphore_mem>>) src(%dma_wait3A_266 : memref<512xi32, #tpu.memory_space<vmem>>) dst(%dma_wait3A_263 : memref<512xi32, #tpu.memory_space<hbm>>)
      tpu.yield
    }) : () -> ()
    %mul3A_42 = arith.constant 25600 : i32
    %mul3A_43 = arith.muli %add3A, %mul3A_42 : i32
    %add3A_44 = arith.constant 4096 : i32
    %add3A_45 = arith.addi %mul3A_43, %add3A_44 : i32
    %run_scoped3A_46 = arith.constant 8 : i32
    "tpu.region"() ({
      %run_scoped3A_252 = tpu.sem_alloc : memref<!tpu.dma_semaphore, #tpu.memory_space<semaphore_mem>>
      %dma_start3A = arith.constant 0 : i32
      %dma_start3A_253 = tpu.memref_slice %arg4[%run_scoped3A_46, %dma_start3A] : memref<50x512xi32, #tpu.memory_space<vmem>> -> memref<1x512xi32, #tpu.memory_space<vmem>>
      %dma_start3A_254 = tpu.memref_squeeze %dma_start3A_253 : memref<1x512xi32, #tpu.memory_space<vmem>> -> memref<512xi32, #tpu.memory_space<vmem>>
      %dma_start3A_255 = tpu.memref_slice %arg3[%add3A_45] : memref<819200xi32, #tpu.memory_space<hbm>> -> memref<512xi32, #tpu.memory_space<hbm>>
      %dma_start3A_256 = tpu.memref_slice %arg3[%add3A_45] : memref<819200xi32, #tpu.memory_space<hbm>> -> memref<512xi32, #tpu.memory_space<hbm>>
      %dma_start3A_257 = arith.constant 0 : i32
      %dma_start3A_258 = tpu.memref_slice %arg4[%run_scoped3A_46, %dma_start3A_257] : memref<50x512xi32, #tpu.memory_space<vmem>> -> memref<1x512xi32, #tpu.memory_space<vmem>>
      %dma_start3A_259 = tpu.memref_squeeze %dma_start3A_258 : memref<1x512xi32, #tpu.memory_space<vmem>> -> memref<512xi32, #tpu.memory_space<vmem>>
      tpu.enqueue_dma source(%dma_start3A_259 : memref<512xi32, #tpu.memory_space<vmem>>) target(%dma_start3A_256 : memref<512xi32, #tpu.memory_space<hbm>>) target_semaphore(%run_scoped3A_252 : memref<!tpu.dma_semaphore, #tpu.memory_space<semaphore_mem>>)
      %dma_wait3A = arith.constant 0 : i32
      %dma_wait3A_260 = tpu.memref_slice %arg4[%run_scoped3A_46, %dma_wait3A] : memref<50x512xi32, #tpu.memory_space<vmem>> -> memref<1x512xi32, #tpu.memory_space<vmem>>
      %dma_wait3A_261 = tpu.memref_squeeze %dma_wait3A_260 : memref<1x512xi32, #tpu.memory_space<vmem>> -> memref<512xi32, #tpu.memory_space<vmem>>
      %dma_wait3A_262 = tpu.memref_slice %arg3[%add3A_45] : memref<819200xi32, #tpu.memory_space<hbm>> -> memref<512xi32, #tpu.memory_space<hbm>>
      %dma_wait3A_263 = tpu.memref_slice %arg3[%add3A_45] : memref<819200xi32, #tpu.memory_space<hbm>> -> memref<512xi32, #tpu.memory_space<hbm>>
      %dma_wait3A_264 = arith.constant 0 : i32
      %dma_wait3A_265 = tpu.memref_slice %arg4[%run_scoped3A_46, %dma_wait3A_264] : memref<50x512xi32, #tpu.memory_space<vmem>> -> memref<1x512xi32, #tpu.memory_space<vmem>>
      %dma_wait3A_266 = tpu.memref_squeeze %dma_wait3A_265 : memref<1x512xi32, #tpu.memory_space<vmem>> -> memref<512xi32, #tpu.memory_space<vmem>>
      tpu.wait_dma2 semaphore(%run_scoped3A_252 : memref<!tpu.dma_semaphore, #tpu.memory_space<semaphore_mem>>) src(%dma_wait3A_266 : memref<512xi32, #tpu.memory_space<vmem>>) dst(%dma_wait3A_263 : memref<512xi32, #tpu.memory_space<hbm>>)
      tpu.yield
    }) : () -> ()
    %mul3A_47 = arith.constant 25600 : i32
    %mul3A_48 = arith.muli %add3A, %mul3A_47 : i32
    %add3A_49 = arith.constant 4608 : i32
    %add3A_50 = arith.addi %mul3A_48, %add3A_49 : i32
    %run_scoped3A_51 = arith.constant 9 : i32
    "tpu.region"() ({
      %run_scoped3A_252 = tpu.sem_alloc : memref<!tpu.dma_semaphore, #tpu.memory_space<semaphore_mem>>
      %dma_start3A = arith.constant 0 : i32
      %dma_start3A_253 = tpu.memref_slice %arg4[%run_scoped3A_51, %dma_start3A] : memref<50x512xi32, #tpu.memory_space<vmem>> -> memref<1x512xi32, #tpu.memory_space<vmem>>
      %dma_start3A_254 = tpu.memref_squeeze %dma_start3A_253 : memref<1x512xi32, #tpu.memory_space<vmem>> -> memref<512xi32, #tpu.memory_space<vmem>>
      %dma_start3A_255 = tpu.memref_slice %arg3[%add3A_50] : memref<819200xi32, #tpu.memory_space<hbm>> -> memref<512xi32, #tpu.memory_space<hbm>>
      %dma_start3A_256 = tpu.memref_slice %arg3[%add3A_50] : memref<819200xi32, #tpu.memory_space<hbm>> -> memref<512xi32, #tpu.memory_space<hbm>>
      %dma_start3A_257 = arith.constant 0 : i32
      %dma_start3A_258 = tpu.memref_slice %arg4[%run_scoped3A_51, %dma_start3A_257] : memref<50x512xi32, #tpu.memory_space<vmem>> -> memref<1x512xi32, #tpu.memory_space<vmem>>
      %dma_start3A_259 = tpu.memref_squeeze %dma_start3A_258 : memref<1x512xi32, #tpu.memory_space<vmem>> -> memref<512xi32, #tpu.memory_space<vmem>>
      tpu.enqueue_dma source(%dma_start3A_259 : memref<512xi32, #tpu.memory_space<vmem>>) target(%dma_start3A_256 : memref<512xi32, #tpu.memory_space<hbm>>) target_semaphore(%run_scoped3A_252 : memref<!tpu.dma_semaphore, #tpu.memory_space<semaphore_mem>>)
      %dma_wait3A = arith.constant 0 : i32
      %dma_wait3A_260 = tpu.memref_slice %arg4[%run_scoped3A_51, %dma_wait3A] : memref<50x512xi32, #tpu.memory_space<vmem>> -> memref<1x512xi32, #tpu.memory_space<vmem>>
      %dma_wait3A_261 = tpu.memref_squeeze %dma_wait3A_260 : memref<1x512xi32, #tpu.memory_space<vmem>> -> memref<512xi32, #tpu.memory_space<vmem>>
      %dma_wait3A_262 = tpu.memref_slice %arg3[%add3A_50] : memref<819200xi32, #tpu.memory_space<hbm>> -> memref<512xi32, #tpu.memory_space<hbm>>
      %dma_wait3A_263 = tpu.memref_slice %arg3[%add3A_50] : memref<819200xi32, #tpu.memory_space<hbm>> -> memref<512xi32, #tpu.memory_space<hbm>>
      %dma_wait3A_264 = arith.constant 0 : i32
      %dma_wait3A_265 = tpu.memref_slice %arg4[%run_scoped3A_51, %dma_wait3A_264] : memref<50x512xi32, #tpu.memory_space<vmem>> -> memref<1x512xi32, #tpu.memory_space<vmem>>
      %dma_wait3A_266 = tpu.memref_squeeze %dma_wait3A_265 : memref<1x512xi32, #tpu.memory_space<vmem>> -> memref<512xi32, #tpu.memory_space<vmem>>
      tpu.wait_dma2 semaphore(%run_scoped3A_252 : memref<!tpu.dma_semaphore, #tpu.memory_space<semaphore_mem>>) src(%dma_wait3A_266 : memref<512xi32, #tpu.memory_space<vmem>>) dst(%dma_wait3A_263 : memref<512xi32, #tpu.memory_space<hbm>>)
      tpu.yield
    }) : () -> ()
    %mul3A_52 = arith.constant 25600 : i32
    %mul3A_53 = arith.muli %add3A, %mul3A_52 : i32
    %add3A_54 = arith.constant 5120 : i32
    %add3A_55 = arith.addi %mul3A_53, %add3A_54 : i32
    %run_scoped3A_56 = arith.constant 10 : i32
    "tpu.region"() ({
      %run_scoped3A_252 = tpu.sem_alloc : memref<!tpu.dma_semaphore, #tpu.memory_space<semaphore_mem>>
      %dma_start3A = arith.constant 0 : i32
      %dma_start3A_253 = tpu.memref_slice %arg4[%run_scoped3A_56, %dma_start3A] : memref<50x512xi32, #tpu.memory_space<vmem>> -> memref<1x512xi32, #tpu.memory_space<vmem>>
      %dma_start3A_254 = tpu.memref_squeeze %dma_start3A_253 : memref<1x512xi32, #tpu.memory_space<vmem>> -> memref<512xi32, #tpu.memory_space<vmem>>
      %dma_start3A_255 = tpu.memref_slice %arg3[%add3A_55] : memref<819200xi32, #tpu.memory_space<hbm>> -> memref<512xi32, #tpu.memory_space<hbm>>
      %dma_start3A_256 = tpu.memref_slice %arg3[%add3A_55] : memref<819200xi32, #tpu.memory_space<hbm>> -> memref<512xi32, #tpu.memory_space<hbm>>
      %dma_start3A_257 = arith.constant 0 : i32
      %dma_start3A_258 = tpu.memref_slice %arg4[%run_scoped3A_56, %dma_start3A_257] : memref<50x512xi32, #tpu.memory_space<vmem>> -> memref<1x512xi32, #tpu.memory_space<vmem>>
      %dma_start3A_259 = tpu.memref_squeeze %dma_start3A_258 : memref<1x512xi32, #tpu.memory_space<vmem>> -> memref<512xi32, #tpu.memory_space<vmem>>
      tpu.enqueue_dma source(%dma_start3A_259 : memref<512xi32, #tpu.memory_space<vmem>>) target(%dma_start3A_256 : memref<512xi32, #tpu.memory_space<hbm>>) target_semaphore(%run_scoped3A_252 : memref<!tpu.dma_semaphore, #tpu.memory_space<semaphore_mem>>)
      %dma_wait3A = arith.constant 0 : i32
      %dma_wait3A_260 = tpu.memref_slice %arg4[%run_scoped3A_56, %dma_wait3A] : memref<50x512xi32, #tpu.memory_space<vmem>> -> memref<1x512xi32, #tpu.memory_space<vmem>>
      %dma_wait3A_261 = tpu.memref_squeeze %dma_wait3A_260 : memref<1x512xi32, #tpu.memory_space<vmem>> -> memref<512xi32, #tpu.memory_space<vmem>>
      %dma_wait3A_262 = tpu.memref_slice %arg3[%add3A_55] : memref<819200xi32, #tpu.memory_space<hbm>> -> memref<512xi32, #tpu.memory_space<hbm>>
      %dma_wait3A_263 = tpu.memref_slice %arg3[%add3A_55] : memref<819200xi32, #tpu.memory_space<hbm>> -> memref<512xi32, #tpu.memory_space<hbm>>
      %dma_wait3A_264 = arith.constant 0 : i32
      %dma_wait3A_265 = tpu.memref_slice %arg4[%run_scoped3A_56, %dma_wait3A_264] : memref<50x512xi32, #tpu.memory_space<vmem>> -> memref<1x512xi32, #tpu.memory_space<vmem>>
      %dma_wait3A_266 = tpu.memref_squeeze %dma_wait3A_265 : memref<1x512xi32, #tpu.memory_space<vmem>> -> memref<512xi32, #tpu.memory_space<vmem>>
      tpu.wait_dma2 semaphore(%run_scoped3A_252 : memref<!tpu.dma_semaphore, #tpu.memory_space<semaphore_mem>>) src(%dma_wait3A_266 : memref<512xi32, #tpu.memory_space<vmem>>) dst(%dma_wait3A_263 : memref<512xi32, #tpu.memory_space<hbm>>)
      tpu.yield
    }) : () -> ()
    %mul3A_57 = arith.constant 25600 : i32
    %mul3A_58 = arith.muli %add3A, %mul3A_57 : i32
    %add3A_59 = arith.constant 5632 : i32
    %add3A_60 = arith.addi %mul3A_58, %add3A_59 : i32
    %run_scoped3A_61 = arith.constant 11 : i32
    "tpu.region"() ({
      %run_scoped3A_252 = tpu.sem_alloc : memref<!tpu.dma_semaphore, #tpu.memory_space<semaphore_mem>>
      %dma_start3A = arith.constant 0 : i32
      %dma_start3A_253 = tpu.memref_slice %arg4[%run_scoped3A_61, %dma_start3A] : memref<50x512xi32, #tpu.memory_space<vmem>> -> memref<1x512xi32, #tpu.memory_space<vmem>>
      %dma_start3A_254 = tpu.memref_squeeze %dma_start3A_253 : memref<1x512xi32, #tpu.memory_space<vmem>> -> memref<512xi32, #tpu.memory_space<vmem>>
      %dma_start3A_255 = tpu.memref_slice %arg3[%add3A_60] : memref<819200xi32, #tpu.memory_space<hbm>> -> memref<512xi32, #tpu.memory_space<hbm>>
      %dma_start3A_256 = tpu.memref_slice %arg3[%add3A_60] : memref<819200xi32, #tpu.memory_space<hbm>> -> memref<512xi32, #tpu.memory_space<hbm>>
      %dma_start3A_257 = arith.constant 0 : i32
      %dma_start3A_258 = tpu.memref_slice %arg4[%run_scoped3A_61, %dma_start3A_257] : memref<50x512xi32, #tpu.memory_space<vmem>> -> memref<1x512xi32, #tpu.memory_space<vmem>>
      %dma_start3A_259 = tpu.memref_squeeze %dma_start3A_258 : memref<1x512xi32, #tpu.memory_space<vmem>> -> memref<512xi32, #tpu.memory_space<vmem>>
      tpu.enqueue_dma source(%dma_start3A_259 : memref<512xi32, #tpu.memory_space<vmem>>) target(%dma_start3A_256 : memref<512xi32, #tpu.memory_space<hbm>>) target_semaphore(%run_scoped3A_252 : memref<!tpu.dma_semaphore, #tpu.memory_space<semaphore_mem>>)
      %dma_wait3A = arith.constant 0 : i32
      %dma_wait3A_260 = tpu.memref_slice %arg4[%run_scoped3A_61, %dma_wait3A] : memref<50x512xi32, #tpu.memory_space<vmem>> -> memref<1x512xi32, #tpu.memory_space<vmem>>
      %dma_wait3A_261 = tpu.memref_squeeze %dma_wait3A_260 : memref<1x512xi32, #tpu.memory_space<vmem>> -> memref<512xi32, #tpu.memory_space<vmem>>
      %dma_wait3A_262 = tpu.memref_slice %arg3[%add3A_60] : memref<819200xi32, #tpu.memory_space<hbm>> -> memref<512xi32, #tpu.memory_space<hbm>>
      %dma_wait3A_263 = tpu.memref_slice %arg3[%add3A_60] : memref<819200xi32, #tpu.memory_space<hbm>> -> memref<512xi32, #tpu.memory_space<hbm>>
      %dma_wait3A_264 = arith.constant 0 : i32
      %dma_wait3A_265 = tpu.memref_slice %arg4[%run_scoped3A_61, %dma_wait3A_264] : memref<50x512xi32, #tpu.memory_space<vmem>> -> memref<1x512xi32, #tpu.memory_space<vmem>>
      %dma_wait3A_266 = tpu.memref_squeeze %dma_wait3A_265 : memref<1x512xi32, #tpu.memory_space<vmem>> -> memref<512xi32, #tpu.memory_space<vmem>>
      tpu.wait_dma2 semaphore(%run_scoped3A_252 : memref<!tpu.dma_semaphore, #tpu.memory_space<semaphore_mem>>) src(%dma_wait3A_266 : memref<512xi32, #tpu.memory_space<vmem>>) dst(%dma_wait3A_263 : memref<512xi32, #tpu.memory_space<hbm>>)
      tpu.yield
    }) : () -> ()
    %mul3A_62 = arith.constant 25600 : i32
    %mul3A_63 = arith.muli %add3A, %mul3A_62 : i32
    %add3A_64 = arith.constant 6144 : i32
    %add3A_65 = arith.addi %mul3A_63, %add3A_64 : i32
    %run_scoped3A_66 = arith.constant 12 : i32
    "tpu.region"() ({
      %run_scoped3A_252 = tpu.sem_alloc : memref<!tpu.dma_semaphore, #tpu.memory_space<semaphore_mem>>
      %dma_start3A = arith.constant 0 : i32
      %dma_start3A_253 = tpu.memref_slice %arg4[%run_scoped3A_66, %dma_start3A] : memref<50x512xi32, #tpu.memory_space<vmem>> -> memref<1x512xi32, #tpu.memory_space<vmem>>
      %dma_start3A_254 = tpu.memref_squeeze %dma_start3A_253 : memref<1x512xi32, #tpu.memory_space<vmem>> -> memref<512xi32, #tpu.memory_space<vmem>>
      %dma_start3A_255 = tpu.memref_slice %arg3[%add3A_65] : memref<819200xi32, #tpu.memory_space<hbm>> -> memref<512xi32, #tpu.memory_space<hbm>>
      %dma_start3A_256 = tpu.memref_slice %arg3[%add3A_65] : memref<819200xi32, #tpu.memory_space<hbm>> -> memref<512xi32, #tpu.memory_space<hbm>>
      %dma_start3A_257 = arith.constant 0 : i32
      %dma_start3A_258 = tpu.memref_slice %arg4[%run_scoped3A_66, %dma_start3A_257] : memref<50x512xi32, #tpu.memory_space<vmem>> -> memref<1x512xi32, #tpu.memory_space<vmem>>
      %dma_start3A_259 = tpu.memref_squeeze %dma_start3A_258 : memref<1x512xi32, #tpu.memory_space<vmem>> -> memref<512xi32, #tpu.memory_space<vmem>>
      tpu.enqueue_dma source(%dma_start3A_259 : memref<512xi32, #tpu.memory_space<vmem>>) target(%dma_start3A_256 : memref<512xi32, #tpu.memory_space<hbm>>) target_semaphore(%run_scoped3A_252 : memref<!tpu.dma_semaphore, #tpu.memory_space<semaphore_mem>>)
      %dma_wait3A = arith.constant 0 : i32
      %dma_wait3A_260 = tpu.memref_slice %arg4[%run_scoped3A_66, %dma_wait3A] : memref<50x512xi32, #tpu.memory_space<vmem>> -> memref<1x512xi32, #tpu.memory_space<vmem>>
      %dma_wait3A_261 = tpu.memref_squeeze %dma_wait3A_260 : memref<1x512xi32, #tpu.memory_space<vmem>> -> memref<512xi32, #tpu.memory_space<vmem>>
      %dma_wait3A_262 = tpu.memref_slice %arg3[%add3A_65] : memref<819200xi32, #tpu.memory_space<hbm>> -> memref<512xi32, #tpu.memory_space<hbm>>
      %dma_wait3A_263 = tpu.memref_slice %arg3[%add3A_65] : memref<819200xi32, #tpu.memory_space<hbm>> -> memref<512xi32, #tpu.memory_space<hbm>>
      %dma_wait3A_264 = arith.constant 0 : i32
      %dma_wait3A_265 = tpu.memref_slice %arg4[%run_scoped3A_66, %dma_wait3A_264] : memref<50x512xi32, #tpu.memory_space<vmem>> -> memref<1x512xi32, #tpu.memory_space<vmem>>
      %dma_wait3A_266 = tpu.memref_squeeze %dma_wait3A_265 : memref<1x512xi32, #tpu.memory_space<vmem>> -> memref<512xi32, #tpu.memory_space<vmem>>
      tpu.wait_dma2 semaphore(%run_scoped3A_252 : memref<!tpu.dma_semaphore, #tpu.memory_space<semaphore_mem>>) src(%dma_wait3A_266 : memref<512xi32, #tpu.memory_space<vmem>>) dst(%dma_wait3A_263 : memref<512xi32, #tpu.memory_space<hbm>>)
      tpu.yield
    }) : () -> ()
    %mul3A_67 = arith.constant 25600 : i32
    %mul3A_68 = arith.muli %add3A, %mul3A_67 : i32
    %add3A_69 = arith.constant 6656 : i32
    %add3A_70 = arith.addi %mul3A_68, %add3A_69 : i32
    %run_scoped3A_71 = arith.constant 13 : i32
    "tpu.region"() ({
      %run_scoped3A_252 = tpu.sem_alloc : memref<!tpu.dma_semaphore, #tpu.memory_space<semaphore_mem>>
      %dma_start3A = arith.constant 0 : i32
      %dma_start3A_253 = tpu.memref_slice %arg4[%run_scoped3A_71, %dma_start3A] : memref<50x512xi32, #tpu.memory_space<vmem>> -> memref<1x512xi32, #tpu.memory_space<vmem>>
      %dma_start3A_254 = tpu.memref_squeeze %dma_start3A_253 : memref<1x512xi32, #tpu.memory_space<vmem>> -> memref<512xi32, #tpu.memory_space<vmem>>
      %dma_start3A_255 = tpu.memref_slice %arg3[%add3A_70] : memref<819200xi32, #tpu.memory_space<hbm>> -> memref<512xi32, #tpu.memory_space<hbm>>
      %dma_start3A_256 = tpu.memref_slice %arg3[%add3A_70] : memref<819200xi32, #tpu.memory_space<hbm>> -> memref<512xi32, #tpu.memory_space<hbm>>
      %dma_start3A_257 = arith.constant 0 : i32
      %dma_start3A_258 = tpu.memref_slice %arg4[%run_scoped3A_71, %dma_start3A_257] : memref<50x512xi32, #tpu.memory_space<vmem>> -> memref<1x512xi32, #tpu.memory_space<vmem>>
      %dma_start3A_259 = tpu.memref_squeeze %dma_start3A_258 : memref<1x512xi32, #tpu.memory_space<vmem>> -> memref<512xi32, #tpu.memory_space<vmem>>
      tpu.enqueue_dma source(%dma_start3A_259 : memref<512xi32, #tpu.memory_space<vmem>>) target(%dma_start3A_256 : memref<512xi32, #tpu.memory_space<hbm>>) target_semaphore(%run_scoped3A_252 : memref<!tpu.dma_semaphore, #tpu.memory_space<semaphore_mem>>)
      %dma_wait3A = arith.constant 0 : i32
      %dma_wait3A_260 = tpu.memref_slice %arg4[%run_scoped3A_71, %dma_wait3A] : memref<50x512xi32, #tpu.memory_space<vmem>> -> memref<1x512xi32, #tpu.memory_space<vmem>>
      %dma_wait3A_261 = tpu.memref_squeeze %dma_wait3A_260 : memref<1x512xi32, #tpu.memory_space<vmem>> -> memref<512xi32, #tpu.memory_space<vmem>>
      %dma_wait3A_262 = tpu.memref_slice %arg3[%add3A_70] : memref<819200xi32, #tpu.memory_space<hbm>> -> memref<512xi32, #tpu.memory_space<hbm>>
      %dma_wait3A_263 = tpu.memref_slice %arg3[%add3A_70] : memref<819200xi32, #tpu.memory_space<hbm>> -> memref<512xi32, #tpu.memory_space<hbm>>
      %dma_wait3A_264 = arith.constant 0 : i32
      %dma_wait3A_265 = tpu.memref_slice %arg4[%run_scoped3A_71, %dma_wait3A_264] : memref<50x512xi32, #tpu.memory_space<vmem>> -> memref<1x512xi32, #tpu.memory_space<vmem>>
      %dma_wait3A_266 = tpu.memref_squeeze %dma_wait3A_265 : memref<1x512xi32, #tpu.memory_space<vmem>> -> memref<512xi32, #tpu.memory_space<vmem>>
      tpu.wait_dma2 semaphore(%run_scoped3A_252 : memref<!tpu.dma_semaphore, #tpu.memory_space<semaphore_mem>>) src(%dma_wait3A_266 : memref<512xi32, #tpu.memory_space<vmem>>) dst(%dma_wait3A_263 : memref<512xi32, #tpu.memory_space<hbm>>)
      tpu.yield
    }) : () -> ()
    %mul3A_72 = arith.constant 25600 : i32
    %mul3A_73 = arith.muli %add3A, %mul3A_72 : i32
    %add3A_74 = arith.constant 7168 : i32
    %add3A_75 = arith.addi %mul3A_73, %add3A_74 : i32
    %run_scoped3A_76 = arith.constant 14 : i32
    "tpu.region"() ({
      %run_scoped3A_252 = tpu.sem_alloc : memref<!tpu.dma_semaphore, #tpu.memory_space<semaphore_mem>>
      %dma_start3A = arith.constant 0 : i32
      %dma_start3A_253 = tpu.memref_slice %arg4[%run_scoped3A_76, %dma_start3A] : memref<50x512xi32, #tpu.memory_space<vmem>> -> memref<1x512xi32, #tpu.memory_space<vmem>>
      %dma_start3A_254 = tpu.memref_squeeze %dma_start3A_253 : memref<1x512xi32, #tpu.memory_space<vmem>> -> memref<512xi32, #tpu.memory_space<vmem>>
      %dma_start3A_255 = tpu.memref_slice %arg3[%add3A_75] : memref<819200xi32, #tpu.memory_space<hbm>> -> memref<512xi32, #tpu.memory_space<hbm>>
      %dma_start3A_256 = tpu.memref_slice %arg3[%add3A_75] : memref<819200xi32, #tpu.memory_space<hbm>> -> memref<512xi32, #tpu.memory_space<hbm>>
      %dma_start3A_257 = arith.constant 0 : i32
      %dma_start3A_258 = tpu.memref_slice %arg4[%run_scoped3A_76, %dma_start3A_257] : memref<50x512xi32, #tpu.memory_space<vmem>> -> memref<1x512xi32, #tpu.memory_space<vmem>>
      %dma_start3A_259 = tpu.memref_squeeze %dma_start3A_258 : memref<1x512xi32, #tpu.memory_space<vmem>> -> memref<512xi32, #tpu.memory_space<vmem>>
      tpu.enqueue_dma source(%dma_start3A_259 : memref<512xi32, #tpu.memory_space<vmem>>) target(%dma_start3A_256 : memref<512xi32, #tpu.memory_space<hbm>>) target_semaphore(%run_scoped3A_252 : memref<!tpu.dma_semaphore, #tpu.memory_space<semaphore_mem>>)
      %dma_wait3A = arith.constant 0 : i32
      %dma_wait3A_260 = tpu.memref_slice %arg4[%run_scoped3A_76, %dma_wait3A] : memref<50x512xi32, #tpu.memory_space<vmem>> -> memref<1x512xi32, #tpu.memory_space<vmem>>
      %dma_wait3A_261 = tpu.memref_squeeze %dma_wait3A_260 : memref<1x512xi32, #tpu.memory_space<vmem>> -> memref<512xi32, #tpu.memory_space<vmem>>
      %dma_wait3A_262 = tpu.memref_slice %arg3[%add3A_75] : memref<819200xi32, #tpu.memory_space<hbm>> -> memref<512xi32, #tpu.memory_space<hbm>>
      %dma_wait3A_263 = tpu.memref_slice %arg3[%add3A_75] : memref<819200xi32, #tpu.memory_space<hbm>> -> memref<512xi32, #tpu.memory_space<hbm>>
      %dma_wait3A_264 = arith.constant 0 : i32
      %dma_wait3A_265 = tpu.memref_slice %arg4[%run_scoped3A_76, %dma_wait3A_264] : memref<50x512xi32, #tpu.memory_space<vmem>> -> memref<1x512xi32, #tpu.memory_space<vmem>>
      %dma_wait3A_266 = tpu.memref_squeeze %dma_wait3A_265 : memref<1x512xi32, #tpu.memory_space<vmem>> -> memref<512xi32, #tpu.memory_space<vmem>>
      tpu.wait_dma2 semaphore(%run_scoped3A_252 : memref<!tpu.dma_semaphore, #tpu.memory_space<semaphore_mem>>) src(%dma_wait3A_266 : memref<512xi32, #tpu.memory_space<vmem>>) dst(%dma_wait3A_263 : memref<512xi32, #tpu.memory_space<hbm>>)
      tpu.yield
    }) : () -> ()
    %mul3A_77 = arith.constant 25600 : i32
    %mul3A_78 = arith.muli %add3A, %mul3A_77 : i32
    %add3A_79 = arith.constant 7680 : i32
    %add3A_80 = arith.addi %mul3A_78, %add3A_79 : i32
    %run_scoped3A_81 = arith.constant 15 : i32
    "tpu.region"() ({
      %run_scoped3A_252 = tpu.sem_alloc : memref<!tpu.dma_semaphore, #tpu.memory_space<semaphore_mem>>
      %dma_start3A = arith.constant 0 : i32
      %dma_start3A_253 = tpu.memref_slice %arg4[%run_scoped3A_81, %dma_start3A] : memref<50x512xi32, #tpu.memory_space<vmem>> -> memref<1x512xi32, #tpu.memory_space<vmem>>
      %dma_start3A_254 = tpu.memref_squeeze %dma_start3A_253 : memref<1x512xi32, #tpu.memory_space<vmem>> -> memref<512xi32, #tpu.memory_space<vmem>>
      %dma_start3A_255 = tpu.memref_slice %arg3[%add3A_80] : memref<819200xi32, #tpu.memory_space<hbm>> -> memref<512xi32, #tpu.memory_space<hbm>>
      %dma_start3A_256 = tpu.memref_slice %arg3[%add3A_80] : memref<819200xi32, #tpu.memory_space<hbm>> -> memref<512xi32, #tpu.memory_space<hbm>>
      %dma_start3A_257 = arith.constant 0 : i32
      %dma_start3A_258 = tpu.memref_slice %arg4[%run_scoped3A_81, %dma_start3A_257] : memref<50x512xi32, #tpu.memory_space<vmem>> -> memref<1x512xi32, #tpu.memory_space<vmem>>
      %dma_start3A_259 = tpu.memref_squeeze %dma_start3A_258 : memref<1x512xi32, #tpu.memory_space<vmem>> -> memref<512xi32, #tpu.memory_space<vmem>>
      tpu.enqueue_dma source(%dma_start3A_259 : memref<512xi32, #tpu.memory_space<vmem>>) target(%dma_start3A_256 : memref<512xi32, #tpu.memory_space<hbm>>) target_semaphore(%run_scoped3A_252 : memref<!tpu.dma_semaphore, #tpu.memory_space<semaphore_mem>>)
      %dma_wait3A = arith.constant 0 : i32
      %dma_wait3A_260 = tpu.memref_slice %arg4[%run_scoped3A_81, %dma_wait3A] : memref<50x512xi32, #tpu.memory_space<vmem>> -> memref<1x512xi32, #tpu.memory_space<vmem>>
      %dma_wait3A_261 = tpu.memref_squeeze %dma_wait3A_260 : memref<1x512xi32, #tpu.memory_space<vmem>> -> memref<512xi32, #tpu.memory_space<vmem>>
      %dma_wait3A_262 = tpu.memref_slice %arg3[%add3A_80] : memref<819200xi32, #tpu.memory_space<hbm>> -> memref<512xi32, #tpu.memory_space<hbm>>
      %dma_wait3A_263 = tpu.memref_slice %arg3[%add3A_80] : memref<819200xi32, #tpu.memory_space<hbm>> -> memref<512xi32, #tpu.memory_space<hbm>>
      %dma_wait3A_264 = arith.constant 0 : i32
      %dma_wait3A_265 = tpu.memref_slice %arg4[%run_scoped3A_81, %dma_wait3A_264] : memref<50x512xi32, #tpu.memory_space<vmem>> -> memref<1x512xi32, #tpu.memory_space<vmem>>
      %dma_wait3A_266 = tpu.memref_squeeze %dma_wait3A_265 : memref<1x512xi32, #tpu.memory_space<vmem>> -> memref<512xi32, #tpu.memory_space<vmem>>
      tpu.wait_dma2 semaphore(%run_scoped3A_252 : memref<!tpu.dma_semaphore, #tpu.memory_space<semaphore_mem>>) src(%dma_wait3A_266 : memref<512xi32, #tpu.memory_space<vmem>>) dst(%dma_wait3A_263 : memref<512xi32, #tpu.memory_space<hbm>>)
      tpu.yield
    }) : () -> ()
    %mul3A_82 = arith.constant 25600 : i32
    %mul3A_83 = arith.muli %add3A, %mul3A_82 : i32
    %add3A_84 = arith.constant 8192 : i32
    %add3A_85 = arith.addi %mul3A_83, %add3A_84 : i32
    %run_scoped3A_86 = arith.constant 16 : i32
    "tpu.region"() ({
      %run_scoped3A_252 = tpu.sem_alloc : memref<!tpu.dma_semaphore, #tpu.memory_space<semaphore_mem>>
      %dma_start3A = arith.constant 0 : i32
      %dma_start3A_253 = tpu.memref_slice %arg4[%run_scoped3A_86, %dma_start3A] : memref<50x512xi32, #tpu.memory_space<vmem>> -> memref<1x512xi32, #tpu.memory_space<vmem>>
      %dma_start3A_254 = tpu.memref_squeeze %dma_start3A_253 : memref<1x512xi32, #tpu.memory_space<vmem>> -> memref<512xi32, #tpu.memory_space<vmem>>
      %dma_start3A_255 = tpu.memref_slice %arg3[%add3A_85] : memref<819200xi32, #tpu.memory_space<hbm>> -> memref<512xi32, #tpu.memory_space<hbm>>
      %dma_start3A_256 = tpu.memref_slice %arg3[%add3A_85] : memref<819200xi32, #tpu.memory_space<hbm>> -> memref<512xi32, #tpu.memory_space<hbm>>
      %dma_start3A_257 = arith.constant 0 : i32
      %dma_start3A_258 = tpu.memref_slice %arg4[%run_scoped3A_86, %dma_start3A_257] : memref<50x512xi32, #tpu.memory_space<vmem>> -> memref<1x512xi32, #tpu.memory_space<vmem>>
      %dma_start3A_259 = tpu.memref_squeeze %dma_start3A_258 : memref<1x512xi32, #tpu.memory_space<vmem>> -> memref<512xi32, #tpu.memory_space<vmem>>
      tpu.enqueue_dma source(%dma_start3A_259 : memref<512xi32, #tpu.memory_space<vmem>>) target(%dma_start3A_256 : memref<512xi32, #tpu.memory_space<hbm>>) target_semaphore(%run_scoped3A_252 : memref<!tpu.dma_semaphore, #tpu.memory_space<semaphore_mem>>)
      %dma_wait3A = arith.constant 0 : i32
      %dma_wait3A_260 = tpu.memref_slice %arg4[%run_scoped3A_86, %dma_wait3A] : memref<50x512xi32, #tpu.memory_space<vmem>> -> memref<1x512xi32, #tpu.memory_space<vmem>>
      %dma_wait3A_261 = tpu.memref_squeeze %dma_wait3A_260 : memref<1x512xi32, #tpu.memory_space<vmem>> -> memref<512xi32, #tpu.memory_space<vmem>>
      %dma_wait3A_262 = tpu.memref_slice %arg3[%add3A_85] : memref<819200xi32, #tpu.memory_space<hbm>> -> memref<512xi32, #tpu.memory_space<hbm>>
      %dma_wait3A_263 = tpu.memref_slice %arg3[%add3A_85] : memref<819200xi32, #tpu.memory_space<hbm>> -> memref<512xi32, #tpu.memory_space<hbm>>
      %dma_wait3A_264 = arith.constant 0 : i32
      %dma_wait3A_265 = tpu.memref_slice %arg4[%run_scoped3A_86, %dma_wait3A_264] : memref<50x512xi32, #tpu.memory_space<vmem>> -> memref<1x512xi32, #tpu.memory_space<vmem>>
      %dma_wait3A_266 = tpu.memref_squeeze %dma_wait3A_265 : memref<1x512xi32, #tpu.memory_space<vmem>> -> memref<512xi32, #tpu.memory_space<vmem>>
      tpu.wait_dma2 semaphore(%run_scoped3A_252 : memref<!tpu.dma_semaphore, #tpu.memory_space<semaphore_mem>>) src(%dma_wait3A_266 : memref<512xi32, #tpu.memory_space<vmem>>) dst(%dma_wait3A_263 : memref<512xi32, #tpu.memory_space<hbm>>)
      tpu.yield
    }) : () -> ()
    %mul3A_87 = arith.constant 25600 : i32
    %mul3A_88 = arith.muli %add3A, %mul3A_87 : i32
    %add3A_89 = arith.constant 8704 : i32
    %add3A_90 = arith.addi %mul3A_88, %add3A_89 : i32
    %run_scoped3A_91 = arith.constant 17 : i32
    "tpu.region"() ({
      %run_scoped3A_252 = tpu.sem_alloc : memref<!tpu.dma_semaphore, #tpu.memory_space<semaphore_mem>>
      %dma_start3A = arith.constant 0 : i32
      %dma_start3A_253 = tpu.memref_slice %arg4[%run_scoped3A_91, %dma_start3A] : memref<50x512xi32, #tpu.memory_space<vmem>> -> memref<1x512xi32, #tpu.memory_space<vmem>>
      %dma_start3A_254 = tpu.memref_squeeze %dma_start3A_253 : memref<1x512xi32, #tpu.memory_space<vmem>> -> memref<512xi32, #tpu.memory_space<vmem>>
      %dma_start3A_255 = tpu.memref_slice %arg3[%add3A_90] : memref<819200xi32, #tpu.memory_space<hbm>> -> memref<512xi32, #tpu.memory_space<hbm>>
      %dma_start3A_256 = tpu.memref_slice %arg3[%add3A_90] : memref<819200xi32, #tpu.memory_space<hbm>> -> memref<512xi32, #tpu.memory_space<hbm>>
      %dma_start3A_257 = arith.constant 0 : i32
      %dma_start3A_258 = tpu.memref_slice %arg4[%run_scoped3A_91, %dma_start3A_257] : memref<50x512xi32, #tpu.memory_space<vmem>> -> memref<1x512xi32, #tpu.memory_space<vmem>>
      %dma_start3A_259 = tpu.memref_squeeze %dma_start3A_258 : memref<1x512xi32, #tpu.memory_space<vmem>> -> memref<512xi32, #tpu.memory_space<vmem>>
      tpu.enqueue_dma source(%dma_start3A_259 : memref<512xi32, #tpu.memory_space<vmem>>) target(%dma_start3A_256 : memref<512xi32, #tpu.memory_space<hbm>>) target_semaphore(%run_scoped3A_252 : memref<!tpu.dma_semaphore, #tpu.memory_space<semaphore_mem>>)
      %dma_wait3A = arith.constant 0 : i32
      %dma_wait3A_260 = tpu.memref_slice %arg4[%run_scoped3A_91, %dma_wait3A] : memref<50x512xi32, #tpu.memory_space<vmem>> -> memref<1x512xi32, #tpu.memory_space<vmem>>
      %dma_wait3A_261 = tpu.memref_squeeze %dma_wait3A_260 : memref<1x512xi32, #tpu.memory_space<vmem>> -> memref<512xi32, #tpu.memory_space<vmem>>
      %dma_wait3A_262 = tpu.memref_slice %arg3[%add3A_90] : memref<819200xi32, #tpu.memory_space<hbm>> -> memref<512xi32, #tpu.memory_space<hbm>>
      %dma_wait3A_263 = tpu.memref_slice %arg3[%add3A_90] : memref<819200xi32, #tpu.memory_space<hbm>> -> memref<512xi32, #tpu.memory_space<hbm>>
      %dma_wait3A_264 = arith.constant 0 : i32
      %dma_wait3A_265 = tpu.memref_slice %arg4[%run_scoped3A_91, %dma_wait3A_264] : memref<50x512xi32, #tpu.memory_space<vmem>> -> memref<1x512xi32, #tpu.memory_space<vmem>>
      %dma_wait3A_266 = tpu.memref_squeeze %dma_wait3A_265 : memref<1x512xi32, #tpu.memory_space<vmem>> -> memref<512xi32, #tpu.memory_space<vmem>>
      tpu.wait_dma2 semaphore(%run_scoped3A_252 : memref<!tpu.dma_semaphore, #tpu.memory_space<semaphore_mem>>) src(%dma_wait3A_266 : memref<512xi32, #tpu.memory_space<vmem>>) dst(%dma_wait3A_263 : memref<512xi32, #tpu.memory_space<hbm>>)
      tpu.yield
    }) : () -> ()
    %mul3A_92 = arith.constant 25600 : i32
    %mul3A_93 = arith.muli %add3A, %mul3A_92 : i32
    %add3A_94 = arith.constant 9216 : i32
    %add3A_95 = arith.addi %mul3A_93, %add3A_94 : i32
    %run_scoped3A_96 = arith.constant 18 : i32
    "tpu.region"() ({
      %run_scoped3A_252 = tpu.sem_alloc : memref<!tpu.dma_semaphore, #tpu.memory_space<semaphore_mem>>
      %dma_start3A = arith.constant 0 : i32
      %dma_start3A_253 = tpu.memref_slice %arg4[%run_scoped3A_96, %dma_start3A] : memref<50x512xi32, #tpu.memory_space<vmem>> -> memref<1x512xi32, #tpu.memory_space<vmem>>
      %dma_start3A_254 = tpu.memref_squeeze %dma_start3A_253 : memref<1x512xi32, #tpu.memory_space<vmem>> -> memref<512xi32, #tpu.memory_space<vmem>>
      %dma_start3A_255 = tpu.memref_slice %arg3[%add3A_95] : memref<819200xi32, #tpu.memory_space<hbm>> -> memref<512xi32, #tpu.memory_space<hbm>>
      %dma_start3A_256 = tpu.memref_slice %arg3[%add3A_95] : memref<819200xi32, #tpu.memory_space<hbm>> -> memref<512xi32, #tpu.memory_space<hbm>>
      %dma_start3A_257 = arith.constant 0 : i32
      %dma_start3A_258 = tpu.memref_slice %arg4[%run_scoped3A_96, %dma_start3A_257] : memref<50x512xi32, #tpu.memory_space<vmem>> -> memref<1x512xi32, #tpu.memory_space<vmem>>
      %dma_start3A_259 = tpu.memref_squeeze %dma_start3A_258 : memref<1x512xi32, #tpu.memory_space<vmem>> -> memref<512xi32, #tpu.memory_space<vmem>>
      tpu.enqueue_dma source(%dma_start3A_259 : memref<512xi32, #tpu.memory_space<vmem>>) target(%dma_start3A_256 : memref<512xi32, #tpu.memory_space<hbm>>) target_semaphore(%run_scoped3A_252 : memref<!tpu.dma_semaphore, #tpu.memory_space<semaphore_mem>>)
      %dma_wait3A = arith.constant 0 : i32
      %dma_wait3A_260 = tpu.memref_slice %arg4[%run_scoped3A_96, %dma_wait3A] : memref<50x512xi32, #tpu.memory_space<vmem>> -> memref<1x512xi32, #tpu.memory_space<vmem>>
      %dma_wait3A_261 = tpu.memref_squeeze %dma_wait3A_260 : memref<1x512xi32, #tpu.memory_space<vmem>> -> memref<512xi32, #tpu.memory_space<vmem>>
      %dma_wait3A_262 = tpu.memref_slice %arg3[%add3A_95] : memref<819200xi32, #tpu.memory_space<hbm>> -> memref<512xi32, #tpu.memory_space<hbm>>
      %dma_wait3A_263 = tpu.memref_slice %arg3[%add3A_95] : memref<819200xi32, #tpu.memory_space<hbm>> -> memref<512xi32, #tpu.memory_space<hbm>>
      %dma_wait3A_264 = arith.constant 0 : i32
      %dma_wait3A_265 = tpu.memref_slice %arg4[%run_scoped3A_96, %dma_wait3A_264] : memref<50x512xi32, #tpu.memory_space<vmem>> -> memref<1x512xi32, #tpu.memory_space<vmem>>
      %dma_wait3A_266 = tpu.memref_squeeze %dma_wait3A_265 : memref<1x512xi32, #tpu.memory_space<vmem>> -> memref<512xi32, #tpu.memory_space<vmem>>
      tpu.wait_dma2 semaphore(%run_scoped3A_252 : memref<!tpu.dma_semaphore, #tpu.memory_space<semaphore_mem>>) src(%dma_wait3A_266 : memref<512xi32, #tpu.memory_space<vmem>>) dst(%dma_wait3A_263 : memref<512xi32, #tpu.memory_space<hbm>>)
      tpu.yield
    }) : () -> ()
    %mul3A_97 = arith.constant 25600 : i32
    %mul3A_98 = arith.muli %add3A, %mul3A_97 : i32
    %add3A_99 = arith.constant 9728 : i32
    %add3A_100 = arith.addi %mul3A_98, %add3A_99 : i32
    %run_scoped3A_101 = arith.constant 19 : i32
    "tpu.region"() ({
      %run_scoped3A_252 = tpu.sem_alloc : memref<!tpu.dma_semaphore, #tpu.memory_space<semaphore_mem>>
      %dma_start3A = arith.constant 0 : i32
      %dma_start3A_253 = tpu.memref_slice %arg4[%run_scoped3A_101, %dma_start3A] : memref<50x512xi32, #tpu.memory_space<vmem>> -> memref<1x512xi32, #tpu.memory_space<vmem>>
      %dma_start3A_254 = tpu.memref_squeeze %dma_start3A_253 : memref<1x512xi32, #tpu.memory_space<vmem>> -> memref<512xi32, #tpu.memory_space<vmem>>
      %dma_start3A_255 = tpu.memref_slice %arg3[%add3A_100] : memref<819200xi32, #tpu.memory_space<hbm>> -> memref<512xi32, #tpu.memory_space<hbm>>
      %dma_start3A_256 = tpu.memref_slice %arg3[%add3A_100] : memref<819200xi32, #tpu.memory_space<hbm>> -> memref<512xi32, #tpu.memory_space<hbm>>
      %dma_start3A_257 = arith.constant 0 : i32
      %dma_start3A_258 = tpu.memref_slice %arg4[%run_scoped3A_101, %dma_start3A_257] : memref<50x512xi32, #tpu.memory_space<vmem>> -> memref<1x512xi32, #tpu.memory_space<vmem>>
      %dma_start3A_259 = tpu.memref_squeeze %dma_start3A_258 : memref<1x512xi32, #tpu.memory_space<vmem>> -> memref<512xi32, #tpu.memory_space<vmem>>
      tpu.enqueue_dma source(%dma_start3A_259 : memref<512xi32, #tpu.memory_space<vmem>>) target(%dma_start3A_256 : memref<512xi32, #tpu.memory_space<hbm>>) target_semaphore(%run_scoped3A_252 : memref<!tpu.dma_semaphore, #tpu.memory_space<semaphore_mem>>)
      %dma_wait3A = arith.constant 0 : i32
      %dma_wait3A_260 = tpu.memref_slice %arg4[%run_scoped3A_101, %dma_wait3A] : memref<50x512xi32, #tpu.memory_space<vmem>> -> memref<1x512xi32, #tpu.memory_space<vmem>>
      %dma_wait3A_261 = tpu.memref_squeeze %dma_wait3A_260 : memref<1x512xi32, #tpu.memory_space<vmem>> -> memref<512xi32, #tpu.memory_space<vmem>>
      %dma_wait3A_262 = tpu.memref_slice %arg3[%add3A_100] : memref<819200xi32, #tpu.memory_space<hbm>> -> memref<512xi32, #tpu.memory_space<hbm>>
      %dma_wait3A_263 = tpu.memref_slice %arg3[%add3A_100] : memref<819200xi32, #tpu.memory_space<hbm>> -> memref<512xi32, #tpu.memory_space<hbm>>
      %dma_wait3A_264 = arith.constant 0 : i32
      %dma_wait3A_265 = tpu.memref_slice %arg4[%run_scoped3A_101, %dma_wait3A_264] : memref<50x512xi32, #tpu.memory_space<vmem>> -> memref<1x512xi32, #tpu.memory_space<vmem>>
      %dma_wait3A_266 = tpu.memref_squeeze %dma_wait3A_265 : memref<1x512xi32, #tpu.memory_space<vmem>> -> memref<512xi32, #tpu.memory_space<vmem>>
      tpu.wait_dma2 semaphore(%run_scoped3A_252 : memref<!tpu.dma_semaphore, #tpu.memory_space<semaphore_mem>>) src(%dma_wait3A_266 : memref<512xi32, #tpu.memory_space<vmem>>) dst(%dma_wait3A_263 : memref<512xi32, #tpu.memory_space<hbm>>)
      tpu.yield
    }) : () -> ()
    %mul3A_102 = arith.constant 25600 : i32
    %mul3A_103 = arith.muli %add3A, %mul3A_102 : i32
    %add3A_104 = arith.constant 10240 : i32
    %add3A_105 = arith.addi %mul3A_103, %add3A_104 : i32
    %run_scoped3A_106 = arith.constant 20 : i32
    "tpu.region"() ({
      %run_scoped3A_252 = tpu.sem_alloc : memref<!tpu.dma_semaphore, #tpu.memory_space<semaphore_mem>>
      %dma_start3A = arith.constant 0 : i32
      %dma_start3A_253 = tpu.memref_slice %arg4[%run_scoped3A_106, %dma_start3A] : memref<50x512xi32, #tpu.memory_space<vmem>> -> memref<1x512xi32, #tpu.memory_space<vmem>>
      %dma_start3A_254 = tpu.memref_squeeze %dma_start3A_253 : memref<1x512xi32, #tpu.memory_space<vmem>> -> memref<512xi32, #tpu.memory_space<vmem>>
      %dma_start3A_255 = tpu.memref_slice %arg3[%add3A_105] : memref<819200xi32, #tpu.memory_space<hbm>> -> memref<512xi32, #tpu.memory_space<hbm>>
      %dma_start3A_256 = tpu.memref_slice %arg3[%add3A_105] : memref<819200xi32, #tpu.memory_space<hbm>> -> memref<512xi32, #tpu.memory_space<hbm>>
      %dma_start3A_257 = arith.constant 0 : i32
      %dma_start3A_258 = tpu.memref_slice %arg4[%run_scoped3A_106, %dma_start3A_257] : memref<50x512xi32, #tpu.memory_space<vmem>> -> memref<1x512xi32, #tpu.memory_space<vmem>>
      %dma_start3A_259 = tpu.memref_squeeze %dma_start3A_258 : memref<1x512xi32, #tpu.memory_space<vmem>> -> memref<512xi32, #tpu.memory_space<vmem>>
      tpu.enqueue_dma source(%dma_start3A_259 : memref<512xi32, #tpu.memory_space<vmem>>) target(%dma_start3A_256 : memref<512xi32, #tpu.memory_space<hbm>>) target_semaphore(%run_scoped3A_252 : memref<!tpu.dma_semaphore, #tpu.memory_space<semaphore_mem>>)
      %dma_wait3A = arith.constant 0 : i32
      %dma_wait3A_260 = tpu.memref_slice %arg4[%run_scoped3A_106, %dma_wait3A] : memref<50x512xi32, #tpu.memory_space<vmem>> -> memref<1x512xi32, #tpu.memory_space<vmem>>
      %dma_wait3A_261 = tpu.memref_squeeze %dma_wait3A_260 : memref<1x512xi32, #tpu.memory_space<vmem>> -> memref<512xi32, #tpu.memory_space<vmem>>
      %dma_wait3A_262 = tpu.memref_slice %arg3[%add3A_105] : memref<819200xi32, #tpu.memory_space<hbm>> -> memref<512xi32, #tpu.memory_space<hbm>>
      %dma_wait3A_263 = tpu.memref_slice %arg3[%add3A_105] : memref<819200xi32, #tpu.memory_space<hbm>> -> memref<512xi32, #tpu.memory_space<hbm>>
      %dma_wait3A_264 = arith.constant 0 : i32
      %dma_wait3A_265 = tpu.memref_slice %arg4[%run_scoped3A_106, %dma_wait3A_264] : memref<50x512xi32, #tpu.memory_space<vmem>> -> memref<1x512xi32, #tpu.memory_space<vmem>>
      %dma_wait3A_266 = tpu.memref_squeeze %dma_wait3A_265 : memref<1x512xi32, #tpu.memory_space<vmem>> -> memref<512xi32, #tpu.memory_space<vmem>>
      tpu.wait_dma2 semaphore(%run_scoped3A_252 : memref<!tpu.dma_semaphore, #tpu.memory_space<semaphore_mem>>) src(%dma_wait3A_266 : memref<512xi32, #tpu.memory_space<vmem>>) dst(%dma_wait3A_263 : memref<512xi32, #tpu.memory_space<hbm>>)
      tpu.yield
    }) : () -> ()
    %mul3A_107 = arith.constant 25600 : i32
    %mul3A_108 = arith.muli %add3A, %mul3A_107 : i32
    %add3A_109 = arith.constant 10752 : i32
    %add3A_110 = arith.addi %mul3A_108, %add3A_109 : i32
    %run_scoped3A_111 = arith.constant 21 : i32
    "tpu.region"() ({
      %run_scoped3A_252 = tpu.sem_alloc : memref<!tpu.dma_semaphore, #tpu.memory_space<semaphore_mem>>
      %dma_start3A = arith.constant 0 : i32
      %dma_start3A_253 = tpu.memref_slice %arg4[%run_scoped3A_111, %dma_start3A] : memref<50x512xi32, #tpu.memory_space<vmem>> -> memref<1x512xi32, #tpu.memory_space<vmem>>
      %dma_start3A_254 = tpu.memref_squeeze %dma_start3A_253 : memref<1x512xi32, #tpu.memory_space<vmem>> -> memref<512xi32, #tpu.memory_space<vmem>>
      %dma_start3A_255 = tpu.memref_slice %arg3[%add3A_110] : memref<819200xi32, #tpu.memory_space<hbm>> -> memref<512xi32, #tpu.memory_space<hbm>>
      %dma_start3A_256 = tpu.memref_slice %arg3[%add3A_110] : memref<819200xi32, #tpu.memory_space<hbm>> -> memref<512xi32, #tpu.memory_space<hbm>>
      %dma_start3A_257 = arith.constant 0 : i32
      %dma_start3A_258 = tpu.memref_slice %arg4[%run_scoped3A_111, %dma_start3A_257] : memref<50x512xi32, #tpu.memory_space<vmem>> -> memref<1x512xi32, #tpu.memory_space<vmem>>
      %dma_start3A_259 = tpu.memref_squeeze %dma_start3A_258 : memref<1x512xi32, #tpu.memory_space<vmem>> -> memref<512xi32, #tpu.memory_space<vmem>>
      tpu.enqueue_dma source(%dma_start3A_259 : memref<512xi32, #tpu.memory_space<vmem>>) target(%dma_start3A_256 : memref<512xi32, #tpu.memory_space<hbm>>) target_semaphore(%run_scoped3A_252 : memref<!tpu.dma_semaphore, #tpu.memory_space<semaphore_mem>>)
      %dma_wait3A = arith.constant 0 : i32
      %dma_wait3A_260 = tpu.memref_slice %arg4[%run_scoped3A_111, %dma_wait3A] : memref<50x512xi32, #tpu.memory_space<vmem>> -> memref<1x512xi32, #tpu.memory_space<vmem>>
      %dma_wait3A_261 = tpu.memref_squeeze %dma_wait3A_260 : memref<1x512xi32, #tpu.memory_space<vmem>> -> memref<512xi32, #tpu.memory_space<vmem>>
      %dma_wait3A_262 = tpu.memref_slice %arg3[%add3A_110] : memref<819200xi32, #tpu.memory_space<hbm>> -> memref<512xi32, #tpu.memory_space<hbm>>
      %dma_wait3A_263 = tpu.memref_slice %arg3[%add3A_110] : memref<819200xi32, #tpu.memory_space<hbm>> -> memref<512xi32, #tpu.memory_space<hbm>>
      %dma_wait3A_264 = arith.constant 0 : i32
      %dma_wait3A_265 = tpu.memref_slice %arg4[%run_scoped3A_111, %dma_wait3A_264] : memref<50x512xi32, #tpu.memory_space<vmem>> -> memref<1x512xi32, #tpu.memory_space<vmem>>
      %dma_wait3A_266 = tpu.memref_squeeze %dma_wait3A_265 : memref<1x512xi32, #tpu.memory_space<vmem>> -> memref<512xi32, #tpu.memory_space<vmem>>
      tpu.wait_dma2 semaphore(%run_scoped3A_252 : memref<!tpu.dma_semaphore, #tpu.memory_space<semaphore_mem>>) src(%dma_wait3A_266 : memref<512xi32, #tpu.memory_space<vmem>>) dst(%dma_wait3A_263 : memref<512xi32, #tpu.memory_space<hbm>>)
      tpu.yield
    }) : () -> ()
    %mul3A_112 = arith.constant 25600 : i32
    %mul3A_113 = arith.muli %add3A, %mul3A_112 : i32
    %add3A_114 = arith.constant 11264 : i32
    %add3A_115 = arith.addi %mul3A_113, %add3A_114 : i32
    %run_scoped3A_116 = arith.constant 22 : i32
    "tpu.region"() ({
      %run_scoped3A_252 = tpu.sem_alloc : memref<!tpu.dma_semaphore, #tpu.memory_space<semaphore_mem>>
      %dma_start3A = arith.constant 0 : i32
      %dma_start3A_253 = tpu.memref_slice %arg4[%run_scoped3A_116, %dma_start3A] : memref<50x512xi32, #tpu.memory_space<vmem>> -> memref<1x512xi32, #tpu.memory_space<vmem>>
      %dma_start3A_254 = tpu.memref_squeeze %dma_start3A_253 : memref<1x512xi32, #tpu.memory_space<vmem>> -> memref<512xi32, #tpu.memory_space<vmem>>
      %dma_start3A_255 = tpu.memref_slice %arg3[%add3A_115] : memref<819200xi32, #tpu.memory_space<hbm>> -> memref<512xi32, #tpu.memory_space<hbm>>
      %dma_start3A_256 = tpu.memref_slice %arg3[%add3A_115] : memref<819200xi32, #tpu.memory_space<hbm>> -> memref<512xi32, #tpu.memory_space<hbm>>
      %dma_start3A_257 = arith.constant 0 : i32
      %dma_start3A_258 = tpu.memref_slice %arg4[%run_scoped3A_116, %dma_start3A_257] : memref<50x512xi32, #tpu.memory_space<vmem>> -> memref<1x512xi32, #tpu.memory_space<vmem>>
      %dma_start3A_259 = tpu.memref_squeeze %dma_start3A_258 : memref<1x512xi32, #tpu.memory_space<vmem>> -> memref<512xi32, #tpu.memory_space<vmem>>
      tpu.enqueue_dma source(%dma_start3A_259 : memref<512xi32, #tpu.memory_space<vmem>>) target(%dma_start3A_256 : memref<512xi32, #tpu.memory_space<hbm>>) target_semaphore(%run_scoped3A_252 : memref<!tpu.dma_semaphore, #tpu.memory_space<semaphore_mem>>)
      %dma_wait3A = arith.constant 0 : i32
      %dma_wait3A_260 = tpu.memref_slice %arg4[%run_scoped3A_116, %dma_wait3A] : memref<50x512xi32, #tpu.memory_space<vmem>> -> memref<1x512xi32, #tpu.memory_space<vmem>>
      %dma_wait3A_261 = tpu.memref_squeeze %dma_wait3A_260 : memref<1x512xi32, #tpu.memory_space<vmem>> -> memref<512xi32, #tpu.memory_space<vmem>>
      %dma_wait3A_262 = tpu.memref_slice %arg3[%add3A_115] : memref<819200xi32, #tpu.memory_space<hbm>> -> memref<512xi32, #tpu.memory_space<hbm>>
      %dma_wait3A_263 = tpu.memref_slice %arg3[%add3A_115] : memref<819200xi32, #tpu.memory_space<hbm>> -> memref<512xi32, #tpu.memory_space<hbm>>
      %dma_wait3A_264 = arith.constant 0 : i32
      %dma_wait3A_265 = tpu.memref_slice %arg4[%run_scoped3A_116, %dma_wait3A_264] : memref<50x512xi32, #tpu.memory_space<vmem>> -> memref<1x512xi32, #tpu.memory_space<vmem>>
      %dma_wait3A_266 = tpu.memref_squeeze %dma_wait3A_265 : memref<1x512xi32, #tpu.memory_space<vmem>> -> memref<512xi32, #tpu.memory_space<vmem>>
      tpu.wait_dma2 semaphore(%run_scoped3A_252 : memref<!tpu.dma_semaphore, #tpu.memory_space<semaphore_mem>>) src(%dma_wait3A_266 : memref<512xi32, #tpu.memory_space<vmem>>) dst(%dma_wait3A_263 : memref<512xi32, #tpu.memory_space<hbm>>)
      tpu.yield
    }) : () -> ()
    %mul3A_117 = arith.constant 25600 : i32
    %mul3A_118 = arith.muli %add3A, %mul3A_117 : i32
    %add3A_119 = arith.constant 11776 : i32
    %add3A_120 = arith.addi %mul3A_118, %add3A_119 : i32
    %run_scoped3A_121 = arith.constant 23 : i32
    "tpu.region"() ({
      %run_scoped3A_252 = tpu.sem_alloc : memref<!tpu.dma_semaphore, #tpu.memory_space<semaphore_mem>>
      %dma_start3A = arith.constant 0 : i32
      %dma_start3A_253 = tpu.memref_slice %arg4[%run_scoped3A_121, %dma_start3A] : memref<50x512xi32, #tpu.memory_space<vmem>> -> memref<1x512xi32, #tpu.memory_space<vmem>>
      %dma_start3A_254 = tpu.memref_squeeze %dma_start3A_253 : memref<1x512xi32, #tpu.memory_space<vmem>> -> memref<512xi32, #tpu.memory_space<vmem>>
      %dma_start3A_255 = tpu.memref_slice %arg3[%add3A_120] : memref<819200xi32, #tpu.memory_space<hbm>> -> memref<512xi32, #tpu.memory_space<hbm>>
      %dma_start3A_256 = tpu.memref_slice %arg3[%add3A_120] : memref<819200xi32, #tpu.memory_space<hbm>> -> memref<512xi32, #tpu.memory_space<hbm>>
      %dma_start3A_257 = arith.constant 0 : i32
      %dma_start3A_258 = tpu.memref_slice %arg4[%run_scoped3A_121, %dma_start3A_257] : memref<50x512xi32, #tpu.memory_space<vmem>> -> memref<1x512xi32, #tpu.memory_space<vmem>>
      %dma_start3A_259 = tpu.memref_squeeze %dma_start3A_258 : memref<1x512xi32, #tpu.memory_space<vmem>> -> memref<512xi32, #tpu.memory_space<vmem>>
      tpu.enqueue_dma source(%dma_start3A_259 : memref<512xi32, #tpu.memory_space<vmem>>) target(%dma_start3A_256 : memref<512xi32, #tpu.memory_space<hbm>>) target_semaphore(%run_scoped3A_252 : memref<!tpu.dma_semaphore, #tpu.memory_space<semaphore_mem>>)
      %dma_wait3A = arith.constant 0 : i32
      %dma_wait3A_260 = tpu.memref_slice %arg4[%run_scoped3A_121, %dma_wait3A] : memref<50x512xi32, #tpu.memory_space<vmem>> -> memref<1x512xi32, #tpu.memory_space<vmem>>
      %dma_wait3A_261 = tpu.memref_squeeze %dma_wait3A_260 : memref<1x512xi32, #tpu.memory_space<vmem>> -> memref<512xi32, #tpu.memory_space<vmem>>
      %dma_wait3A_262 = tpu.memref_slice %arg3[%add3A_120] : memref<819200xi32, #tpu.memory_space<hbm>> -> memref<512xi32, #tpu.memory_space<hbm>>
      %dma_wait3A_263 = tpu.memref_slice %arg3[%add3A_120] : memref<819200xi32, #tpu.memory_space<hbm>> -> memref<512xi32, #tpu.memory_space<hbm>>
      %dma_wait3A_264 = arith.constant 0 : i32
      %dma_wait3A_265 = tpu.memref_slice %arg4[%run_scoped3A_121, %dma_wait3A_264] : memref<50x512xi32, #tpu.memory_space<vmem>> -> memref<1x512xi32, #tpu.memory_space<vmem>>
      %dma_wait3A_266 = tpu.memref_squeeze %dma_wait3A_265 : memref<1x512xi32, #tpu.memory_space<vmem>> -> memref<512xi32, #tpu.memory_space<vmem>>
      tpu.wait_dma2 semaphore(%run_scoped3A_252 : memref<!tpu.dma_semaphore, #tpu.memory_space<semaphore_mem>>) src(%dma_wait3A_266 : memref<512xi32, #tpu.memory_space<vmem>>) dst(%dma_wait3A_263 : memref<512xi32, #tpu.memory_space<hbm>>)
      tpu.yield
    }) : () -> ()
    %mul3A_122 = arith.constant 25600 : i32
    %mul3A_123 = arith.muli %add3A, %mul3A_122 : i32
    %add3A_124 = arith.constant 12288 : i32
    %add3A_125 = arith.addi %mul3A_123, %add3A_124 : i32
    %run_scoped3A_126 = arith.constant 24 : i32
    "tpu.region"() ({
      %run_scoped3A_252 = tpu.sem_alloc : memref<!tpu.dma_semaphore, #tpu.memory_space<semaphore_mem>>
      %dma_start3A = arith.constant 0 : i32
      %dma_start3A_253 = tpu.memref_slice %arg4[%run_scoped3A_126, %dma_start3A] : memref<50x512xi32, #tpu.memory_space<vmem>> -> memref<1x512xi32, #tpu.memory_space<vmem>>
      %dma_start3A_254 = tpu.memref_squeeze %dma_start3A_253 : memref<1x512xi32, #tpu.memory_space<vmem>> -> memref<512xi32, #tpu.memory_space<vmem>>
      %dma_start3A_255 = tpu.memref_slice %arg3[%add3A_125] : memref<819200xi32, #tpu.memory_space<hbm>> -> memref<512xi32, #tpu.memory_space<hbm>>
      %dma_start3A_256 = tpu.memref_slice %arg3[%add3A_125] : memref<819200xi32, #tpu.memory_space<hbm>> -> memref<512xi32, #tpu.memory_space<hbm>>
      %dma_start3A_257 = arith.constant 0 : i32
      %dma_start3A_258 = tpu.memref_slice %arg4[%run_scoped3A_126, %dma_start3A_257] : memref<50x512xi32, #tpu.memory_space<vmem>> -> memref<1x512xi32, #tpu.memory_space<vmem>>
      %dma_start3A_259 = tpu.memref_squeeze %dma_start3A_258 : memref<1x512xi32, #tpu.memory_space<vmem>> -> memref<512xi32, #tpu.memory_space<vmem>>
      tpu.enqueue_dma source(%dma_start3A_259 : memref<512xi32, #tpu.memory_space<vmem>>) target(%dma_start3A_256 : memref<512xi32, #tpu.memory_space<hbm>>) target_semaphore(%run_scoped3A_252 : memref<!tpu.dma_semaphore, #tpu.memory_space<semaphore_mem>>)
      %dma_wait3A = arith.constant 0 : i32
      %dma_wait3A_260 = tpu.memref_slice %arg4[%run_scoped3A_126, %dma_wait3A] : memref<50x512xi32, #tpu.memory_space<vmem>> -> memref<1x512xi32, #tpu.memory_space<vmem>>
      %dma_wait3A_261 = tpu.memref_squeeze %dma_wait3A_260 : memref<1x512xi32, #tpu.memory_space<vmem>> -> memref<512xi32, #tpu.memory_space<vmem>>
      %dma_wait3A_262 = tpu.memref_slice %arg3[%add3A_125] : memref<819200xi32, #tpu.memory_space<hbm>> -> memref<512xi32, #tpu.memory_space<hbm>>
      %dma_wait3A_263 = tpu.memref_slice %arg3[%add3A_125] : memref<819200xi32, #tpu.memory_space<hbm>> -> memref<512xi32, #tpu.memory_space<hbm>>
      %dma_wait3A_264 = arith.constant 0 : i32
      %dma_wait3A_265 = tpu.memref_slice %arg4[%run_scoped3A_126, %dma_wait3A_264] : memref<50x512xi32, #tpu.memory_space<vmem>> -> memref<1x512xi32, #tpu.memory_space<vmem>>
      %dma_wait3A_266 = tpu.memref_squeeze %dma_wait3A_265 : memref<1x512xi32, #tpu.memory_space<vmem>> -> memref<512xi32, #tpu.memory_space<vmem>>
      tpu.wait_dma2 semaphore(%run_scoped3A_252 : memref<!tpu.dma_semaphore, #tpu.memory_space<semaphore_mem>>) src(%dma_wait3A_266 : memref<512xi32, #tpu.memory_space<vmem>>) dst(%dma_wait3A_263 : memref<512xi32, #tpu.memory_space<hbm>>)
      tpu.yield
    }) : () -> ()
    %mul3A_127 = arith.constant 25600 : i32
    %mul3A_128 = arith.muli %add3A, %mul3A_127 : i32
    %add3A_129 = arith.constant 12800 : i32
    %add3A_130 = arith.addi %mul3A_128, %add3A_129 : i32
    %run_scoped3A_131 = arith.constant 25 : i32
    "tpu.region"() ({
      %run_scoped3A_252 = tpu.sem_alloc : memref<!tpu.dma_semaphore, #tpu.memory_space<semaphore_mem>>
      %dma_start3A = arith.constant 0 : i32
      %dma_start3A_253 = tpu.memref_slice %arg4[%run_scoped3A_131, %dma_start3A] : memref<50x512xi32, #tpu.memory_space<vmem>> -> memref<1x512xi32, #tpu.memory_space<vmem>>
      %dma_start3A_254 = tpu.memref_squeeze %dma_start3A_253 : memref<1x512xi32, #tpu.memory_space<vmem>> -> memref<512xi32, #tpu.memory_space<vmem>>
      %dma_start3A_255 = tpu.memref_slice %arg3[%add3A_130] : memref<819200xi32, #tpu.memory_space<hbm>> -> memref<512xi32, #tpu.memory_space<hbm>>
      %dma_start3A_256 = tpu.memref_slice %arg3[%add3A_130] : memref<819200xi32, #tpu.memory_space<hbm>> -> memref<512xi32, #tpu.memory_space<hbm>>
      %dma_start3A_257 = arith.constant 0 : i32
      %dma_start3A_258 = tpu.memref_slice %arg4[%run_scoped3A_131, %dma_start3A_257] : memref<50x512xi32, #tpu.memory_space<vmem>> -> memref<1x512xi32, #tpu.memory_space<vmem>>
      %dma_start3A_259 = tpu.memref_squeeze %dma_start3A_258 : memref<1x512xi32, #tpu.memory_space<vmem>> -> memref<512xi32, #tpu.memory_space<vmem>>
      tpu.enqueue_dma source(%dma_start3A_259 : memref<512xi32, #tpu.memory_space<vmem>>) target(%dma_start3A_256 : memref<512xi32, #tpu.memory_space<hbm>>) target_semaphore(%run_scoped3A_252 : memref<!tpu.dma_semaphore, #tpu.memory_space<semaphore_mem>>)
      %dma_wait3A = arith.constant 0 : i32
      %dma_wait3A_260 = tpu.memref_slice %arg4[%run_scoped3A_131, %dma_wait3A] : memref<50x512xi32, #tpu.memory_space<vmem>> -> memref<1x512xi32, #tpu.memory_space<vmem>>
      %dma_wait3A_261 = tpu.memref_squeeze %dma_wait3A_260 : memref<1x512xi32, #tpu.memory_space<vmem>> -> memref<512xi32, #tpu.memory_space<vmem>>
      %dma_wait3A_262 = tpu.memref_slice %arg3[%add3A_130] : memref<819200xi32, #tpu.memory_space<hbm>> -> memref<512xi32, #tpu.memory_space<hbm>>
      %dma_wait3A_263 = tpu.memref_slice %arg3[%add3A_130] : memref<819200xi32, #tpu.memory_space<hbm>> -> memref<512xi32, #tpu.memory_space<hbm>>
      %dma_wait3A_264 = arith.constant 0 : i32
      %dma_wait3A_265 = tpu.memref_slice %arg4[%run_scoped3A_131, %dma_wait3A_264] : memref<50x512xi32, #tpu.memory_space<vmem>> -> memref<1x512xi32, #tpu.memory_space<vmem>>
      %dma_wait3A_266 = tpu.memref_squeeze %dma_wait3A_265 : memref<1x512xi32, #tpu.memory_space<vmem>> -> memref<512xi32, #tpu.memory_space<vmem>>
      tpu.wait_dma2 semaphore(%run_scoped3A_252 : memref<!tpu.dma_semaphore, #tpu.memory_space<semaphore_mem>>) src(%dma_wait3A_266 : memref<512xi32, #tpu.memory_space<vmem>>) dst(%dma_wait3A_263 : memref<512xi32, #tpu.memory_space<hbm>>)
      tpu.yield
    }) : () -> ()
    %mul3A_132 = arith.constant 25600 : i32
    %mul3A_133 = arith.muli %add3A, %mul3A_132 : i32
    %add3A_134 = arith.constant 13312 : i32
    %add3A_135 = arith.addi %mul3A_133, %add3A_134 : i32
    %run_scoped3A_136 = arith.constant 26 : i32
    "tpu.region"() ({
      %run_scoped3A_252 = tpu.sem_alloc : memref<!tpu.dma_semaphore, #tpu.memory_space<semaphore_mem>>
      %dma_start3A = arith.constant 0 : i32
      %dma_start3A_253 = tpu.memref_slice %arg4[%run_scoped3A_136, %dma_start3A] : memref<50x512xi32, #tpu.memory_space<vmem>> -> memref<1x512xi32, #tpu.memory_space<vmem>>
      %dma_start3A_254 = tpu.memref_squeeze %dma_start3A_253 : memref<1x512xi32, #tpu.memory_space<vmem>> -> memref<512xi32, #tpu.memory_space<vmem>>
      %dma_start3A_255 = tpu.memref_slice %arg3[%add3A_135] : memref<819200xi32, #tpu.memory_space<hbm>> -> memref<512xi32, #tpu.memory_space<hbm>>
      %dma_start3A_256 = tpu.memref_slice %arg3[%add3A_135] : memref<819200xi32, #tpu.memory_space<hbm>> -> memref<512xi32, #tpu.memory_space<hbm>>
      %dma_start3A_257 = arith.constant 0 : i32
      %dma_start3A_258 = tpu.memref_slice %arg4[%run_scoped3A_136, %dma_start3A_257] : memref<50x512xi32, #tpu.memory_space<vmem>> -> memref<1x512xi32, #tpu.memory_space<vmem>>
      %dma_start3A_259 = tpu.memref_squeeze %dma_start3A_258 : memref<1x512xi32, #tpu.memory_space<vmem>> -> memref<512xi32, #tpu.memory_space<vmem>>
      tpu.enqueue_dma source(%dma_start3A_259 : memref<512xi32, #tpu.memory_space<vmem>>) target(%dma_start3A_256 : memref<512xi32, #tpu.memory_space<hbm>>) target_semaphore(%run_scoped3A_252 : memref<!tpu.dma_semaphore, #tpu.memory_space<semaphore_mem>>)
      %dma_wait3A = arith.constant 0 : i32
      %dma_wait3A_260 = tpu.memref_slice %arg4[%run_scoped3A_136, %dma_wait3A] : memref<50x512xi32, #tpu.memory_space<vmem>> -> memref<1x512xi32, #tpu.memory_space<vmem>>
      %dma_wait3A_261 = tpu.memref_squeeze %dma_wait3A_260 : memref<1x512xi32, #tpu.memory_space<vmem>> -> memref<512xi32, #tpu.memory_space<vmem>>
      %dma_wait3A_262 = tpu.memref_slice %arg3[%add3A_135] : memref<819200xi32, #tpu.memory_space<hbm>> -> memref<512xi32, #tpu.memory_space<hbm>>
      %dma_wait3A_263 = tpu.memref_slice %arg3[%add3A_135] : memref<819200xi32, #tpu.memory_space<hbm>> -> memref<512xi32, #tpu.memory_space<hbm>>
      %dma_wait3A_264 = arith.constant 0 : i32
      %dma_wait3A_265 = tpu.memref_slice %arg4[%run_scoped3A_136, %dma_wait3A_264] : memref<50x512xi32, #tpu.memory_space<vmem>> -> memref<1x512xi32, #tpu.memory_space<vmem>>
      %dma_wait3A_266 = tpu.memref_squeeze %dma_wait3A_265 : memref<1x512xi32, #tpu.memory_space<vmem>> -> memref<512xi32, #tpu.memory_space<vmem>>
      tpu.wait_dma2 semaphore(%run_scoped3A_252 : memref<!tpu.dma_semaphore, #tpu.memory_space<semaphore_mem>>) src(%dma_wait3A_266 : memref<512xi32, #tpu.memory_space<vmem>>) dst(%dma_wait3A_263 : memref<512xi32, #tpu.memory_space<hbm>>)
      tpu.yield
    }) : () -> ()
    %mul3A_137 = arith.constant 25600 : i32
    %mul3A_138 = arith.muli %add3A, %mul3A_137 : i32
    %add3A_139 = arith.constant 13824 : i32
    %add3A_140 = arith.addi %mul3A_138, %add3A_139 : i32
    %run_scoped3A_141 = arith.constant 27 : i32
    "tpu.region"() ({
      %run_scoped3A_252 = tpu.sem_alloc : memref<!tpu.dma_semaphore, #tpu.memory_space<semaphore_mem>>
      %dma_start3A = arith.constant 0 : i32
      %dma_start3A_253 = tpu.memref_slice %arg4[%run_scoped3A_141, %dma_start3A] : memref<50x512xi32, #tpu.memory_space<vmem>> -> memref<1x512xi32, #tpu.memory_space<vmem>>
      %dma_start3A_254 = tpu.memref_squeeze %dma_start3A_253 : memref<1x512xi32, #tpu.memory_space<vmem>> -> memref<512xi32, #tpu.memory_space<vmem>>
      %dma_start3A_255 = tpu.memref_slice %arg3[%add3A_140] : memref<819200xi32, #tpu.memory_space<hbm>> -> memref<512xi32, #tpu.memory_space<hbm>>
      %dma_start3A_256 = tpu.memref_slice %arg3[%add3A_140] : memref<819200xi32, #tpu.memory_space<hbm>> -> memref<512xi32, #tpu.memory_space<hbm>>
      %dma_start3A_257 = arith.constant 0 : i32
      %dma_start3A_258 = tpu.memref_slice %arg4[%run_scoped3A_141, %dma_start3A_257] : memref<50x512xi32, #tpu.memory_space<vmem>> -> memref<1x512xi32, #tpu.memory_space<vmem>>
      %dma_start3A_259 = tpu.memref_squeeze %dma_start3A_258 : memref<1x512xi32, #tpu.memory_space<vmem>> -> memref<512xi32, #tpu.memory_space<vmem>>
      tpu.enqueue_dma source(%dma_start3A_259 : memref<512xi32, #tpu.memory_space<vmem>>) target(%dma_start3A_256 : memref<512xi32, #tpu.memory_space<hbm>>) target_semaphore(%run_scoped3A_252 : memref<!tpu.dma_semaphore, #tpu.memory_space<semaphore_mem>>)
      %dma_wait3A = arith.constant 0 : i32
      %dma_wait3A_260 = tpu.memref_slice %arg4[%run_scoped3A_141, %dma_wait3A] : memref<50x512xi32, #tpu.memory_space<vmem>> -> memref<1x512xi32, #tpu.memory_space<vmem>>
      %dma_wait3A_261 = tpu.memref_squeeze %dma_wait3A_260 : memref<1x512xi32, #tpu.memory_space<vmem>> -> memref<512xi32, #tpu.memory_space<vmem>>
      %dma_wait3A_262 = tpu.memref_slice %arg3[%add3A_140] : memref<819200xi32, #tpu.memory_space<hbm>> -> memref<512xi32, #tpu.memory_space<hbm>>
      %dma_wait3A_263 = tpu.memref_slice %arg3[%add3A_140] : memref<819200xi32, #tpu.memory_space<hbm>> -> memref<512xi32, #tpu.memory_space<hbm>>
      %dma_wait3A_264 = arith.constant 0 : i32
      %dma_wait3A_265 = tpu.memref_slice %arg4[%run_scoped3A_141, %dma_wait3A_264] : memref<50x512xi32, #tpu.memory_space<vmem>> -> memref<1x512xi32, #tpu.memory_space<vmem>>
      %dma_wait3A_266 = tpu.memref_squeeze %dma_wait3A_265 : memref<1x512xi32, #tpu.memory_space<vmem>> -> memref<512xi32, #tpu.memory_space<vmem>>
      tpu.wait_dma2 semaphore(%run_scoped3A_252 : memref<!tpu.dma_semaphore, #tpu.memory_space<semaphore_mem>>) src(%dma_wait3A_266 : memref<512xi32, #tpu.memory_space<vmem>>) dst(%dma_wait3A_263 : memref<512xi32, #tpu.memory_space<hbm>>)
      tpu.yield
    }) : () -> ()
    %mul3A_142 = arith.constant 25600 : i32
    %mul3A_143 = arith.muli %add3A, %mul3A_142 : i32
    %add3A_144 = arith.constant 14336 : i32
    %add3A_145 = arith.addi %mul3A_143, %add3A_144 : i32
    %run_scoped3A_146 = arith.constant 28 : i32
    "tpu.region"() ({
      %run_scoped3A_252 = tpu.sem_alloc : memref<!tpu.dma_semaphore, #tpu.memory_space<semaphore_mem>>
      %dma_start3A = arith.constant 0 : i32
      %dma_start3A_253 = tpu.memref_slice %arg4[%run_scoped3A_146, %dma_start3A] : memref<50x512xi32, #tpu.memory_space<vmem>> -> memref<1x512xi32, #tpu.memory_space<vmem>>
      %dma_start3A_254 = tpu.memref_squeeze %dma_start3A_253 : memref<1x512xi32, #tpu.memory_space<vmem>> -> memref<512xi32, #tpu.memory_space<vmem>>
      %dma_start3A_255 = tpu.memref_slice %arg3[%add3A_145] : memref<819200xi32, #tpu.memory_space<hbm>> -> memref<512xi32, #tpu.memory_space<hbm>>
      %dma_start3A_256 = tpu.memref_slice %arg3[%add3A_145] : memref<819200xi32, #tpu.memory_space<hbm>> -> memref<512xi32, #tpu.memory_space<hbm>>
      %dma_start3A_257 = arith.constant 0 : i32
      %dma_start3A_258 = tpu.memref_slice %arg4[%run_scoped3A_146, %dma_start3A_257] : memref<50x512xi32, #tpu.memory_space<vmem>> -> memref<1x512xi32, #tpu.memory_space<vmem>>
      %dma_start3A_259 = tpu.memref_squeeze %dma_start3A_258 : memref<1x512xi32, #tpu.memory_space<vmem>> -> memref<512xi32, #tpu.memory_space<vmem>>
      tpu.enqueue_dma source(%dma_start3A_259 : memref<512xi32, #tpu.memory_space<vmem>>) target(%dma_start3A_256 : memref<512xi32, #tpu.memory_space<hbm>>) target_semaphore(%run_scoped3A_252 : memref<!tpu.dma_semaphore, #tpu.memory_space<semaphore_mem>>)
      %dma_wait3A = arith.constant 0 : i32
      %dma_wait3A_260 = tpu.memref_slice %arg4[%run_scoped3A_146, %dma_wait3A] : memref<50x512xi32, #tpu.memory_space<vmem>> -> memref<1x512xi32, #tpu.memory_space<vmem>>
      %dma_wait3A_261 = tpu.memref_squeeze %dma_wait3A_260 : memref<1x512xi32, #tpu.memory_space<vmem>> -> memref<512xi32, #tpu.memory_space<vmem>>
      %dma_wait3A_262 = tpu.memref_slice %arg3[%add3A_145] : memref<819200xi32, #tpu.memory_space<hbm>> -> memref<512xi32, #tpu.memory_space<hbm>>
      %dma_wait3A_263 = tpu.memref_slice %arg3[%add3A_145] : memref<819200xi32, #tpu.memory_space<hbm>> -> memref<512xi32, #tpu.memory_space<hbm>>
      %dma_wait3A_264 = arith.constant 0 : i32
      %dma_wait3A_265 = tpu.memref_slice %arg4[%run_scoped3A_146, %dma_wait3A_264] : memref<50x512xi32, #tpu.memory_space<vmem>> -> memref<1x512xi32, #tpu.memory_space<vmem>>
      %dma_wait3A_266 = tpu.memref_squeeze %dma_wait3A_265 : memref<1x512xi32, #tpu.memory_space<vmem>> -> memref<512xi32, #tpu.memory_space<vmem>>
      tpu.wait_dma2 semaphore(%run_scoped3A_252 : memref<!tpu.dma_semaphore, #tpu.memory_space<semaphore_mem>>) src(%dma_wait3A_266 : memref<512xi32, #tpu.memory_space<vmem>>) dst(%dma_wait3A_263 : memref<512xi32, #tpu.memory_space<hbm>>)
      tpu.yield
    }) : () -> ()
    %mul3A_147 = arith.constant 25600 : i32
    %mul3A_148 = arith.muli %add3A, %mul3A_147 : i32
    %add3A_149 = arith.constant 14848 : i32
    %add3A_150 = arith.addi %mul3A_148, %add3A_149 : i32
    %run_scoped3A_151 = arith.constant 29 : i32
    "tpu.region"() ({
      %run_scoped3A_252 = tpu.sem_alloc : memref<!tpu.dma_semaphore, #tpu.memory_space<semaphore_mem>>
      %dma_start3A = arith.constant 0 : i32
      %dma_start3A_253 = tpu.memref_slice %arg4[%run_scoped3A_151, %dma_start3A] : memref<50x512xi32, #tpu.memory_space<vmem>> -> memref<1x512xi32, #tpu.memory_space<vmem>>
      %dma_start3A_254 = tpu.memref_squeeze %dma_start3A_253 : memref<1x512xi32, #tpu.memory_space<vmem>> -> memref<512xi32, #tpu.memory_space<vmem>>
      %dma_start3A_255 = tpu.memref_slice %arg3[%add3A_150] : memref<819200xi32, #tpu.memory_space<hbm>> -> memref<512xi32, #tpu.memory_space<hbm>>
      %dma_start3A_256 = tpu.memref_slice %arg3[%add3A_150] : memref<819200xi32, #tpu.memory_space<hbm>> -> memref<512xi32, #tpu.memory_space<hbm>>
      %dma_start3A_257 = arith.constant 0 : i32
      %dma_start3A_258 = tpu.memref_slice %arg4[%run_scoped3A_151, %dma_start3A_257] : memref<50x512xi32, #tpu.memory_space<vmem>> -> memref<1x512xi32, #tpu.memory_space<vmem>>
      %dma_start3A_259 = tpu.memref_squeeze %dma_start3A_258 : memref<1x512xi32, #tpu.memory_space<vmem>> -> memref<512xi32, #tpu.memory_space<vmem>>
      tpu.enqueue_dma source(%dma_start3A_259 : memref<512xi32, #tpu.memory_space<vmem>>) target(%dma_start3A_256 : memref<512xi32, #tpu.memory_space<hbm>>) target_semaphore(%run_scoped3A_252 : memref<!tpu.dma_semaphore, #tpu.memory_space<semaphore_mem>>)
      %dma_wait3A = arith.constant 0 : i32
      %dma_wait3A_260 = tpu.memref_slice %arg4[%run_scoped3A_151, %dma_wait3A] : memref<50x512xi32, #tpu.memory_space<vmem>> -> memref<1x512xi32, #tpu.memory_space<vmem>>
      %dma_wait3A_261 = tpu.memref_squeeze %dma_wait3A_260 : memref<1x512xi32, #tpu.memory_space<vmem>> -> memref<512xi32, #tpu.memory_space<vmem>>
      %dma_wait3A_262 = tpu.memref_slice %arg3[%add3A_150] : memref<819200xi32, #tpu.memory_space<hbm>> -> memref<512xi32, #tpu.memory_space<hbm>>
      %dma_wait3A_263 = tpu.memref_slice %arg3[%add3A_150] : memref<819200xi32, #tpu.memory_space<hbm>> -> memref<512xi32, #tpu.memory_space<hbm>>
      %dma_wait3A_264 = arith.constant 0 : i32
      %dma_wait3A_265 = tpu.memref_slice %arg4[%run_scoped3A_151, %dma_wait3A_264] : memref<50x512xi32, #tpu.memory_space<vmem>> -> memref<1x512xi32, #tpu.memory_space<vmem>>
      %dma_wait3A_266 = tpu.memref_squeeze %dma_wait3A_265 : memref<1x512xi32, #tpu.memory_space<vmem>> -> memref<512xi32, #tpu.memory_space<vmem>>
      tpu.wait_dma2 semaphore(%run_scoped3A_252 : memref<!tpu.dma_semaphore, #tpu.memory_space<semaphore_mem>>) src(%dma_wait3A_266 : memref<512xi32, #tpu.memory_space<vmem>>) dst(%dma_wait3A_263 : memref<512xi32, #tpu.memory_space<hbm>>)
      tpu.yield
    }) : () -> ()
    %mul3A_152 = arith.constant 25600 : i32
    %mul3A_153 = arith.muli %add3A, %mul3A_152 : i32
    %add3A_154 = arith.constant 15360 : i32
    %add3A_155 = arith.addi %mul3A_153, %add3A_154 : i32
    %run_scoped3A_156 = arith.constant 30 : i32
    "tpu.region"() ({
      %run_scoped3A_252 = tpu.sem_alloc : memref<!tpu.dma_semaphore, #tpu.memory_space<semaphore_mem>>
      %dma_start3A = arith.constant 0 : i32
      %dma_start3A_253 = tpu.memref_slice %arg4[%run_scoped3A_156, %dma_start3A] : memref<50x512xi32, #tpu.memory_space<vmem>> -> memref<1x512xi32, #tpu.memory_space<vmem>>
      %dma_start3A_254 = tpu.memref_squeeze %dma_start3A_253 : memref<1x512xi32, #tpu.memory_space<vmem>> -> memref<512xi32, #tpu.memory_space<vmem>>
      %dma_start3A_255 = tpu.memref_slice %arg3[%add3A_155] : memref<819200xi32, #tpu.memory_space<hbm>> -> memref<512xi32, #tpu.memory_space<hbm>>
      %dma_start3A_256 = tpu.memref_slice %arg3[%add3A_155] : memref<819200xi32, #tpu.memory_space<hbm>> -> memref<512xi32, #tpu.memory_space<hbm>>
      %dma_start3A_257 = arith.constant 0 : i32
      %dma_start3A_258 = tpu.memref_slice %arg4[%run_scoped3A_156, %dma_start3A_257] : memref<50x512xi32, #tpu.memory_space<vmem>> -> memref<1x512xi32, #tpu.memory_space<vmem>>
      %dma_start3A_259 = tpu.memref_squeeze %dma_start3A_258 : memref<1x512xi32, #tpu.memory_space<vmem>> -> memref<512xi32, #tpu.memory_space<vmem>>
      tpu.enqueue_dma source(%dma_start3A_259 : memref<512xi32, #tpu.memory_space<vmem>>) target(%dma_start3A_256 : memref<512xi32, #tpu.memory_space<hbm>>) target_semaphore(%run_scoped3A_252 : memref<!tpu.dma_semaphore, #tpu.memory_space<semaphore_mem>>)
      %dma_wait3A = arith.constant 0 : i32
      %dma_wait3A_260 = tpu.memref_slice %arg4[%run_scoped3A_156, %dma_wait3A] : memref<50x512xi32, #tpu.memory_space<vmem>> -> memref<1x512xi32, #tpu.memory_space<vmem>>
      %dma_wait3A_261 = tpu.memref_squeeze %dma_wait3A_260 : memref<1x512xi32, #tpu.memory_space<vmem>> -> memref<512xi32, #tpu.memory_space<vmem>>
      %dma_wait3A_262 = tpu.memref_slice %arg3[%add3A_155] : memref<819200xi32, #tpu.memory_space<hbm>> -> memref<512xi32, #tpu.memory_space<hbm>>
      %dma_wait3A_263 = tpu.memref_slice %arg3[%add3A_155] : memref<819200xi32, #tpu.memory_space<hbm>> -> memref<512xi32, #tpu.memory_space<hbm>>
      %dma_wait3A_264 = arith.constant 0 : i32
      %dma_wait3A_265 = tpu.memref_slice %arg4[%run_scoped3A_156, %dma_wait3A_264] : memref<50x512xi32, #tpu.memory_space<vmem>> -> memref<1x512xi32, #tpu.memory_space<vmem>>
      %dma_wait3A_266 = tpu.memref_squeeze %dma_wait3A_265 : memref<1x512xi32, #tpu.memory_space<vmem>> -> memref<512xi32, #tpu.memory_space<vmem>>
      tpu.wait_dma2 semaphore(%run_scoped3A_252 : memref<!tpu.dma_semaphore, #tpu.memory_space<semaphore_mem>>) src(%dma_wait3A_266 : memref<512xi32, #tpu.memory_space<vmem>>) dst(%dma_wait3A_263 : memref<512xi32, #tpu.memory_space<hbm>>)
      tpu.yield
    }) : () -> ()
    %mul3A_157 = arith.constant 25600 : i32
    %mul3A_158 = arith.muli %add3A, %mul3A_157 : i32
    %add3A_159 = arith.constant 15872 : i32
    %add3A_160 = arith.addi %mul3A_158, %add3A_159 : i32
    %run_scoped3A_161 = arith.constant 31 : i32
    "tpu.region"() ({
      %run_scoped3A_252 = tpu.sem_alloc : memref<!tpu.dma_semaphore, #tpu.memory_space<semaphore_mem>>
      %dma_start3A = arith.constant 0 : i32
      %dma_start3A_253 = tpu.memref_slice %arg4[%run_scoped3A_161, %dma_start3A] : memref<50x512xi32, #tpu.memory_space<vmem>> -> memref<1x512xi32, #tpu.memory_space<vmem>>
      %dma_start3A_254 = tpu.memref_squeeze %dma_start3A_253 : memref<1x512xi32, #tpu.memory_space<vmem>> -> memref<512xi32, #tpu.memory_space<vmem>>
      %dma_start3A_255 = tpu.memref_slice %arg3[%add3A_160] : memref<819200xi32, #tpu.memory_space<hbm>> -> memref<512xi32, #tpu.memory_space<hbm>>
      %dma_start3A_256 = tpu.memref_slice %arg3[%add3A_160] : memref<819200xi32, #tpu.memory_space<hbm>> -> memref<512xi32, #tpu.memory_space<hbm>>
      %dma_start3A_257 = arith.constant 0 : i32
      %dma_start3A_258 = tpu.memref_slice %arg4[%run_scoped3A_161, %dma_start3A_257] : memref<50x512xi32, #tpu.memory_space<vmem>> -> memref<1x512xi32, #tpu.memory_space<vmem>>
      %dma_start3A_259 = tpu.memref_squeeze %dma_start3A_258 : memref<1x512xi32, #tpu.memory_space<vmem>> -> memref<512xi32, #tpu.memory_space<vmem>>
      tpu.enqueue_dma source(%dma_start3A_259 : memref<512xi32, #tpu.memory_space<vmem>>) target(%dma_start3A_256 : memref<512xi32, #tpu.memory_space<hbm>>) target_semaphore(%run_scoped3A_252 : memref<!tpu.dma_semaphore, #tpu.memory_space<semaphore_mem>>)
      %dma_wait3A = arith.constant 0 : i32
      %dma_wait3A_260 = tpu.memref_slice %arg4[%run_scoped3A_161, %dma_wait3A] : memref<50x512xi32, #tpu.memory_space<vmem>> -> memref<1x512xi32, #tpu.memory_space<vmem>>
      %dma_wait3A_261 = tpu.memref_squeeze %dma_wait3A_260 : memref<1x512xi32, #tpu.memory_space<vmem>> -> memref<512xi32, #tpu.memory_space<vmem>>
      %dma_wait3A_262 = tpu.memref_slice %arg3[%add3A_160] : memref<819200xi32, #tpu.memory_space<hbm>> -> memref<512xi32, #tpu.memory_space<hbm>>
      %dma_wait3A_263 = tpu.memref_slice %arg3[%add3A_160] : memref<819200xi32, #tpu.memory_space<hbm>> -> memref<512xi32, #tpu.memory_space<hbm>>
      %dma_wait3A_264 = arith.constant 0 : i32
      %dma_wait3A_265 = tpu.memref_slice %arg4[%run_scoped3A_161, %dma_wait3A_264] : memref<50x512xi32, #tpu.memory_space<vmem>> -> memref<1x512xi32, #tpu.memory_space<vmem>>
      %dma_wait3A_266 = tpu.memref_squeeze %dma_wait3A_265 : memref<1x512xi32, #tpu.memory_space<vmem>> -> memref<512xi32, #tpu.memory_space<vmem>>
      tpu.wait_dma2 semaphore(%run_scoped3A_252 : memref<!tpu.dma_semaphore, #tpu.memory_space<semaphore_mem>>) src(%dma_wait3A_266 : memref<512xi32, #tpu.memory_space<vmem>>) dst(%dma_wait3A_263 : memref<512xi32, #tpu.memory_space<hbm>>)
      tpu.yield
    }) : () -> ()
    %mul3A_162 = arith.constant 25600 : i32
    %mul3A_163 = arith.muli %add3A, %mul3A_162 : i32
    %add3A_164 = arith.constant 16384 : i32
    %add3A_165 = arith.addi %mul3A_163, %add3A_164 : i32
    %run_scoped3A_166 = arith.constant 32 : i32
    "tpu.region"() ({
      %run_scoped3A_252 = tpu.sem_alloc : memref<!tpu.dma_semaphore, #tpu.memory_space<semaphore_mem>>
      %dma_start3A = arith.constant 0 : i32
      %dma_start3A_253 = tpu.memref_slice %arg4[%run_scoped3A_166, %dma_start3A] : memref<50x512xi32, #tpu.memory_space<vmem>> -> memref<1x512xi32, #tpu.memory_space<vmem>>
      %dma_start3A_254 = tpu.memref_squeeze %dma_start3A_253 : memref<1x512xi32, #tpu.memory_space<vmem>> -> memref<512xi32, #tpu.memory_space<vmem>>
      %dma_start3A_255 = tpu.memref_slice %arg3[%add3A_165] : memref<819200xi32, #tpu.memory_space<hbm>> -> memref<512xi32, #tpu.memory_space<hbm>>
      %dma_start3A_256 = tpu.memref_slice %arg3[%add3A_165] : memref<819200xi32, #tpu.memory_space<hbm>> -> memref<512xi32, #tpu.memory_space<hbm>>
      %dma_start3A_257 = arith.constant 0 : i32
      %dma_start3A_258 = tpu.memref_slice %arg4[%run_scoped3A_166, %dma_start3A_257] : memref<50x512xi32, #tpu.memory_space<vmem>> -> memref<1x512xi32, #tpu.memory_space<vmem>>
      %dma_start3A_259 = tpu.memref_squeeze %dma_start3A_258 : memref<1x512xi32, #tpu.memory_space<vmem>> -> memref<512xi32, #tpu.memory_space<vmem>>
      tpu.enqueue_dma source(%dma_start3A_259 : memref<512xi32, #tpu.memory_space<vmem>>) target(%dma_start3A_256 : memref<512xi32, #tpu.memory_space<hbm>>) target_semaphore(%run_scoped3A_252 : memref<!tpu.dma_semaphore, #tpu.memory_space<semaphore_mem>>)
      %dma_wait3A = arith.constant 0 : i32
      %dma_wait3A_260 = tpu.memref_slice %arg4[%run_scoped3A_166, %dma_wait3A] : memref<50x512xi32, #tpu.memory_space<vmem>> -> memref<1x512xi32, #tpu.memory_space<vmem>>
      %dma_wait3A_261 = tpu.memref_squeeze %dma_wait3A_260 : memref<1x512xi32, #tpu.memory_space<vmem>> -> memref<512xi32, #tpu.memory_space<vmem>>
      %dma_wait3A_262 = tpu.memref_slice %arg3[%add3A_165] : memref<819200xi32, #tpu.memory_space<hbm>> -> memref<512xi32, #tpu.memory_space<hbm>>
      %dma_wait3A_263 = tpu.memref_slice %arg3[%add3A_165] : memref<819200xi32, #tpu.memory_space<hbm>> -> memref<512xi32, #tpu.memory_space<hbm>>
      %dma_wait3A_264 = arith.constant 0 : i32
      %dma_wait3A_265 = tpu.memref_slice %arg4[%run_scoped3A_166, %dma_wait3A_264] : memref<50x512xi32, #tpu.memory_space<vmem>> -> memref<1x512xi32, #tpu.memory_space<vmem>>
      %dma_wait3A_266 = tpu.memref_squeeze %dma_wait3A_265 : memref<1x512xi32, #tpu.memory_space<vmem>> -> memref<512xi32, #tpu.memory_space<vmem>>
      tpu.wait_dma2 semaphore(%run_scoped3A_252 : memref<!tpu.dma_semaphore, #tpu.memory_space<semaphore_mem>>) src(%dma_wait3A_266 : memref<512xi32, #tpu.memory_space<vmem>>) dst(%dma_wait3A_263 : memref<512xi32, #tpu.memory_space<hbm>>)
      tpu.yield
    }) : () -> ()
    %mul3A_167 = arith.constant 25600 : i32
    %mul3A_168 = arith.muli %add3A, %mul3A_167 : i32
    %add3A_169 = arith.constant 16896 : i32
    %add3A_170 = arith.addi %mul3A_168, %add3A_169 : i32
    %run_scoped3A_171 = arith.constant 33 : i32
    "tpu.region"() ({
      %run_scoped3A_252 = tpu.sem_alloc : memref<!tpu.dma_semaphore, #tpu.memory_space<semaphore_mem>>
      %dma_start3A = arith.constant 0 : i32
      %dma_start3A_253 = tpu.memref_slice %arg4[%run_scoped3A_171, %dma_start3A] : memref<50x512xi32, #tpu.memory_space<vmem>> -> memref<1x512xi32, #tpu.memory_space<vmem>>
      %dma_start3A_254 = tpu.memref_squeeze %dma_start3A_253 : memref<1x512xi32, #tpu.memory_space<vmem>> -> memref<512xi32, #tpu.memory_space<vmem>>
      %dma_start3A_255 = tpu.memref_slice %arg3[%add3A_170] : memref<819200xi32, #tpu.memory_space<hbm>> -> memref<512xi32, #tpu.memory_space<hbm>>
      %dma_start3A_256 = tpu.memref_slice %arg3[%add3A_170] : memref<819200xi32, #tpu.memory_space<hbm>> -> memref<512xi32, #tpu.memory_space<hbm>>
      %dma_start3A_257 = arith.constant 0 : i32
      %dma_start3A_258 = tpu.memref_slice %arg4[%run_scoped3A_171, %dma_start3A_257] : memref<50x512xi32, #tpu.memory_space<vmem>> -> memref<1x512xi32, #tpu.memory_space<vmem>>
      %dma_start3A_259 = tpu.memref_squeeze %dma_start3A_258 : memref<1x512xi32, #tpu.memory_space<vmem>> -> memref<512xi32, #tpu.memory_space<vmem>>
      tpu.enqueue_dma source(%dma_start3A_259 : memref<512xi32, #tpu.memory_space<vmem>>) target(%dma_start3A_256 : memref<512xi32, #tpu.memory_space<hbm>>) target_semaphore(%run_scoped3A_252 : memref<!tpu.dma_semaphore, #tpu.memory_space<semaphore_mem>>)
      %dma_wait3A = arith.constant 0 : i32
      %dma_wait3A_260 = tpu.memref_slice %arg4[%run_scoped3A_171, %dma_wait3A] : memref<50x512xi32, #tpu.memory_space<vmem>> -> memref<1x512xi32, #tpu.memory_space<vmem>>
      %dma_wait3A_261 = tpu.memref_squeeze %dma_wait3A_260 : memref<1x512xi32, #tpu.memory_space<vmem>> -> memref<512xi32, #tpu.memory_space<vmem>>
      %dma_wait3A_262 = tpu.memref_slice %arg3[%add3A_170] : memref<819200xi32, #tpu.memory_space<hbm>> -> memref<512xi32, #tpu.memory_space<hbm>>
      %dma_wait3A_263 = tpu.memref_slice %arg3[%add3A_170] : memref<819200xi32, #tpu.memory_space<hbm>> -> memref<512xi32, #tpu.memory_space<hbm>>
      %dma_wait3A_264 = arith.constant 0 : i32
      %dma_wait3A_265 = tpu.memref_slice %arg4[%run_scoped3A_171, %dma_wait3A_264] : memref<50x512xi32, #tpu.memory_space<vmem>> -> memref<1x512xi32, #tpu.memory_space<vmem>>
      %dma_wait3A_266 = tpu.memref_squeeze %dma_wait3A_265 : memref<1x512xi32, #tpu.memory_space<vmem>> -> memref<512xi32, #tpu.memory_space<vmem>>
      tpu.wait_dma2 semaphore(%run_scoped3A_252 : memref<!tpu.dma_semaphore, #tpu.memory_space<semaphore_mem>>) src(%dma_wait3A_266 : memref<512xi32, #tpu.memory_space<vmem>>) dst(%dma_wait3A_263 : memref<512xi32, #tpu.memory_space<hbm>>)
      tpu.yield
    }) : () -> ()
    %mul3A_172 = arith.constant 25600 : i32
    %mul3A_173 = arith.muli %add3A, %mul3A_172 : i32
    %add3A_174 = arith.constant 17408 : i32
    %add3A_175 = arith.addi %mul3A_173, %add3A_174 : i32
    %run_scoped3A_176 = arith.constant 34 : i32
    "tpu.region"() ({
      %run_scoped3A_252 = tpu.sem_alloc : memref<!tpu.dma_semaphore, #tpu.memory_space<semaphore_mem>>
      %dma_start3A = arith.constant 0 : i32
      %dma_start3A_253 = tpu.memref_slice %arg4[%run_scoped3A_176, %dma_start3A] : memref<50x512xi32, #tpu.memory_space<vmem>> -> memref<1x512xi32, #tpu.memory_space<vmem>>
      %dma_start3A_254 = tpu.memref_squeeze %dma_start3A_253 : memref<1x512xi32, #tpu.memory_space<vmem>> -> memref<512xi32, #tpu.memory_space<vmem>>
      %dma_start3A_255 = tpu.memref_slice %arg3[%add3A_175] : memref<819200xi32, #tpu.memory_space<hbm>> -> memref<512xi32, #tpu.memory_space<hbm>>
      %dma_start3A_256 = tpu.memref_slice %arg3[%add3A_175] : memref<819200xi32, #tpu.memory_space<hbm>> -> memref<512xi32, #tpu.memory_space<hbm>>
      %dma_start3A_257 = arith.constant 0 : i32
      %dma_start3A_258 = tpu.memref_slice %arg4[%run_scoped3A_176, %dma_start3A_257] : memref<50x512xi32, #tpu.memory_space<vmem>> -> memref<1x512xi32, #tpu.memory_space<vmem>>
      %dma_start3A_259 = tpu.memref_squeeze %dma_start3A_258 : memref<1x512xi32, #tpu.memory_space<vmem>> -> memref<512xi32, #tpu.memory_space<vmem>>
      tpu.enqueue_dma source(%dma_start3A_259 : memref<512xi32, #tpu.memory_space<vmem>>) target(%dma_start3A_256 : memref<512xi32, #tpu.memory_space<hbm>>) target_semaphore(%run_scoped3A_252 : memref<!tpu.dma_semaphore, #tpu.memory_space<semaphore_mem>>)
      %dma_wait3A = arith.constant 0 : i32
      %dma_wait3A_260 = tpu.memref_slice %arg4[%run_scoped3A_176, %dma_wait3A] : memref<50x512xi32, #tpu.memory_space<vmem>> -> memref<1x512xi32, #tpu.memory_space<vmem>>
      %dma_wait3A_261 = tpu.memref_squeeze %dma_wait3A_260 : memref<1x512xi32, #tpu.memory_space<vmem>> -> memref<512xi32, #tpu.memory_space<vmem>>
      %dma_wait3A_262 = tpu.memref_slice %arg3[%add3A_175] : memref<819200xi32, #tpu.memory_space<hbm>> -> memref<512xi32, #tpu.memory_space<hbm>>
      %dma_wait3A_263 = tpu.memref_slice %arg3[%add3A_175] : memref<819200xi32, #tpu.memory_space<hbm>> -> memref<512xi32, #tpu.memory_space<hbm>>
      %dma_wait3A_264 = arith.constant 0 : i32
      %dma_wait3A_265 = tpu.memref_slice %arg4[%run_scoped3A_176, %dma_wait3A_264] : memref<50x512xi32, #tpu.memory_space<vmem>> -> memref<1x512xi32, #tpu.memory_space<vmem>>
      %dma_wait3A_266 = tpu.memref_squeeze %dma_wait3A_265 : memref<1x512xi32, #tpu.memory_space<vmem>> -> memref<512xi32, #tpu.memory_space<vmem>>
      tpu.wait_dma2 semaphore(%run_scoped3A_252 : memref<!tpu.dma_semaphore, #tpu.memory_space<semaphore_mem>>) src(%dma_wait3A_266 : memref<512xi32, #tpu.memory_space<vmem>>) dst(%dma_wait3A_263 : memref<512xi32, #tpu.memory_space<hbm>>)
      tpu.yield
    }) : () -> ()
    %mul3A_177 = arith.constant 25600 : i32
    %mul3A_178 = arith.muli %add3A, %mul3A_177 : i32
    %add3A_179 = arith.constant 17920 : i32
    %add3A_180 = arith.addi %mul3A_178, %add3A_179 : i32
    %run_scoped3A_181 = arith.constant 35 : i32
    "tpu.region"() ({
      %run_scoped3A_252 = tpu.sem_alloc : memref<!tpu.dma_semaphore, #tpu.memory_space<semaphore_mem>>
      %dma_start3A = arith.constant 0 : i32
      %dma_start3A_253 = tpu.memref_slice %arg4[%run_scoped3A_181, %dma_start3A] : memref<50x512xi32, #tpu.memory_space<vmem>> -> memref<1x512xi32, #tpu.memory_space<vmem>>
      %dma_start3A_254 = tpu.memref_squeeze %dma_start3A_253 : memref<1x512xi32, #tpu.memory_space<vmem>> -> memref<512xi32, #tpu.memory_space<vmem>>
      %dma_start3A_255 = tpu.memref_slice %arg3[%add3A_180] : memref<819200xi32, #tpu.memory_space<hbm>> -> memref<512xi32, #tpu.memory_space<hbm>>
      %dma_start3A_256 = tpu.memref_slice %arg3[%add3A_180] : memref<819200xi32, #tpu.memory_space<hbm>> -> memref<512xi32, #tpu.memory_space<hbm>>
      %dma_start3A_257 = arith.constant 0 : i32
      %dma_start3A_258 = tpu.memref_slice %arg4[%run_scoped3A_181, %dma_start3A_257] : memref<50x512xi32, #tpu.memory_space<vmem>> -> memref<1x512xi32, #tpu.memory_space<vmem>>
      %dma_start3A_259 = tpu.memref_squeeze %dma_start3A_258 : memref<1x512xi32, #tpu.memory_space<vmem>> -> memref<512xi32, #tpu.memory_space<vmem>>
      tpu.enqueue_dma source(%dma_start3A_259 : memref<512xi32, #tpu.memory_space<vmem>>) target(%dma_start3A_256 : memref<512xi32, #tpu.memory_space<hbm>>) target_semaphore(%run_scoped3A_252 : memref<!tpu.dma_semaphore, #tpu.memory_space<semaphore_mem>>)
      %dma_wait3A = arith.constant 0 : i32
      %dma_wait3A_260 = tpu.memref_slice %arg4[%run_scoped3A_181, %dma_wait3A] : memref<50x512xi32, #tpu.memory_space<vmem>> -> memref<1x512xi32, #tpu.memory_space<vmem>>
      %dma_wait3A_261 = tpu.memref_squeeze %dma_wait3A_260 : memref<1x512xi32, #tpu.memory_space<vmem>> -> memref<512xi32, #tpu.memory_space<vmem>>
      %dma_wait3A_262 = tpu.memref_slice %arg3[%add3A_180] : memref<819200xi32, #tpu.memory_space<hbm>> -> memref<512xi32, #tpu.memory_space<hbm>>
      %dma_wait3A_263 = tpu.memref_slice %arg3[%add3A_180] : memref<819200xi32, #tpu.memory_space<hbm>> -> memref<512xi32, #tpu.memory_space<hbm>>
      %dma_wait3A_264 = arith.constant 0 : i32
      %dma_wait3A_265 = tpu.memref_slice %arg4[%run_scoped3A_181, %dma_wait3A_264] : memref<50x512xi32, #tpu.memory_space<vmem>> -> memref<1x512xi32, #tpu.memory_space<vmem>>
      %dma_wait3A_266 = tpu.memref_squeeze %dma_wait3A_265 : memref<1x512xi32, #tpu.memory_space<vmem>> -> memref<512xi32, #tpu.memory_space<vmem>>
      tpu.wait_dma2 semaphore(%run_scoped3A_252 : memref<!tpu.dma_semaphore, #tpu.memory_space<semaphore_mem>>) src(%dma_wait3A_266 : memref<512xi32, #tpu.memory_space<vmem>>) dst(%dma_wait3A_263 : memref<512xi32, #tpu.memory_space<hbm>>)
      tpu.yield
    }) : () -> ()
    %mul3A_182 = arith.constant 25600 : i32
    %mul3A_183 = arith.muli %add3A, %mul3A_182 : i32
    %add3A_184 = arith.constant 18432 : i32
    %add3A_185 = arith.addi %mul3A_183, %add3A_184 : i32
    %run_scoped3A_186 = arith.constant 36 : i32
    "tpu.region"() ({
      %run_scoped3A_252 = tpu.sem_alloc : memref<!tpu.dma_semaphore, #tpu.memory_space<semaphore_mem>>
      %dma_start3A = arith.constant 0 : i32
      %dma_start3A_253 = tpu.memref_slice %arg4[%run_scoped3A_186, %dma_start3A] : memref<50x512xi32, #tpu.memory_space<vmem>> -> memref<1x512xi32, #tpu.memory_space<vmem>>
      %dma_start3A_254 = tpu.memref_squeeze %dma_start3A_253 : memref<1x512xi32, #tpu.memory_space<vmem>> -> memref<512xi32, #tpu.memory_space<vmem>>
      %dma_start3A_255 = tpu.memref_slice %arg3[%add3A_185] : memref<819200xi32, #tpu.memory_space<hbm>> -> memref<512xi32, #tpu.memory_space<hbm>>
      %dma_start3A_256 = tpu.memref_slice %arg3[%add3A_185] : memref<819200xi32, #tpu.memory_space<hbm>> -> memref<512xi32, #tpu.memory_space<hbm>>
      %dma_start3A_257 = arith.constant 0 : i32
      %dma_start3A_258 = tpu.memref_slice %arg4[%run_scoped3A_186, %dma_start3A_257] : memref<50x512xi32, #tpu.memory_space<vmem>> -> memref<1x512xi32, #tpu.memory_space<vmem>>
      %dma_start3A_259 = tpu.memref_squeeze %dma_start3A_258 : memref<1x512xi32, #tpu.memory_space<vmem>> -> memref<512xi32, #tpu.memory_space<vmem>>
      tpu.enqueue_dma source(%dma_start3A_259 : memref<512xi32, #tpu.memory_space<vmem>>) target(%dma_start3A_256 : memref<512xi32, #tpu.memory_space<hbm>>) target_semaphore(%run_scoped3A_252 : memref<!tpu.dma_semaphore, #tpu.memory_space<semaphore_mem>>)
      %dma_wait3A = arith.constant 0 : i32
      %dma_wait3A_260 = tpu.memref_slice %arg4[%run_scoped3A_186, %dma_wait3A] : memref<50x512xi32, #tpu.memory_space<vmem>> -> memref<1x512xi32, #tpu.memory_space<vmem>>
      %dma_wait3A_261 = tpu.memref_squeeze %dma_wait3A_260 : memref<1x512xi32, #tpu.memory_space<vmem>> -> memref<512xi32, #tpu.memory_space<vmem>>
      %dma_wait3A_262 = tpu.memref_slice %arg3[%add3A_185] : memref<819200xi32, #tpu.memory_space<hbm>> -> memref<512xi32, #tpu.memory_space<hbm>>
      %dma_wait3A_263 = tpu.memref_slice %arg3[%add3A_185] : memref<819200xi32, #tpu.memory_space<hbm>> -> memref<512xi32, #tpu.memory_space<hbm>>
      %dma_wait3A_264 = arith.constant 0 : i32
      %dma_wait3A_265 = tpu.memref_slice %arg4[%run_scoped3A_186, %dma_wait3A_264] : memref<50x512xi32, #tpu.memory_space<vmem>> -> memref<1x512xi32, #tpu.memory_space<vmem>>
      %dma_wait3A_266 = tpu.memref_squeeze %dma_wait3A_265 : memref<1x512xi32, #tpu.memory_space<vmem>> -> memref<512xi32, #tpu.memory_space<vmem>>
      tpu.wait_dma2 semaphore(%run_scoped3A_252 : memref<!tpu.dma_semaphore, #tpu.memory_space<semaphore_mem>>) src(%dma_wait3A_266 : memref<512xi32, #tpu.memory_space<vmem>>) dst(%dma_wait3A_263 : memref<512xi32, #tpu.memory_space<hbm>>)
      tpu.yield
    }) : () -> ()
    %mul3A_187 = arith.constant 25600 : i32
    %mul3A_188 = arith.muli %add3A, %mul3A_187 : i32
    %add3A_189 = arith.constant 18944 : i32
    %add3A_190 = arith.addi %mul3A_188, %add3A_189 : i32
    %run_scoped3A_191 = arith.constant 37 : i32
    "tpu.region"() ({
      %run_scoped3A_252 = tpu.sem_alloc : memref<!tpu.dma_semaphore, #tpu.memory_space<semaphore_mem>>
      %dma_start3A = arith.constant 0 : i32
      %dma_start3A_253 = tpu.memref_slice %arg4[%run_scoped3A_191, %dma_start3A] : memref<50x512xi32, #tpu.memory_space<vmem>> -> memref<1x512xi32, #tpu.memory_space<vmem>>
      %dma_start3A_254 = tpu.memref_squeeze %dma_start3A_253 : memref<1x512xi32, #tpu.memory_space<vmem>> -> memref<512xi32, #tpu.memory_space<vmem>>
      %dma_start3A_255 = tpu.memref_slice %arg3[%add3A_190] : memref<819200xi32, #tpu.memory_space<hbm>> -> memref<512xi32, #tpu.memory_space<hbm>>
      %dma_start3A_256 = tpu.memref_slice %arg3[%add3A_190] : memref<819200xi32, #tpu.memory_space<hbm>> -> memref<512xi32, #tpu.memory_space<hbm>>
      %dma_start3A_257 = arith.constant 0 : i32
      %dma_start3A_258 = tpu.memref_slice %arg4[%run_scoped3A_191, %dma_start3A_257] : memref<50x512xi32, #tpu.memory_space<vmem>> -> memref<1x512xi32, #tpu.memory_space<vmem>>
      %dma_start3A_259 = tpu.memref_squeeze %dma_start3A_258 : memref<1x512xi32, #tpu.memory_space<vmem>> -> memref<512xi32, #tpu.memory_space<vmem>>
      tpu.enqueue_dma source(%dma_start3A_259 : memref<512xi32, #tpu.memory_space<vmem>>) target(%dma_start3A_256 : memref<512xi32, #tpu.memory_space<hbm>>) target_semaphore(%run_scoped3A_252 : memref<!tpu.dma_semaphore, #tpu.memory_space<semaphore_mem>>)
      %dma_wait3A = arith.constant 0 : i32
      %dma_wait3A_260 = tpu.memref_slice %arg4[%run_scoped3A_191, %dma_wait3A] : memref<50x512xi32, #tpu.memory_space<vmem>> -> memref<1x512xi32, #tpu.memory_space<vmem>>
      %dma_wait3A_261 = tpu.memref_squeeze %dma_wait3A_260 : memref<1x512xi32, #tpu.memory_space<vmem>> -> memref<512xi32, #tpu.memory_space<vmem>>
      %dma_wait3A_262 = tpu.memref_slice %arg3[%add3A_190] : memref<819200xi32, #tpu.memory_space<hbm>> -> memref<512xi32, #tpu.memory_space<hbm>>
      %dma_wait3A_263 = tpu.memref_slice %arg3[%add3A_190] : memref<819200xi32, #tpu.memory_space<hbm>> -> memref<512xi32, #tpu.memory_space<hbm>>
      %dma_wait3A_264 = arith.constant 0 : i32
      %dma_wait3A_265 = tpu.memref_slice %arg4[%run_scoped3A_191, %dma_wait3A_264] : memref<50x512xi32, #tpu.memory_space<vmem>> -> memref<1x512xi32, #tpu.memory_space<vmem>>
      %dma_wait3A_266 = tpu.memref_squeeze %dma_wait3A_265 : memref<1x512xi32, #tpu.memory_space<vmem>> -> memref<512xi32, #tpu.memory_space<vmem>>
      tpu.wait_dma2 semaphore(%run_scoped3A_252 : memref<!tpu.dma_semaphore, #tpu.memory_space<semaphore_mem>>) src(%dma_wait3A_266 : memref<512xi32, #tpu.memory_space<vmem>>) dst(%dma_wait3A_263 : memref<512xi32, #tpu.memory_space<hbm>>)
      tpu.yield
    }) : () -> ()
    %mul3A_192 = arith.constant 25600 : i32
    %mul3A_193 = arith.muli %add3A, %mul3A_192 : i32
    %add3A_194 = arith.constant 19456 : i32
    %add3A_195 = arith.addi %mul3A_193, %add3A_194 : i32
    %run_scoped3A_196 = arith.constant 38 : i32
    "tpu.region"() ({
      %run_scoped3A_252 = tpu.sem_alloc : memref<!tpu.dma_semaphore, #tpu.memory_space<semaphore_mem>>
      %dma_start3A = arith.constant 0 : i32
      %dma_start3A_253 = tpu.memref_slice %arg4[%run_scoped3A_196, %dma_start3A] : memref<50x512xi32, #tpu.memory_space<vmem>> -> memref<1x512xi32, #tpu.memory_space<vmem>>
      %dma_start3A_254 = tpu.memref_squeeze %dma_start3A_253 : memref<1x512xi32, #tpu.memory_space<vmem>> -> memref<512xi32, #tpu.memory_space<vmem>>
      %dma_start3A_255 = tpu.memref_slice %arg3[%add3A_195] : memref<819200xi32, #tpu.memory_space<hbm>> -> memref<512xi32, #tpu.memory_space<hbm>>
      %dma_start3A_256 = tpu.memref_slice %arg3[%add3A_195] : memref<819200xi32, #tpu.memory_space<hbm>> -> memref<512xi32, #tpu.memory_space<hbm>>
      %dma_start3A_257 = arith.constant 0 : i32
      %dma_start3A_258 = tpu.memref_slice %arg4[%run_scoped3A_196, %dma_start3A_257] : memref<50x512xi32, #tpu.memory_space<vmem>> -> memref<1x512xi32, #tpu.memory_space<vmem>>
      %dma_start3A_259 = tpu.memref_squeeze %dma_start3A_258 : memref<1x512xi32, #tpu.memory_space<vmem>> -> memref<512xi32, #tpu.memory_space<vmem>>
      tpu.enqueue_dma source(%dma_start3A_259 : memref<512xi32, #tpu.memory_space<vmem>>) target(%dma_start3A_256 : memref<512xi32, #tpu.memory_space<hbm>>) target_semaphore(%run_scoped3A_252 : memref<!tpu.dma_semaphore, #tpu.memory_space<semaphore_mem>>)
      %dma_wait3A = arith.constant 0 : i32
      %dma_wait3A_260 = tpu.memref_slice %arg4[%run_scoped3A_196, %dma_wait3A] : memref<50x512xi32, #tpu.memory_space<vmem>> -> memref<1x512xi32, #tpu.memory_space<vmem>>
      %dma_wait3A_261 = tpu.memref_squeeze %dma_wait3A_260 : memref<1x512xi32, #tpu.memory_space<vmem>> -> memref<512xi32, #tpu.memory_space<vmem>>
      %dma_wait3A_262 = tpu.memref_slice %arg3[%add3A_195] : memref<819200xi32, #tpu.memory_space<hbm>> -> memref<512xi32, #tpu.memory_space<hbm>>
      %dma_wait3A_263 = tpu.memref_slice %arg3[%add3A_195] : memref<819200xi32, #tpu.memory_space<hbm>> -> memref<512xi32, #tpu.memory_space<hbm>>
      %dma_wait3A_264 = arith.constant 0 : i32
      %dma_wait3A_265 = tpu.memref_slice %arg4[%run_scoped3A_196, %dma_wait3A_264] : memref<50x512xi32, #tpu.memory_space<vmem>> -> memref<1x512xi32, #tpu.memory_space<vmem>>
      %dma_wait3A_266 = tpu.memref_squeeze %dma_wait3A_265 : memref<1x512xi32, #tpu.memory_space<vmem>> -> memref<512xi32, #tpu.memory_space<vmem>>
      tpu.wait_dma2 semaphore(%run_scoped3A_252 : memref<!tpu.dma_semaphore, #tpu.memory_space<semaphore_mem>>) src(%dma_wait3A_266 : memref<512xi32, #tpu.memory_space<vmem>>) dst(%dma_wait3A_263 : memref<512xi32, #tpu.memory_space<hbm>>)
      tpu.yield
    }) : () -> ()
    %mul3A_197 = arith.constant 25600 : i32
    %mul3A_198 = arith.muli %add3A, %mul3A_197 : i32
    %add3A_199 = arith.constant 19968 : i32
    %add3A_200 = arith.addi %mul3A_198, %add3A_199 : i32
    %run_scoped3A_201 = arith.constant 39 : i32
    "tpu.region"() ({
      %run_scoped3A_252 = tpu.sem_alloc : memref<!tpu.dma_semaphore, #tpu.memory_space<semaphore_mem>>
      %dma_start3A = arith.constant 0 : i32
      %dma_start3A_253 = tpu.memref_slice %arg4[%run_scoped3A_201, %dma_start3A] : memref<50x512xi32, #tpu.memory_space<vmem>> -> memref<1x512xi32, #tpu.memory_space<vmem>>
      %dma_start3A_254 = tpu.memref_squeeze %dma_start3A_253 : memref<1x512xi32, #tpu.memory_space<vmem>> -> memref<512xi32, #tpu.memory_space<vmem>>
      %dma_start3A_255 = tpu.memref_slice %arg3[%add3A_200] : memref<819200xi32, #tpu.memory_space<hbm>> -> memref<512xi32, #tpu.memory_space<hbm>>
      %dma_start3A_256 = tpu.memref_slice %arg3[%add3A_200] : memref<819200xi32, #tpu.memory_space<hbm>> -> memref<512xi32, #tpu.memory_space<hbm>>
      %dma_start3A_257 = arith.constant 0 : i32
      %dma_start3A_258 = tpu.memref_slice %arg4[%run_scoped3A_201, %dma_start3A_257] : memref<50x512xi32, #tpu.memory_space<vmem>> -> memref<1x512xi32, #tpu.memory_space<vmem>>
      %dma_start3A_259 = tpu.memref_squeeze %dma_start3A_258 : memref<1x512xi32, #tpu.memory_space<vmem>> -> memref<512xi32, #tpu.memory_space<vmem>>
      tpu.enqueue_dma source(%dma_start3A_259 : memref<512xi32, #tpu.memory_space<vmem>>) target(%dma_start3A_256 : memref<512xi32, #tpu.memory_space<hbm>>) target_semaphore(%run_scoped3A_252 : memref<!tpu.dma_semaphore, #tpu.memory_space<semaphore_mem>>)
      %dma_wait3A = arith.constant 0 : i32
      %dma_wait3A_260 = tpu.memref_slice %arg4[%run_scoped3A_201, %dma_wait3A] : memref<50x512xi32, #tpu.memory_space<vmem>> -> memref<1x512xi32, #tpu.memory_space<vmem>>
      %dma_wait3A_261 = tpu.memref_squeeze %dma_wait3A_260 : memref<1x512xi32, #tpu.memory_space<vmem>> -> memref<512xi32, #tpu.memory_space<vmem>>
      %dma_wait3A_262 = tpu.memref_slice %arg3[%add3A_200] : memref<819200xi32, #tpu.memory_space<hbm>> -> memref<512xi32, #tpu.memory_space<hbm>>
      %dma_wait3A_263 = tpu.memref_slice %arg3[%add3A_200] : memref<819200xi32, #tpu.memory_space<hbm>> -> memref<512xi32, #tpu.memory_space<hbm>>
      %dma_wait3A_264 = arith.constant 0 : i32
      %dma_wait3A_265 = tpu.memref_slice %arg4[%run_scoped3A_201, %dma_wait3A_264] : memref<50x512xi32, #tpu.memory_space<vmem>> -> memref<1x512xi32, #tpu.memory_space<vmem>>
      %dma_wait3A_266 = tpu.memref_squeeze %dma_wait3A_265 : memref<1x512xi32, #tpu.memory_space<vmem>> -> memref<512xi32, #tpu.memory_space<vmem>>
      tpu.wait_dma2 semaphore(%run_scoped3A_252 : memref<!tpu.dma_semaphore, #tpu.memory_space<semaphore_mem>>) src(%dma_wait3A_266 : memref<512xi32, #tpu.memory_space<vmem>>) dst(%dma_wait3A_263 : memref<512xi32, #tpu.memory_space<hbm>>)
      tpu.yield
    }) : () -> ()
    %mul3A_202 = arith.constant 25600 : i32
    %mul3A_203 = arith.muli %add3A, %mul3A_202 : i32
    %add3A_204 = arith.constant 20480 : i32
    %add3A_205 = arith.addi %mul3A_203, %add3A_204 : i32
    %run_scoped3A_206 = arith.constant 40 : i32
    "tpu.region"() ({
      %run_scoped3A_252 = tpu.sem_alloc : memref<!tpu.dma_semaphore, #tpu.memory_space<semaphore_mem>>
      %dma_start3A = arith.constant 0 : i32
      %dma_start3A_253 = tpu.memref_slice %arg4[%run_scoped3A_206, %dma_start3A] : memref<50x512xi32, #tpu.memory_space<vmem>> -> memref<1x512xi32, #tpu.memory_space<vmem>>
      %dma_start3A_254 = tpu.memref_squeeze %dma_start3A_253 : memref<1x512xi32, #tpu.memory_space<vmem>> -> memref<512xi32, #tpu.memory_space<vmem>>
      %dma_start3A_255 = tpu.memref_slice %arg3[%add3A_205] : memref<819200xi32, #tpu.memory_space<hbm>> -> memref<512xi32, #tpu.memory_space<hbm>>
      %dma_start3A_256 = tpu.memref_slice %arg3[%add3A_205] : memref<819200xi32, #tpu.memory_space<hbm>> -> memref<512xi32, #tpu.memory_space<hbm>>
      %dma_start3A_257 = arith.constant 0 : i32
      %dma_start3A_258 = tpu.memref_slice %arg4[%run_scoped3A_206, %dma_start3A_257] : memref<50x512xi32, #tpu.memory_space<vmem>> -> memref<1x512xi32, #tpu.memory_space<vmem>>
      %dma_start3A_259 = tpu.memref_squeeze %dma_start3A_258 : memref<1x512xi32, #tpu.memory_space<vmem>> -> memref<512xi32, #tpu.memory_space<vmem>>
      tpu.enqueue_dma source(%dma_start3A_259 : memref<512xi32, #tpu.memory_space<vmem>>) target(%dma_start3A_256 : memref<512xi32, #tpu.memory_space<hbm>>) target_semaphore(%run_scoped3A_252 : memref<!tpu.dma_semaphore, #tpu.memory_space<semaphore_mem>>)
      %dma_wait3A = arith.constant 0 : i32
      %dma_wait3A_260 = tpu.memref_slice %arg4[%run_scoped3A_206, %dma_wait3A] : memref<50x512xi32, #tpu.memory_space<vmem>> -> memref<1x512xi32, #tpu.memory_space<vmem>>
      %dma_wait3A_261 = tpu.memref_squeeze %dma_wait3A_260 : memref<1x512xi32, #tpu.memory_space<vmem>> -> memref<512xi32, #tpu.memory_space<vmem>>
      %dma_wait3A_262 = tpu.memref_slice %arg3[%add3A_205] : memref<819200xi32, #tpu.memory_space<hbm>> -> memref<512xi32, #tpu.memory_space<hbm>>
      %dma_wait3A_263 = tpu.memref_slice %arg3[%add3A_205] : memref<819200xi32, #tpu.memory_space<hbm>> -> memref<512xi32, #tpu.memory_space<hbm>>
      %dma_wait3A_264 = arith.constant 0 : i32
      %dma_wait3A_265 = tpu.memref_slice %arg4[%run_scoped3A_206, %dma_wait3A_264] : memref<50x512xi32, #tpu.memory_space<vmem>> -> memref<1x512xi32, #tpu.memory_space<vmem>>
      %dma_wait3A_266 = tpu.memref_squeeze %dma_wait3A_265 : memref<1x512xi32, #tpu.memory_space<vmem>> -> memref<512xi32, #tpu.memory_space<vmem>>
      tpu.wait_dma2 semaphore(%run_scoped3A_252 : memref<!tpu.dma_semaphore, #tpu.memory_space<semaphore_mem>>) src(%dma_wait3A_266 : memref<512xi32, #tpu.memory_space<vmem>>) dst(%dma_wait3A_263 : memref<512xi32, #tpu.memory_space<hbm>>)
      tpu.yield
    }) : () -> ()
    %mul3A_207 = arith.constant 25600 : i32
    %mul3A_208 = arith.muli %add3A, %mul3A_207 : i32
    %add3A_209 = arith.constant 20992 : i32
    %add3A_210 = arith.addi %mul3A_208, %add3A_209 : i32
    %run_scoped3A_211 = arith.constant 41 : i32
    "tpu.region"() ({
      %run_scoped3A_252 = tpu.sem_alloc : memref<!tpu.dma_semaphore, #tpu.memory_space<semaphore_mem>>
      %dma_start3A = arith.constant 0 : i32
      %dma_start3A_253 = tpu.memref_slice %arg4[%run_scoped3A_211, %dma_start3A] : memref<50x512xi32, #tpu.memory_space<vmem>> -> memref<1x512xi32, #tpu.memory_space<vmem>>
      %dma_start3A_254 = tpu.memref_squeeze %dma_start3A_253 : memref<1x512xi32, #tpu.memory_space<vmem>> -> memref<512xi32, #tpu.memory_space<vmem>>
      %dma_start3A_255 = tpu.memref_slice %arg3[%add3A_210] : memref<819200xi32, #tpu.memory_space<hbm>> -> memref<512xi32, #tpu.memory_space<hbm>>
      %dma_start3A_256 = tpu.memref_slice %arg3[%add3A_210] : memref<819200xi32, #tpu.memory_space<hbm>> -> memref<512xi32, #tpu.memory_space<hbm>>
      %dma_start3A_257 = arith.constant 0 : i32
      %dma_start3A_258 = tpu.memref_slice %arg4[%run_scoped3A_211, %dma_start3A_257] : memref<50x512xi32, #tpu.memory_space<vmem>> -> memref<1x512xi32, #tpu.memory_space<vmem>>
      %dma_start3A_259 = tpu.memref_squeeze %dma_start3A_258 : memref<1x512xi32, #tpu.memory_space<vmem>> -> memref<512xi32, #tpu.memory_space<vmem>>
      tpu.enqueue_dma source(%dma_start3A_259 : memref<512xi32, #tpu.memory_space<vmem>>) target(%dma_start3A_256 : memref<512xi32, #tpu.memory_space<hbm>>) target_semaphore(%run_scoped3A_252 : memref<!tpu.dma_semaphore, #tpu.memory_space<semaphore_mem>>)
      %dma_wait3A = arith.constant 0 : i32
      %dma_wait3A_260 = tpu.memref_slice %arg4[%run_scoped3A_211, %dma_wait3A] : memref<50x512xi32, #tpu.memory_space<vmem>> -> memref<1x512xi32, #tpu.memory_space<vmem>>
      %dma_wait3A_261 = tpu.memref_squeeze %dma_wait3A_260 : memref<1x512xi32, #tpu.memory_space<vmem>> -> memref<512xi32, #tpu.memory_space<vmem>>
      %dma_wait3A_262 = tpu.memref_slice %arg3[%add3A_210] : memref<819200xi32, #tpu.memory_space<hbm>> -> memref<512xi32, #tpu.memory_space<hbm>>
      %dma_wait3A_263 = tpu.memref_slice %arg3[%add3A_210] : memref<819200xi32, #tpu.memory_space<hbm>> -> memref<512xi32, #tpu.memory_space<hbm>>
      %dma_wait3A_264 = arith.constant 0 : i32
      %dma_wait3A_265 = tpu.memref_slice %arg4[%run_scoped3A_211, %dma_wait3A_264] : memref<50x512xi32, #tpu.memory_space<vmem>> -> memref<1x512xi32, #tpu.memory_space<vmem>>
      %dma_wait3A_266 = tpu.memref_squeeze %dma_wait3A_265 : memref<1x512xi32, #tpu.memory_space<vmem>> -> memref<512xi32, #tpu.memory_space<vmem>>
      tpu.wait_dma2 semaphore(%run_scoped3A_252 : memref<!tpu.dma_semaphore, #tpu.memory_space<semaphore_mem>>) src(%dma_wait3A_266 : memref<512xi32, #tpu.memory_space<vmem>>) dst(%dma_wait3A_263 : memref<512xi32, #tpu.memory_space<hbm>>)
      tpu.yield
    }) : () -> ()
    %mul3A_212 = arith.constant 25600 : i32
    %mul3A_213 = arith.muli %add3A, %mul3A_212 : i32
    %add3A_214 = arith.constant 21504 : i32
    %add3A_215 = arith.addi %mul3A_213, %add3A_214 : i32
    %run_scoped3A_216 = arith.constant 42 : i32
    "tpu.region"() ({
      %run_scoped3A_252 = tpu.sem_alloc : memref<!tpu.dma_semaphore, #tpu.memory_space<semaphore_mem>>
      %dma_start3A = arith.constant 0 : i32
      %dma_start3A_253 = tpu.memref_slice %arg4[%run_scoped3A_216, %dma_start3A] : memref<50x512xi32, #tpu.memory_space<vmem>> -> memref<1x512xi32, #tpu.memory_space<vmem>>
      %dma_start3A_254 = tpu.memref_squeeze %dma_start3A_253 : memref<1x512xi32, #tpu.memory_space<vmem>> -> memref<512xi32, #tpu.memory_space<vmem>>
      %dma_start3A_255 = tpu.memref_slice %arg3[%add3A_215] : memref<819200xi32, #tpu.memory_space<hbm>> -> memref<512xi32, #tpu.memory_space<hbm>>
      %dma_start3A_256 = tpu.memref_slice %arg3[%add3A_215] : memref<819200xi32, #tpu.memory_space<hbm>> -> memref<512xi32, #tpu.memory_space<hbm>>
      %dma_start3A_257 = arith.constant 0 : i32
      %dma_start3A_258 = tpu.memref_slice %arg4[%run_scoped3A_216, %dma_start3A_257] : memref<50x512xi32, #tpu.memory_space<vmem>> -> memref<1x512xi32, #tpu.memory_space<vmem>>
      %dma_start3A_259 = tpu.memref_squeeze %dma_start3A_258 : memref<1x512xi32, #tpu.memory_space<vmem>> -> memref<512xi32, #tpu.memory_space<vmem>>
      tpu.enqueue_dma source(%dma_start3A_259 : memref<512xi32, #tpu.memory_space<vmem>>) target(%dma_start3A_256 : memref<512xi32, #tpu.memory_space<hbm>>) target_semaphore(%run_scoped3A_252 : memref<!tpu.dma_semaphore, #tpu.memory_space<semaphore_mem>>)
      %dma_wait3A = arith.constant 0 : i32
      %dma_wait3A_260 = tpu.memref_slice %arg4[%run_scoped3A_216, %dma_wait3A] : memref<50x512xi32, #tpu.memory_space<vmem>> -> memref<1x512xi32, #tpu.memory_space<vmem>>
      %dma_wait3A_261 = tpu.memref_squeeze %dma_wait3A_260 : memref<1x512xi32, #tpu.memory_space<vmem>> -> memref<512xi32, #tpu.memory_space<vmem>>
      %dma_wait3A_262 = tpu.memref_slice %arg3[%add3A_215] : memref<819200xi32, #tpu.memory_space<hbm>> -> memref<512xi32, #tpu.memory_space<hbm>>
      %dma_wait3A_263 = tpu.memref_slice %arg3[%add3A_215] : memref<819200xi32, #tpu.memory_space<hbm>> -> memref<512xi32, #tpu.memory_space<hbm>>
      %dma_wait3A_264 = arith.constant 0 : i32
      %dma_wait3A_265 = tpu.memref_slice %arg4[%run_scoped3A_216, %dma_wait3A_264] : memref<50x512xi32, #tpu.memory_space<vmem>> -> memref<1x512xi32, #tpu.memory_space<vmem>>
      %dma_wait3A_266 = tpu.memref_squeeze %dma_wait3A_265 : memref<1x512xi32, #tpu.memory_space<vmem>> -> memref<512xi32, #tpu.memory_space<vmem>>
      tpu.wait_dma2 semaphore(%run_scoped3A_252 : memref<!tpu.dma_semaphore, #tpu.memory_space<semaphore_mem>>) src(%dma_wait3A_266 : memref<512xi32, #tpu.memory_space<vmem>>) dst(%dma_wait3A_263 : memref<512xi32, #tpu.memory_space<hbm>>)
      tpu.yield
    }) : () -> ()
    %mul3A_217 = arith.constant 25600 : i32
    %mul3A_218 = arith.muli %add3A, %mul3A_217 : i32
    %add3A_219 = arith.constant 22016 : i32
    %add3A_220 = arith.addi %mul3A_218, %add3A_219 : i32
    %run_scoped3A_221 = arith.constant 43 : i32
    "tpu.region"() ({
      %run_scoped3A_252 = tpu.sem_alloc : memref<!tpu.dma_semaphore, #tpu.memory_space<semaphore_mem>>
      %dma_start3A = arith.constant 0 : i32
      %dma_start3A_253 = tpu.memref_slice %arg4[%run_scoped3A_221, %dma_start3A] : memref<50x512xi32, #tpu.memory_space<vmem>> -> memref<1x512xi32, #tpu.memory_space<vmem>>
      %dma_start3A_254 = tpu.memref_squeeze %dma_start3A_253 : memref<1x512xi32, #tpu.memory_space<vmem>> -> memref<512xi32, #tpu.memory_space<vmem>>
      %dma_start3A_255 = tpu.memref_slice %arg3[%add3A_220] : memref<819200xi32, #tpu.memory_space<hbm>> -> memref<512xi32, #tpu.memory_space<hbm>>
      %dma_start3A_256 = tpu.memref_slice %arg3[%add3A_220] : memref<819200xi32, #tpu.memory_space<hbm>> -> memref<512xi32, #tpu.memory_space<hbm>>
      %dma_start3A_257 = arith.constant 0 : i32
      %dma_start3A_258 = tpu.memref_slice %arg4[%run_scoped3A_221, %dma_start3A_257] : memref<50x512xi32, #tpu.memory_space<vmem>> -> memref<1x512xi32, #tpu.memory_space<vmem>>
      %dma_start3A_259 = tpu.memref_squeeze %dma_start3A_258 : memref<1x512xi32, #tpu.memory_space<vmem>> -> memref<512xi32, #tpu.memory_space<vmem>>
      tpu.enqueue_dma source(%dma_start3A_259 : memref<512xi32, #tpu.memory_space<vmem>>) target(%dma_start3A_256 : memref<512xi32, #tpu.memory_space<hbm>>) target_semaphore(%run_scoped3A_252 : memref<!tpu.dma_semaphore, #tpu.memory_space<semaphore_mem>>)
      %dma_wait3A = arith.constant 0 : i32
      %dma_wait3A_260 = tpu.memref_slice %arg4[%run_scoped3A_221, %dma_wait3A] : memref<50x512xi32, #tpu.memory_space<vmem>> -> memref<1x512xi32, #tpu.memory_space<vmem>>
      %dma_wait3A_261 = tpu.memref_squeeze %dma_wait3A_260 : memref<1x512xi32, #tpu.memory_space<vmem>> -> memref<512xi32, #tpu.memory_space<vmem>>
      %dma_wait3A_262 = tpu.memref_slice %arg3[%add3A_220] : memref<819200xi32, #tpu.memory_space<hbm>> -> memref<512xi32, #tpu.memory_space<hbm>>
      %dma_wait3A_263 = tpu.memref_slice %arg3[%add3A_220] : memref<819200xi32, #tpu.memory_space<hbm>> -> memref<512xi32, #tpu.memory_space<hbm>>
      %dma_wait3A_264 = arith.constant 0 : i32
      %dma_wait3A_265 = tpu.memref_slice %arg4[%run_scoped3A_221, %dma_wait3A_264] : memref<50x512xi32, #tpu.memory_space<vmem>> -> memref<1x512xi32, #tpu.memory_space<vmem>>
      %dma_wait3A_266 = tpu.memref_squeeze %dma_wait3A_265 : memref<1x512xi32, #tpu.memory_space<vmem>> -> memref<512xi32, #tpu.memory_space<vmem>>
      tpu.wait_dma2 semaphore(%run_scoped3A_252 : memref<!tpu.dma_semaphore, #tpu.memory_space<semaphore_mem>>) src(%dma_wait3A_266 : memref<512xi32, #tpu.memory_space<vmem>>) dst(%dma_wait3A_263 : memref<512xi32, #tpu.memory_space<hbm>>)
      tpu.yield
    }) : () -> ()
    %mul3A_222 = arith.constant 25600 : i32
    %mul3A_223 = arith.muli %add3A, %mul3A_222 : i32
    %add3A_224 = arith.constant 22528 : i32
    %add3A_225 = arith.addi %mul3A_223, %add3A_224 : i32
    %run_scoped3A_226 = arith.constant 44 : i32
    "tpu.region"() ({
      %run_scoped3A_252 = tpu.sem_alloc : memref<!tpu.dma_semaphore, #tpu.memory_space<semaphore_mem>>
      %dma_start3A = arith.constant 0 : i32
      %dma_start3A_253 = tpu.memref_slice %arg4[%run_scoped3A_226, %dma_start3A] : memref<50x512xi32, #tpu.memory_space<vmem>> -> memref<1x512xi32, #tpu.memory_space<vmem>>
      %dma_start3A_254 = tpu.memref_squeeze %dma_start3A_253 : memref<1x512xi32, #tpu.memory_space<vmem>> -> memref<512xi32, #tpu.memory_space<vmem>>
      %dma_start3A_255 = tpu.memref_slice %arg3[%add3A_225] : memref<819200xi32, #tpu.memory_space<hbm>> -> memref<512xi32, #tpu.memory_space<hbm>>
      %dma_start3A_256 = tpu.memref_slice %arg3[%add3A_225] : memref<819200xi32, #tpu.memory_space<hbm>> -> memref<512xi32, #tpu.memory_space<hbm>>
      %dma_start3A_257 = arith.constant 0 : i32
      %dma_start3A_258 = tpu.memref_slice %arg4[%run_scoped3A_226, %dma_start3A_257] : memref<50x512xi32, #tpu.memory_space<vmem>> -> memref<1x512xi32, #tpu.memory_space<vmem>>
      %dma_start3A_259 = tpu.memref_squeeze %dma_start3A_258 : memref<1x512xi32, #tpu.memory_space<vmem>> -> memref<512xi32, #tpu.memory_space<vmem>>
      tpu.enqueue_dma source(%dma_start3A_259 : memref<512xi32, #tpu.memory_space<vmem>>) target(%dma_start3A_256 : memref<512xi32, #tpu.memory_space<hbm>>) target_semaphore(%run_scoped3A_252 : memref<!tpu.dma_semaphore, #tpu.memory_space<semaphore_mem>>)
      %dma_wait3A = arith.constant 0 : i32
      %dma_wait3A_260 = tpu.memref_slice %arg4[%run_scoped3A_226, %dma_wait3A] : memref<50x512xi32, #tpu.memory_space<vmem>> -> memref<1x512xi32, #tpu.memory_space<vmem>>
      %dma_wait3A_261 = tpu.memref_squeeze %dma_wait3A_260 : memref<1x512xi32, #tpu.memory_space<vmem>> -> memref<512xi32, #tpu.memory_space<vmem>>
      %dma_wait3A_262 = tpu.memref_slice %arg3[%add3A_225] : memref<819200xi32, #tpu.memory_space<hbm>> -> memref<512xi32, #tpu.memory_space<hbm>>
      %dma_wait3A_263 = tpu.memref_slice %arg3[%add3A_225] : memref<819200xi32, #tpu.memory_space<hbm>> -> memref<512xi32, #tpu.memory_space<hbm>>
      %dma_wait3A_264 = arith.constant 0 : i32
      %dma_wait3A_265 = tpu.memref_slice %arg4[%run_scoped3A_226, %dma_wait3A_264] : memref<50x512xi32, #tpu.memory_space<vmem>> -> memref<1x512xi32, #tpu.memory_space<vmem>>
      %dma_wait3A_266 = tpu.memref_squeeze %dma_wait3A_265 : memref<1x512xi32, #tpu.memory_space<vmem>> -> memref<512xi32, #tpu.memory_space<vmem>>
      tpu.wait_dma2 semaphore(%run_scoped3A_252 : memref<!tpu.dma_semaphore, #tpu.memory_space<semaphore_mem>>) src(%dma_wait3A_266 : memref<512xi32, #tpu.memory_space<vmem>>) dst(%dma_wait3A_263 : memref<512xi32, #tpu.memory_space<hbm>>)
      tpu.yield
    }) : () -> ()
    %mul3A_227 = arith.constant 25600 : i32
    %mul3A_228 = arith.muli %add3A, %mul3A_227 : i32
    %add3A_229 = arith.constant 23040 : i32
    %add3A_230 = arith.addi %mul3A_228, %add3A_229 : i32
    %run_scoped3A_231 = arith.constant 45 : i32
    "tpu.region"() ({
      %run_scoped3A_252 = tpu.sem_alloc : memref<!tpu.dma_semaphore, #tpu.memory_space<semaphore_mem>>
      %dma_start3A = arith.constant 0 : i32
      %dma_start3A_253 = tpu.memref_slice %arg4[%run_scoped3A_231, %dma_start3A] : memref<50x512xi32, #tpu.memory_space<vmem>> -> memref<1x512xi32, #tpu.memory_space<vmem>>
      %dma_start3A_254 = tpu.memref_squeeze %dma_start3A_253 : memref<1x512xi32, #tpu.memory_space<vmem>> -> memref<512xi32, #tpu.memory_space<vmem>>
      %dma_start3A_255 = tpu.memref_slice %arg3[%add3A_230] : memref<819200xi32, #tpu.memory_space<hbm>> -> memref<512xi32, #tpu.memory_space<hbm>>
      %dma_start3A_256 = tpu.memref_slice %arg3[%add3A_230] : memref<819200xi32, #tpu.memory_space<hbm>> -> memref<512xi32, #tpu.memory_space<hbm>>
      %dma_start3A_257 = arith.constant 0 : i32
      %dma_start3A_258 = tpu.memref_slice %arg4[%run_scoped3A_231, %dma_start3A_257] : memref<50x512xi32, #tpu.memory_space<vmem>> -> memref<1x512xi32, #tpu.memory_space<vmem>>
      %dma_start3A_259 = tpu.memref_squeeze %dma_start3A_258 : memref<1x512xi32, #tpu.memory_space<vmem>> -> memref<512xi32, #tpu.memory_space<vmem>>
      tpu.enqueue_dma source(%dma_start3A_259 : memref<512xi32, #tpu.memory_space<vmem>>) target(%dma_start3A_256 : memref<512xi32, #tpu.memory_space<hbm>>) target_semaphore(%run_scoped3A_252 : memref<!tpu.dma_semaphore, #tpu.memory_space<semaphore_mem>>)
      %dma_wait3A = arith.constant 0 : i32
      %dma_wait3A_260 = tpu.memref_slice %arg4[%run_scoped3A_231, %dma_wait3A] : memref<50x512xi32, #tpu.memory_space<vmem>> -> memref<1x512xi32, #tpu.memory_space<vmem>>
      %dma_wait3A_261 = tpu.memref_squeeze %dma_wait3A_260 : memref<1x512xi32, #tpu.memory_space<vmem>> -> memref<512xi32, #tpu.memory_space<vmem>>
      %dma_wait3A_262 = tpu.memref_slice %arg3[%add3A_230] : memref<819200xi32, #tpu.memory_space<hbm>> -> memref<512xi32, #tpu.memory_space<hbm>>
      %dma_wait3A_263 = tpu.memref_slice %arg3[%add3A_230] : memref<819200xi32, #tpu.memory_space<hbm>> -> memref<512xi32, #tpu.memory_space<hbm>>
      %dma_wait3A_264 = arith.constant 0 : i32
      %dma_wait3A_265 = tpu.memref_slice %arg4[%run_scoped3A_231, %dma_wait3A_264] : memref<50x512xi32, #tpu.memory_space<vmem>> -> memref<1x512xi32, #tpu.memory_space<vmem>>
      %dma_wait3A_266 = tpu.memref_squeeze %dma_wait3A_265 : memref<1x512xi32, #tpu.memory_space<vmem>> -> memref<512xi32, #tpu.memory_space<vmem>>
      tpu.wait_dma2 semaphore(%run_scoped3A_252 : memref<!tpu.dma_semaphore, #tpu.memory_space<semaphore_mem>>) src(%dma_wait3A_266 : memref<512xi32, #tpu.memory_space<vmem>>) dst(%dma_wait3A_263 : memref<512xi32, #tpu.memory_space<hbm>>)
      tpu.yield
    }) : () -> ()
    %mul3A_232 = arith.constant 25600 : i32
    %mul3A_233 = arith.muli %add3A, %mul3A_232 : i32
    %add3A_234 = arith.constant 23552 : i32
    %add3A_235 = arith.addi %mul3A_233, %add3A_234 : i32
    %run_scoped3A_236 = arith.constant 46 : i32
    "tpu.region"() ({
      %run_scoped3A_252 = tpu.sem_alloc : memref<!tpu.dma_semaphore, #tpu.memory_space<semaphore_mem>>
      %dma_start3A = arith.constant 0 : i32
      %dma_start3A_253 = tpu.memref_slice %arg4[%run_scoped3A_236, %dma_start3A] : memref<50x512xi32, #tpu.memory_space<vmem>> -> memref<1x512xi32, #tpu.memory_space<vmem>>
      %dma_start3A_254 = tpu.memref_squeeze %dma_start3A_253 : memref<1x512xi32, #tpu.memory_space<vmem>> -> memref<512xi32, #tpu.memory_space<vmem>>
      %dma_start3A_255 = tpu.memref_slice %arg3[%add3A_235] : memref<819200xi32, #tpu.memory_space<hbm>> -> memref<512xi32, #tpu.memory_space<hbm>>
      %dma_start3A_256 = tpu.memref_slice %arg3[%add3A_235] : memref<819200xi32, #tpu.memory_space<hbm>> -> memref<512xi32, #tpu.memory_space<hbm>>
      %dma_start3A_257 = arith.constant 0 : i32
      %dma_start3A_258 = tpu.memref_slice %arg4[%run_scoped3A_236, %dma_start3A_257] : memref<50x512xi32, #tpu.memory_space<vmem>> -> memref<1x512xi32, #tpu.memory_space<vmem>>
      %dma_start3A_259 = tpu.memref_squeeze %dma_start3A_258 : memref<1x512xi32, #tpu.memory_space<vmem>> -> memref<512xi32, #tpu.memory_space<vmem>>
      tpu.enqueue_dma source(%dma_start3A_259 : memref<512xi32, #tpu.memory_space<vmem>>) target(%dma_start3A_256 : memref<512xi32, #tpu.memory_space<hbm>>) target_semaphore(%run_scoped3A_252 : memref<!tpu.dma_semaphore, #tpu.memory_space<semaphore_mem>>)
      %dma_wait3A = arith.constant 0 : i32
      %dma_wait3A_260 = tpu.memref_slice %arg4[%run_scoped3A_236, %dma_wait3A] : memref<50x512xi32, #tpu.memory_space<vmem>> -> memref<1x512xi32, #tpu.memory_space<vmem>>
      %dma_wait3A_261 = tpu.memref_squeeze %dma_wait3A_260 : memref<1x512xi32, #tpu.memory_space<vmem>> -> memref<512xi32, #tpu.memory_space<vmem>>
      %dma_wait3A_262 = tpu.memref_slice %arg3[%add3A_235] : memref<819200xi32, #tpu.memory_space<hbm>> -> memref<512xi32, #tpu.memory_space<hbm>>
      %dma_wait3A_263 = tpu.memref_slice %arg3[%add3A_235] : memref<819200xi32, #tpu.memory_space<hbm>> -> memref<512xi32, #tpu.memory_space<hbm>>
      %dma_wait3A_264 = arith.constant 0 : i32
      %dma_wait3A_265 = tpu.memref_slice %arg4[%run_scoped3A_236, %dma_wait3A_264] : memref<50x512xi32, #tpu.memory_space<vmem>> -> memref<1x512xi32, #tpu.memory_space<vmem>>
      %dma_wait3A_266 = tpu.memref_squeeze %dma_wait3A_265 : memref<1x512xi32, #tpu.memory_space<vmem>> -> memref<512xi32, #tpu.memory_space<vmem>>
      tpu.wait_dma2 semaphore(%run_scoped3A_252 : memref<!tpu.dma_semaphore, #tpu.memory_space<semaphore_mem>>) src(%dma_wait3A_266 : memref<512xi32, #tpu.memory_space<vmem>>) dst(%dma_wait3A_263 : memref<512xi32, #tpu.memory_space<hbm>>)
      tpu.yield
    }) : () -> ()
    %mul3A_237 = arith.constant 25600 : i32
    %mul3A_238 = arith.muli %add3A, %mul3A_237 : i32
    %add3A_239 = arith.constant 24064 : i32
    %add3A_240 = arith.addi %mul3A_238, %add3A_239 : i32
    %run_scoped3A_241 = arith.constant 47 : i32
    "tpu.region"() ({
      %run_scoped3A_252 = tpu.sem_alloc : memref<!tpu.dma_semaphore, #tpu.memory_space<semaphore_mem>>
      %dma_start3A = arith.constant 0 : i32
      %dma_start3A_253 = tpu.memref_slice %arg4[%run_scoped3A_241, %dma_start3A] : memref<50x512xi32, #tpu.memory_space<vmem>> -> memref<1x512xi32, #tpu.memory_space<vmem>>
      %dma_start3A_254 = tpu.memref_squeeze %dma_start3A_253 : memref<1x512xi32, #tpu.memory_space<vmem>> -> memref<512xi32, #tpu.memory_space<vmem>>
      %dma_start3A_255 = tpu.memref_slice %arg3[%add3A_240] : memref<819200xi32, #tpu.memory_space<hbm>> -> memref<512xi32, #tpu.memory_space<hbm>>
      %dma_start3A_256 = tpu.memref_slice %arg3[%add3A_240] : memref<819200xi32, #tpu.memory_space<hbm>> -> memref<512xi32, #tpu.memory_space<hbm>>
      %dma_start3A_257 = arith.constant 0 : i32
      %dma_start3A_258 = tpu.memref_slice %arg4[%run_scoped3A_241, %dma_start3A_257] : memref<50x512xi32, #tpu.memory_space<vmem>> -> memref<1x512xi32, #tpu.memory_space<vmem>>
      %dma_start3A_259 = tpu.memref_squeeze %dma_start3A_258 : memref<1x512xi32, #tpu.memory_space<vmem>> -> memref<512xi32, #tpu.memory_space<vmem>>
      tpu.enqueue_dma source(%dma_start3A_259 : memref<512xi32, #tpu.memory_space<vmem>>) target(%dma_start3A_256 : memref<512xi32, #tpu.memory_space<hbm>>) target_semaphore(%run_scoped3A_252 : memref<!tpu.dma_semaphore, #tpu.memory_space<semaphore_mem>>)
      %dma_wait3A = arith.constant 0 : i32
      %dma_wait3A_260 = tpu.memref_slice %arg4[%run_scoped3A_241, %dma_wait3A] : memref<50x512xi32, #tpu.memory_space<vmem>> -> memref<1x512xi32, #tpu.memory_space<vmem>>
      %dma_wait3A_261 = tpu.memref_squeeze %dma_wait3A_260 : memref<1x512xi32, #tpu.memory_space<vmem>> -> memref<512xi32, #tpu.memory_space<vmem>>
      %dma_wait3A_262 = tpu.memref_slice %arg3[%add3A_240] : memref<819200xi32, #tpu.memory_space<hbm>> -> memref<512xi32, #tpu.memory_space<hbm>>
      %dma_wait3A_263 = tpu.memref_slice %arg3[%add3A_240] : memref<819200xi32, #tpu.memory_space<hbm>> -> memref<512xi32, #tpu.memory_space<hbm>>
      %dma_wait3A_264 = arith.constant 0 : i32
      %dma_wait3A_265 = tpu.memref_slice %arg4[%run_scoped3A_241, %dma_wait3A_264] : memref<50x512xi32, #tpu.memory_space<vmem>> -> memref<1x512xi32, #tpu.memory_space<vmem>>
      %dma_wait3A_266 = tpu.memref_squeeze %dma_wait3A_265 : memref<1x512xi32, #tpu.memory_space<vmem>> -> memref<512xi32, #tpu.memory_space<vmem>>
      tpu.wait_dma2 semaphore(%run_scoped3A_252 : memref<!tpu.dma_semaphore, #tpu.memory_space<semaphore_mem>>) src(%dma_wait3A_266 : memref<512xi32, #tpu.memory_space<vmem>>) dst(%dma_wait3A_263 : memref<512xi32, #tpu.memory_space<hbm>>)
      tpu.yield
    }) : () -> ()
    %mul3A_242 = arith.constant 25600 : i32
    %mul3A_243 = arith.muli %add3A, %mul3A_242 : i32
    %add3A_244 = arith.constant 24576 : i32
    %add3A_245 = arith.addi %mul3A_243, %add3A_244 : i32
    %run_scoped3A_246 = arith.constant 48 : i32
    "tpu.region"() ({
      %run_scoped3A_252 = tpu.sem_alloc : memref<!tpu.dma_semaphore, #tpu.memory_space<semaphore_mem>>
      %dma_start3A = arith.constant 0 : i32
      %dma_start3A_253 = tpu.memref_slice %arg4[%run_scoped3A_246, %dma_start3A] : memref<50x512xi32, #tpu.memory_space<vmem>> -> memref<1x512xi32, #tpu.memory_space<vmem>>
      %dma_start3A_254 = tpu.memref_squeeze %dma_start3A_253 : memref<1x512xi32, #tpu.memory_space<vmem>> -> memref<512xi32, #tpu.memory_space<vmem>>
      %dma_start3A_255 = tpu.memref_slice %arg3[%add3A_245] : memref<819200xi32, #tpu.memory_space<hbm>> -> memref<512xi32, #tpu.memory_space<hbm>>
      %dma_start3A_256 = tpu.memref_slice %arg3[%add3A_245] : memref<819200xi32, #tpu.memory_space<hbm>> -> memref<512xi32, #tpu.memory_space<hbm>>
      %dma_start3A_257 = arith.constant 0 : i32
      %dma_start3A_258 = tpu.memref_slice %arg4[%run_scoped3A_246, %dma_start3A_257] : memref<50x512xi32, #tpu.memory_space<vmem>> -> memref<1x512xi32, #tpu.memory_space<vmem>>
      %dma_start3A_259 = tpu.memref_squeeze %dma_start3A_258 : memref<1x512xi32, #tpu.memory_space<vmem>> -> memref<512xi32, #tpu.memory_space<vmem>>
      tpu.enqueue_dma source(%dma_start3A_259 : memref<512xi32, #tpu.memory_space<vmem>>) target(%dma_start3A_256 : memref<512xi32, #tpu.memory_space<hbm>>) target_semaphore(%run_scoped3A_252 : memref<!tpu.dma_semaphore, #tpu.memory_space<semaphore_mem>>)
      %dma_wait3A = arith.constant 0 : i32
      %dma_wait3A_260 = tpu.memref_slice %arg4[%run_scoped3A_246, %dma_wait3A] : memref<50x512xi32, #tpu.memory_space<vmem>> -> memref<1x512xi32, #tpu.memory_space<vmem>>
      %dma_wait3A_261 = tpu.memref_squeeze %dma_wait3A_260 : memref<1x512xi32, #tpu.memory_space<vmem>> -> memref<512xi32, #tpu.memory_space<vmem>>
      %dma_wait3A_262 = tpu.memref_slice %arg3[%add3A_245] : memref<819200xi32, #tpu.memory_space<hbm>> -> memref<512xi32, #tpu.memory_space<hbm>>
      %dma_wait3A_263 = tpu.memref_slice %arg3[%add3A_245] : memref<819200xi32, #tpu.memory_space<hbm>> -> memref<512xi32, #tpu.memory_space<hbm>>
      %dma_wait3A_264 = arith.constant 0 : i32
      %dma_wait3A_265 = tpu.memref_slice %arg4[%run_scoped3A_246, %dma_wait3A_264] : memref<50x512xi32, #tpu.memory_space<vmem>> -> memref<1x512xi32, #tpu.memory_space<vmem>>
      %dma_wait3A_266 = tpu.memref_squeeze %dma_wait3A_265 : memref<1x512xi32, #tpu.memory_space<vmem>> -> memref<512xi32, #tpu.memory_space<vmem>>
      tpu.wait_dma2 semaphore(%run_scoped3A_252 : memref<!tpu.dma_semaphore, #tpu.memory_space<semaphore_mem>>) src(%dma_wait3A_266 : memref<512xi32, #tpu.memory_space<vmem>>) dst(%dma_wait3A_263 : memref<512xi32, #tpu.memory_space<hbm>>)
      tpu.yield
    }) : () -> ()
    %mul3A_247 = arith.constant 25600 : i32
    %mul3A_248 = arith.muli %add3A, %mul3A_247 : i32
    %add3A_249 = arith.constant 25088 : i32
    %add3A_250 = arith.addi %mul3A_248, %add3A_249 : i32
    %run_scoped3A_251 = arith.constant 49 : i32
    "tpu.region"() ({
      %run_scoped3A_252 = tpu.sem_alloc : memref<!tpu.dma_semaphore, #tpu.memory_space<semaphore_mem>>
      %dma_start3A = arith.constant 0 : i32
      %dma_start3A_253 = tpu.memref_slice %arg4[%run_scoped3A_251, %dma_start3A] : memref<50x512xi32, #tpu.memory_space<vmem>> -> memref<1x512xi32, #tpu.memory_space<vmem>>
      %dma_start3A_254 = tpu.memref_squeeze %dma_start3A_253 : memref<1x512xi32, #tpu.memory_space<vmem>> -> memref<512xi32, #tpu.memory_space<vmem>>
      %dma_start3A_255 = tpu.memref_slice %arg3[%add3A_250] : memref<819200xi32, #tpu.memory_space<hbm>> -> memref<512xi32, #tpu.memory_space<hbm>>
      %dma_start3A_256 = tpu.memref_slice %arg3[%add3A_250] : memref<819200xi32, #tpu.memory_space<hbm>> -> memref<512xi32, #tpu.memory_space<hbm>>
      %dma_start3A_257 = arith.constant 0 : i32
      %dma_start3A_258 = tpu.memref_slice %arg4[%run_scoped3A_251, %dma_start3A_257] : memref<50x512xi32, #tpu.memory_space<vmem>> -> memref<1x512xi32, #tpu.memory_space<vmem>>
      %dma_start3A_259 = tpu.memref_squeeze %dma_start3A_258 : memref<1x512xi32, #tpu.memory_space<vmem>> -> memref<512xi32, #tpu.memory_space<vmem>>
      tpu.enqueue_dma source(%dma_start3A_259 : memref<512xi32, #tpu.memory_space<vmem>>) target(%dma_start3A_256 : memref<512xi32, #tpu.memory_space<hbm>>) target_semaphore(%run_scoped3A_252 : memref<!tpu.dma_semaphore, #tpu.memory_space<semaphore_mem>>)
      %dma_wait3A = arith.constant 0 : i32
      %dma_wait3A_260 = tpu.memref_slice %arg4[%run_scoped3A_251, %dma_wait3A] : memref<50x512xi32, #tpu.memory_space<vmem>> -> memref<1x512xi32, #tpu.memory_space<vmem>>
      %dma_wait3A_261 = tpu.memref_squeeze %dma_wait3A_260 : memref<1x512xi32, #tpu.memory_space<vmem>> -> memref<512xi32, #tpu.memory_space<vmem>>
      %dma_wait3A_262 = tpu.memref_slice %arg3[%add3A_250] : memref<819200xi32, #tpu.memory_space<hbm>> -> memref<512xi32, #tpu.memory_space<hbm>>
      %dma_wait3A_263 = tpu.memref_slice %arg3[%add3A_250] : memref<819200xi32, #tpu.memory_space<hbm>> -> memref<512xi32, #tpu.memory_space<hbm>>
      %dma_wait3A_264 = arith.constant 0 : i32
      %dma_wait3A_265 = tpu.memref_slice %arg4[%run_scoped3A_251, %dma_wait3A_264] : memref<50x512xi32, #tpu.memory_space<vmem>> -> memref<1x512xi32, #tpu.memory_space<vmem>>
      %dma_wait3A_266 = tpu.memref_squeeze %dma_wait3A_265 : memref<1x512xi32, #tpu.memory_space<vmem>> -> memref<512xi32, #tpu.memory_space<vmem>>
      tpu.wait_dma2 semaphore(%run_scoped3A_252 : memref<!tpu.dma_semaphore, #tpu.memory_space<semaphore_mem>>) src(%dma_wait3A_266 : memref<512xi32, #tpu.memory_space<vmem>>) dst(%dma_wait3A_263 : memref<512xi32, #tpu.memory_space<hbm>>)
      tpu.yield
    }) : () -> ()
    return
  }
}

</mosaic_0001>

<sc_bundles>
// kernel: _format_idx.3.cloned.1.call-start
scs
__scs_entry_jumppad:
0x0: {  	(pc) =	sbr.rel $0x88, $3  }
0x1: {  	(tag) =	ssettag $0x0;
	lr =	simm.s32 $0x1  }
0x2: {  	[smem:$0x3FA0] =	sst lr;
	_ =	strace $0xD0000000  }
0x3: {  	_ = 	snop  }
0x4: {  	_ = 	snop  }
0x5: {  	_ = 	snop  }
0x6: {  	_ = 	snop  }
0x7: {  	_ = 	snop  }
__scs_overlays_trampoline_lowered:
0x8: {  	[smem:$0x3FAF] =	sst s0  }
0x9: {  	[smem:$0x3FB0] =	sst s1  }
0xa: {  	[smem:$0x3FB1] =	sst s2  }
0xb: {  	[smem:$0x3FB2] =	sst s3  }
0xc: {  	[smem:$0x3FB3] =	sst s4  }
0xd: {  	[smem:$0x3FB4] =	sst s5  }
0xe: {  	[smem:$0x3FB5] =	sst s6  }
0xf: {  	[smem:$0x3FB6] =	sst s7  }
0x10: {  	[smem:$0x3FB7] =	sst s8  }
0x11: {  	[smem:$0x3FB8] =	sst s9;
	s0 =	simm.s32 @!p0 $0x0  }
0x12: {  	s1 =	sld [smem:$0x3F9E];
	s0 =	simm.s32 @p0 $0x1  }
0x13: {  	[smem:$0x3FB9] =	sst s0;
	s0 =	simm.s32 @!p1 $0x0  }
0x14: {  	s2 =	sld [smem:$0x3F9D];
	s0 =	simm.s32 @p1 $0x1  }
0x15: {  	[smem:$0x3FBA] =	sst s0;
	s0 =	simm.s32 @!p2 $0x0  }
0x16: {  	s3 =	sld [smem:$0x3FDB];
	s0 =	simm.s32 @p2 $0x1  }
0x17: {  	s4 =	simm.s32 $0x1BF5;
	[smem:$0x3FBC] =	sst s0  }
0x18: {  	s0 =	sld [smem:$0x3F9F];
	_ =	swait.ge [sflag:s4], $0x0  }
0x19: {  	s7 =	sld [smem:$0x3FA0]  }
0x1a: {  	s8 =	sadd.s32 $0xFFFFE003, lr  }
0x1b: {  	s9 =	sadd.s32 $0xFFFFFEF7, lr;
	s5 =	simm.s32 $0xFFFFFFFF;
	p2 =	slt.u32 s8, $0xFFFFF086  }
0x1c: {  	p1 =	slt.u32 s9, $0xF7A;
	s5 =	simm.s32 @!p2 $0x0  }
0x1d: {  	s5 =	simm.s32 @p1 $0x1;
	p0 =	seq.s32 s7, s2  }
0x1e: {  	s7 =	smul.u32 @!p0 $0xF7A, s2;
	p2 =	seq.s32 @!p0 s5, $0x0  }
0x1f: {  	s9 =	smul.u32 $0xF7A, s1;
	s8 =	simm.s32 @!p0 $0x1BF5;
	p2 =	por !p2, p0  }
0x20: {  	[sflag:s8] =	ssyncset.s32 @!p0 $0xFFFFF086;
	s6 =	sadd.s32 @!p0 s3, s7;
	s7 =	simm.s32 @!p0 $0x108  }
0x21: {  	s3 =	sadd.s32 s3, s9;
	s6 =	sadd.s32 @!p0 $0x88, s6;
	s7 =	simm.s32 @p2 $0x1082  }
0x22: {  	[simem:s7], [sflag:s8] =	dma.local @!p0 [hbm:s6], $0xF7A  }
0x23: {  	s9 =	sor.u32 $0xD0000000, s2;
	s6 =	simm.s32 $0x108;
	_ =	swait.ge @!p0 [sflag:s8], $0x0  }
0x24: {  	s3 =	sadd.s32 $0x88, s3;
	s6 =	simm.s32 @!p1 $0x1082;
	[sflag:s4] =	ssyncset.s32 $0xFFFFF086  }
0x25: {  	[simem:s6], [sflag:s4] =	dma.local [hbm:s3], $0xF7A  }
0x26: {  	[smem:$0x3FA0] =	sst s1;
	(tag) =	ssettag s2;
	_ =	strace s9  }
0x27: {  	s1 =	sld [smem:$0x3FB0]  }
0x28: {  	s2 =	sld [smem:$0x3FB1]  }
0x29: {  	s4 =	sld [smem:$0x3FB3]  }
0x2a: {  	p0 =	seq.s32 s5, $0x0;
	s5 =	sld [smem:$0x3FB4]  }
0x2b: {  	s6 =	sld [smem:$0x3FB5]  }
0x2c: {  	s7 =	sld [smem:$0x3FB6]  }
0x2d: {  	s3 =	simm.s32 $0x108;
	s8 =	sld [smem:$0x3FB7]  }
0x2e: {  	s3 =	simm.s32 @!p0 $0x1082;
	s9 =	sld [smem:$0x3FB8]  }
0x2f: {  	lr =	sadd.s32 s0, s3;
	s0 =	sld [smem:$0x3FAF]  }
0x30: {  	s3 =	sld [smem:$0x3FB2]  }
0x31: {  	[smem:$0x3FBB] =	sst s10  }
0x32: {  	s10 =	sld [smem:$0x3FB9];
	_ =	sdelay $0x3  }
0x33: {  	p0 =	seq.s32 s10, $0x1;
	s10 =	sld [smem:$0x3FBB];
	_ =	sdelay $0x3  }
0x34: {  	[smem:$0x3FBB] =	sst s10  }
0x35: {  	s10 =	sld [smem:$0x3FBA];
	_ =	sdelay $0x3  }
0x36: {  	p1 =	seq.s32 s10, $0x1;
	s10 =	sld [smem:$0x3FBB];
	_ =	sdelay $0x3  }
0x37: {  	[smem:$0x3FBB] =	sst s10  }
0x38: {  	s10 =	sld [smem:$0x3FBC]  }
0x39: {  	_ = 	snop;
	(pc) =	sbr.ind lr, $3  }
0x3a: {  	_ = 	snop  }
0x3b: {  	_ = 	snop  }
0x3c: {  	p2 =	seq.s32 s10, $0x1;
	s10 =	sld [smem:$0x3FBB]  }
0x3d: {  	_ =	shalt  }
0x3e: {  	_ =	shalt  }
0x3f: {  	_ =	shalt  }
0x40: {  	_ =	shalt  }
0x41: {  	_ =	shalt  }
0x42: {  	_ =	shalt  }
0x43: {  	_ =	shalt  }
0x44: {  	_ =	shalt  }
0x45: {  	_ =	shalt  }
0x46: {  	_ =	shalt  }
0x47: {  	_ =	shalt  }
0x48: {  	_ =	shalt  }
0x49: {  	_ =	shalt  }
0x4a: {  	_ =	shalt  }
0x4b: {  	_ =	shalt  }
0x4c: {  	_ =	shalt  }
0x4d: {  	_ =	shalt  }
0x4e: {  	_ =	shalt  }
0x4f: {  	_ =	shalt  }
0x50: {  	_ =	shalt  }
0x51: {  	_ =	shalt  }
0x52: {  	_ =	shalt  }
0x53: {  	_ =	shalt  }
0x54: {  	_ =	shalt  }
0x55: {  	_ =	shalt  }
0x56: {  	_ =	shalt  }
0x57: {  	_ =	shalt  }
0x58: {  	_ =	shalt  }
0x59: {  	_ =	shalt  }
0x5a: {  	_ =	shalt  }
0x5b: {  	_ =	shalt  }
0x5c: {  	_ =	shalt  }
0x5d: {  	_ =	shalt  }
0x5e: {  	_ =	shalt  }
0x5f: {  	_ =	shalt  }
0x60: {  	_ =	shalt  }
0x61: {  	_ =	shalt  }
0x62: {  	_ =	shalt  }
0x63: {  	_ =	shalt  }
0x64: {  	_ =	shalt  }
0x65: {  	_ =	shalt  }
0x66: {  	_ =	shalt  }
0x67: {  	_ =	shalt  }
0x68: {  	_ =	shalt  }
0x69: {  	_ =	shalt  }
0x6a: {  	_ =	shalt  }
0x6b: {  	_ =	shalt  }
0x6c: {  	_ =	shalt  }
0x6d: {  	_ =	shalt  }
0x6e: {  	_ =	shalt  }
0x6f: {  	_ =	shalt  }
0x70: {  	_ =	shalt  }
0x71: {  	_ =	shalt  }
0x72: {  	_ =	shalt  }
0x73: {  	_ =	shalt  }
0x74: {  	_ =	shalt  }
0x75: {  	_ =	shalt  }
0x76: {  	_ =	shalt  }
0x77: {  	_ =	shalt  }
0x78: {  	_ =	shalt  }
0x79: {  	_ =	shalt  }
0x7a: {  	_ =	shalt  }
0x7b: {  	_ =	shalt  }
0x7c: {  	_ =	shalt  }
0x7d: {  	_ =	shalt  }
0x7e: {  	_ =	shalt  }
0x7f: {  	_ =	shalt  }
0x80: {  	_ =	shalt  }
0x81: {  	_ =	shalt  }
0x82: {  	_ =	shalt  }
0x83: {  	_ =	shalt  }
0x84: {  	_ =	shalt  }
0x85: {  	_ =	shalt  }
0x86: {  	_ =	shalt  }
0x87: {  	_ =	shalt  }
.Lfunc_end0:
.L_simem_size_0:
called_computation_lowered:
.L_overlay_start_0:
0x88: {  	s2 =	sld [smem:$0x3FD9]  }
0x89: {  	s3 =	sld [smem:$0x3FFE];
	_ =	sdelay $0x1  }
0x8a: {  	s1 =	srdreg.scid  }
0x8b: {  	s0 =	sand.u32 $0x1, s1  }
0x8c: {  	s18 =	sshll.u32 s0, $0xA;
	s2 =	sadd.s32 s3, s2  }
0x8d: {  	s2 =	sadd.s32 s2, s18  }
0x8e: {  	[smem:$0x3FC7] =	sst s2  }
0x8f: {  	_ = 	snop  }
0x90: {  	s2 =	sld [smem:$0x3FC9]  }
0x91: {  	s19 =	sld [smem:$0x3FD0];
	(tm) =	ssettm $0x1  }
0x92: {  	s4 =	sld [smem:$0x3FFB];
	_ =	sdelay $0x3  }
0x93: {  	_ =	strace s4  }
0x94: {  	s4 =	sld [smem:$0x3FFC];
	_ =	sdelay $0x3  }
0x95: {  	_ =	strace s4  }
0x96: {  	s4 =	sld [smem:$0x3FFD];
	_ =	sdelay $0x3  }
0x97: {  	_ =	strace s4  }
0x98: {  	_ =	strace $0x8FFFFFFF  }
0x99: {  	s20 =	sld [smem:$0x3FDB];
	_ =	sdelay $0x1  }
0x9a: {  	s5 =	simm.s32 $_scs_section_size  }
0x9b: {  	s6 =	simm.s32 $_size__tile_overlayer_lowered;
	s7 =	simm.s32 $_tile_overlayer_lowered  }
0x9c: {  	s23 =	simm.s32 $0x1BFF;
	s22 =	sshll.u32 s7, $0x1;
	s4 =	sadd.s32 s5, s20  }
0x9d: {  	s8 =	simm.s32 $0x0;
	s21 =	sshll.u32 s6, $0x1;
	s6 =	sadd.s32 s22, s4  }
0x9e: {  	[timem:s8], [sflag:s23] =	dma.local [hbm:s6], s21  }
0x9f: {  	_ =	swait.ge [sflag:s23], s21  }
0xa0: {  	s5 =	ssub.s32 $0x0, s21;
	[sflag:s23] =	ssyncset.done $0x0  }
0xa1: {  	[sflag:s23] =	ssyncadd.s32 s5;
	_ =	sdelay $0x1  }
0xa2: {  	s24 =	simm.s32 $0x1B8B  }
0xa3: {  	_ =	swait.ge [sflag:s24], $0x1  }
0xa4: {  	[sflag:s24] =	ssyncset.done $0x0  }
0xa5: {  	s25 =	simm.s32 $0x1B8E;
	[sflag:s24] =	ssyncadd.s32 $0xFFFFFFFF  }
0xa6: {  	s26 =	simm.s32 $execute0_lowered;
	[smem:$0x3FD2] =	sst s25  }
0xa7: {  	s5 =	sshll.u32 s26, $0x1;
	_ =	strace $0x80000046;
	[dreg:$0x1] =	wrdreg $0xFFFFFFFF  }
0xa8: {  	s28 =	simm.s32 $_size_execute0_lowered;
	s4 =	sadd.s32 s4, s5;
	[dreg:$0x0] =	wrdreg $0x0  }
0xa9: {  	s5 =	sshll.u32 s28, $0x1;
	[dreg:$0x2] =	wrdreg s4  }
0xaa: {  	[dreg:$0x3] =	wrdreg s5  }
0xab: {  	[dreg:$0x4] =	wrdreg $0xC0  }
0xac: {  	_ =	task [dreg:s8], $0x5FFFF  }
0xad: {  	[dreg:$0x1] =	wrdreg $0xFFFFFFFF  }
0xae: {  	[dreg:$0x0] =	wrdreg $0x60  }
0xaf: {  	[dreg:$0x2] =	wrdreg s2  }
0xb0: {  	[dreg:$0x3] =	wrdreg s19  }
0xb1: {  	[dreg:$0x4] =	wrdreg $0x9  }
0xb2: {  	_ =	task.clear_ibuf [dreg:s8], $0x5FFFF;
	_ =	strace $0x90000046  }
0xb3: {  	s29 =	simm.s32 $0x9;
	_ =	strace $0x80000048  }
0xb4: {  	_ =	swait.ge [sflag:s29], $0x1  }
0xb5: {  	[sflag:s29] =	ssyncadd.s32 $0xFFFFFFFF  }
0xb6: {  	_ =	strace $0x90000048  }
0xb7: {  	_ =	sfence  }
0xb8: {  	s30 =	sld [smem:$0x0];
	_ =	sdelay $0x2  }
0xb9: {  	s31 =	sshll.u32 s1, $0xD;
	s1 =	sshrl.u32 s1, $0x2  }
0xba: {  	s3 =	sand.u32 $0x4000, s31;
	s1 =	sadd.s32 s1, s30  }
0xbb: {  	s0 =	sor.u32 s3, s0;
	s1 =	sshll.u32 s1, $0x11  }
0xbc: {  	s0 =	sor.u32 s1, s0  }
0xbd: {  	s0 =	sadd.s32 $0x8F2B, s0  }
0xbe: {  	[sflag:s0] =	ssyncadd.remote.s32 $0x1  }
0xbf: {  	_ =	sfence.sel $0xFFFF  }
0xc0: {  	[dreg:$0x0] =	wrdreg $0xFFFFFFFF;
	(pc) =	sbr.abs _section_cstart, $3  }
0xc1: {  	[dreg:$0x1] =	wrdreg $0xFFFFFFFF  }
0xc2: {  	_ =	task.clear_ibuf [dreg:s8], $0x2FFFF;
	_ =	strace $0x9FFFFFFF  }
0xc3: {  	(tm) =	ssettm $0x7FFFFFFF  }
tec
execute0_lowered:
.L_overlay_start_1:
0x0: {  	(tag) =	ssettag $0x1  }
0x1: {  	s3 =	rddreg [dreg:$0x0];
	s2 =	stileid.u32  }
0x2: {  	s0 =	rddreg [dreg:$0x1];
	s20 =	sshll.u32 s2, $0x1;
	s2 =	simm.s32 $0x0  }
0x3: {  	s21 =	simm.s32 $0x20000;
	[smem:$0x7FF] =	sst s2  }
0x4: {  	s22 =	simm.s32 $0x400;
	_ =	strace $0x80000047;
	[dreg:$0x4] =	wrdreg s21  }
0x5: {  	s23 =	simm.s32 $0x800;
	[dreg:$0x5] =	wrdreg s22  }
0x6: {  	s24 =	simm.s32 $0xC00;
	[dreg:$0x6] =	wrdreg s23  }
0x7: {  	s25 =	simm.s32 $0x80;
	[dreg:$0x7] =	wrdreg s24  }
0x8: {  	s26 =	simm.s32 $0x480;
	[dreg:$0x8] =	wrdreg s25  }
0x9: {  	s5 =	simm.s32 $0xC80;
	[dreg:$0x9] =	wrdreg s26  }
0xa: {  	s6 =	simm.s32 $0x100;
	[dreg:$0xb] =	wrdreg s5  }
0xb: {  	s7 =	simm.s32 $0x500;
	[dreg:$0xc] =	wrdreg s6  }
0xc: {  	s8 =	simm.s32 $0x900;
	[dreg:$0xd] =	wrdreg s7  }
0xd: {  	s9 =	simm.s32 $0xD00;
	[dreg:$0xe] =	wrdreg s8  }
0xe: {  	s10 =	simm.s32 $0x180;
	[dreg:$0xf] =	wrdreg s9  }
0xf: {  	s11 =	simm.s32 $0x580;
	[dreg:$0x10] =	wrdreg s10  }
0x10: {  	s12 =	simm.s32 $0x980;
	[dreg:$0x11] =	wrdreg s11  }
0x11: {  	s14 =	simm.s32 $0xD80;
	[dreg:$0x12] =	wrdreg s12  }
0x12: {  	s15 =	simm.s32 $0x200;
	[dreg:$0x13] =	wrdreg s14  }
0x13: {  	s16 =	simm.s32 $0x600;
	[dreg:$0x14] =	wrdreg s15  }
0x14: {  	s17 =	simm.s32 $0xA00;
	[dreg:$0x15] =	wrdreg s16  }
0x15: {  	s1 =	srdreg.scid;
	s18 =	simm.s32 $0xE00;
	[dreg:$0x16] =	wrdreg s17  }
0x16: {  	s19 =	simm.s32 $0x280;
	s13 =	sand.u32 $0x1, s1;
	[dreg:$0x17] =	wrdreg s18  }
0x17: {  	s1 =	sor.u32 s13, s20;
	s20 =	simm.s32 $0x680;
	[dreg:$0x18] =	wrdreg s19  }
0x18: {  	[dreg:$0x19] =	wrdreg s20;
	s21 =	simm.s32 $0xA80  }
0x19: {  	s22 =	simm.s32 $0xE80;
	[dreg:$0x1a] =	wrdreg s21  }
0x1a: {  	s23 =	simm.s32 $0x300;
	[dreg:$0x1b] =	wrdreg s22  }
0x1b: {  	s24 =	simm.s32 $0x700;
	[dreg:$0x1c] =	wrdreg s23  }
0x1c: {  	s25 =	simm.s32 $0xB00;
	[dreg:$0x1d] =	wrdreg s24  }
0x1d: {  	s26 =	simm.s32 $0xF00;
	[dreg:$0x1e] =	wrdreg s25  }
0x1e: {  	s5 =	simm.s32 $0x780;
	[dreg:$0x1f] =	wrdreg s26  }
0x1f: {  	s6 =	simm.s32 $0xB80;
	[smem:$0x6BF] =	sst s5  }
0x20: {  	s7 =	simm.s32 $0xF80;
	[smem:$0x6C0] =	sst s6  }
0x21: {  	s8 =	simm.s32 $0x1400;
	[smem:$0x6C2] =	sst s7  }
0x22: {  	s9 =	simm.s32 $0x1800;
	[smem:$0x6C6] =	sst s8  }
0x23: {  	s10 =	simm.s32 $0x1C00;
	[smem:$0x6C7] =	sst s9  }
0x24: {  	s11 =	simm.s32 $0x1080;
	[smem:$0x6C9] =	sst s10  }
0x25: {  	s12 =	simm.s32 $0x1480;
	[smem:$0x6CD] =	sst s11  }
0x26: {  	s14 =	simm.s32 $0x1880;
	[smem:$0x6CE] =	sst s12  }
0x27: {  	s15 =	simm.s32 $0x1C80;
	[smem:$0x6CF] =	sst s14  }
0x28: {  	s16 =	simm.s32 $0x1100;
	[smem:$0x6D1] =	sst s15  }
0x29: {  	s17 =	simm.s32 $0x1500;
	[smem:$0x6D5] =	sst s16  }
0x2a: {  	s18 =	simm.s32 $0x1900;
	[smem:$0x6D6] =	sst s17  }
0x2b: {  	s19 =	simm.s32 $0x1D00;
	[smem:$0x6D7] =	sst s18  }
0x2c: {  	s4 =	sshll.u32 s1, $0x9;
	s20 =	simm.s32 $0x1180;
	[smem:$0x6D9] =	sst s19  }
0x2d: {  	s3 =	sadd.s32 s3, s4;
	[smem:$0x6DD] =	sst s20  }
0x2e: {  	s4 =	simm.s32 $0x880;
	[dreg:$0x3] =	wrdreg s3  }
0x2f: {  	s21 =	simm.s32 $0x1580;
	[dreg:$0xa] =	wrdreg s4  }
0x30: {  	s22 =	simm.s32 $0x1980;
	[smem:$0x6DE] =	sst s21  }
0x31: {  	s23 =	simm.s32 $0x1D80;
	[smem:$0x6DF] =	sst s22  }
0x32: {  	s24 =	simm.s32 $0x1200;
	[smem:$0x6E1] =	sst s23  }
0x33: {  	s25 =	simm.s32 $0x1600;
	[smem:$0x6E5] =	sst s24  }
0x34: {  	s26 =	simm.s32 $0x1A00;
	[smem:$0x6E6] =	sst s25  }
0x35: {  	s5 =	simm.s32 $0x1280;
	[smem:$0x6E7] =	sst s26  }
0x36: {  	s6 =	simm.s32 $0x1680;
	[smem:$0x6ED] =	sst s5  }
0x37: {  	s7 =	simm.s32 $0x1A80;
	[smem:$0x6EE] =	sst s6  }
0x38: {  	s8 =	simm.s32 $0x1E80;
	[smem:$0x6EF] =	sst s7  }
0x39: {  	s9 =	simm.s32 $0x1300;
	[smem:$0x6F1] =	sst s8  }
0x3a: {  	s10 =	simm.s32 $0x1700;
	[smem:$0x6F5] =	sst s9  }
0x3b: {  	s11 =	simm.s32 $0x1B00;
	[smem:$0x6F6] =	sst s10  }
0x3c: {  	s12 =	simm.s32 $0x1F00;
	[smem:$0x6F7] =	sst s11  }
0x3d: {  	s14 =	simm.s32 $0x1380;
	[smem:$0x6F9] =	sst s12  }
0x3e: {  	s15 =	simm.s32 $0x1780;
	[smem:$0x6FD] =	sst s14  }
0x3f: {  	s16 =	simm.s32 $0x1B80;
	[smem:$0x6FE] =	sst s15  }
0x40: {  	s17 =	simm.s32 $0x1F80;
	[smem:$0x6FF] =	sst s16  }
0x41: {  	s18 =	simm.s32 $0x2000;
	[smem:$0x701] =	sst s17  }
0x42: {  	s19 =	simm.s32 $0x2400;
	[smem:$0x705] =	sst s18  }
0x43: {  	s20 =	simm.s32 $0x2800;
	[smem:$0x706] =	sst s19  }
0x44: {  	s4 =	simm.s32 $0x380;
	[smem:$0x707] =	sst s20  }
0x45: {  	s21 =	simm.s32 $0x2C00;
	[smem:$0x6BE] =	sst s4  }
0x46: {  	s22 =	simm.s32 $0x2080;
	[smem:$0x709] =	sst s21  }
0x47: {  	s23 =	simm.s32 $0x2480;
	[smem:$0x70D] =	sst s22  }
0x48: {  	s24 =	simm.s32 $0x2880;
	[smem:$0x70E] =	sst s23  }
0x49: {  	s25 =	simm.s32 $0x2C80;
	[smem:$0x70F] =	sst s24  }
0x4a: {  	s26 =	simm.s32 $0x2100;
	[smem:$0x711] =	sst s25  }
0x4b: {  	s5 =	simm.s32 $0x2900;
	[smem:$0x715] =	sst s26  }
0x4c: {  	s6 =	simm.s32 $0x2D00;
	[smem:$0x717] =	sst s5  }
0x4d: {  	s7 =	simm.s32 $0x2180;
	[smem:$0x719] =	sst s6  }
0x4e: {  	s8 =	simm.s32 $0x2580;
	[smem:$0x71D] =	sst s7  }
0x4f: {  	s9 =	simm.s32 $0x2980;
	[smem:$0x71E] =	sst s8  }
0x50: {  	s10 =	simm.s32 $0x2D80;
	[smem:$0x71F] =	sst s9  }
0x51: {  	s11 =	simm.s32 $0x2200;
	[smem:$0x721] =	sst s10  }
0x52: {  	s12 =	simm.s32 $0x2600;
	[smem:$0x725] =	sst s11  }
0x53: {  	s14 =	simm.s32 $0x2A00;
	[smem:$0x726] =	sst s12  }
0x54: {  	s15 =	simm.s32 $0x2E00;
	[smem:$0x727] =	sst s14  }
0x55: {  	s16 =	simm.s32 $0x2280;
	[smem:$0x729] =	sst s15  }
0x56: {  	s17 =	simm.s32 $0x2680;
	[smem:$0x72D] =	sst s16  }
0x57: {  	s18 =	simm.s32 $0x2A80;
	[smem:$0x72E] =	sst s17  }
0x58: {  	s19 =	simm.s32 $0x2E80;
	[smem:$0x72F] =	sst s18  }
0x59: {  	s20 =	simm.s32 $0x2300;
	[smem:$0x731] =	sst s19  }
0x5a: {  	s4 =	simm.s32 $0x1E00;
	[smem:$0x735] =	sst s20  }
0x5b: {  	s21 =	simm.s32 $0x2700;
	[smem:$0x6E9] =	sst s4  }
0x5c: {  	s22 =	simm.s32 $0x2B00;
	[smem:$0x736] =	sst s21  }
0x5d: {  	s23 =	simm.s32 $0x2F00;
	[smem:$0x737] =	sst s22  }
0x5e: {  	s24 =	simm.s32 $0x2380;
	[smem:$0x739] =	sst s23  }
0x5f: {  	s25 =	simm.s32 $0x2780;
	[smem:$0x73D] =	sst s24  }
0x60: {  	s26 =	simm.s32 $0x2B80;
	[smem:$0x73E] =	sst s25  }
0x61: {  	s5 =	simm.s32 $0x3000;
	[smem:$0x73F] =	sst s26  }
0x62: {  	s6 =	simm.s32 $0x3400;
	[smem:$0x745] =	sst s5  }
0x63: {  	s7 =	simm.s32 $0x3800;
	[smem:$0x746] =	sst s6  }
0x64: {  	s8 =	simm.s32 $0x3C00;
	[smem:$0x747] =	sst s7  }
0x65: {  	s9 =	simm.s32 $0x3080;
	[smem:$0x749] =	sst s8  }
0x66: {  	s10 =	simm.s32 $0x3480;
	[smem:$0x74D] =	sst s9  }
0x67: {  	s11 =	simm.s32 $0x3880;
	[smem:$0x74E] =	sst s10  }
0x68: {  	s12 =	simm.s32 $0x3C80;
	[smem:$0x74F] =	sst s11  }
0x69: {  	s14 =	simm.s32 $0x3100;
	[smem:$0x751] =	sst s12  }
0x6a: {  	s15 =	simm.s32 $0x3500;
	[smem:$0x755] =	sst s14  }
0x6b: {  	s16 =	simm.s32 $0x3900;
	[smem:$0x756] =	sst s15  }
0x6c: {  	s17 =	simm.s32 $0x3D00;
	[smem:$0x757] =	sst s16  }
0x6d: {  	s18 =	simm.s32 $0x3180;
	[smem:$0x759] =	sst s17  }
0x6e: {  	s19 =	simm.s32 $0x3580;
	[smem:$0x75D] =	sst s18  }
0x6f: {  	s20 =	simm.s32 $0x3980;
	[smem:$0x75E] =	sst s19  }
0x70: {  	s4 =	simm.s32 $0x2500;
	[smem:$0x75F] =	sst s20  }
0x71: {  	s21 =	simm.s32 $0x3D80;
	[smem:$0x716] =	sst s4  }
0x72: {  	s22 =	simm.s32 $0x3200;
	[smem:$0x761] =	sst s21  }
0x73: {  	s23 =	simm.s32 $0x3600;
	[smem:$0x765] =	sst s22  }
0x74: {  	s24 =	simm.s32 $0x3A00;
	[smem:$0x766] =	sst s23  }
0x75: {  	s25 =	simm.s32 $0x3E00;
	[smem:$0x767] =	sst s24  }
0x76: {  	s26 =	simm.s32 $0x3280;
	[smem:$0x769] =	sst s25  }
0x77: {  	s5 =	simm.s32 $0x3A80;
	[smem:$0x76D] =	sst s26  }
0x78: {  	s6 =	simm.s32 $0x3E80;
	[smem:$0x76F] =	sst s5  }
0x79: {  	s7 =	simm.s32 $0x3300;
	[smem:$0x771] =	sst s6  }
0x7a: {  	s8 =	simm.s32 $0x3700;
	[smem:$0x775] =	sst s7  }
0x7b: {  	s9 =	simm.s32 $0x3B00;
	[smem:$0x776] =	sst s8  }
0x7c: {  	s10 =	simm.s32 $0x3F00;
	[smem:$0x777] =	sst s9  }
0x7d: {  	s11 =	simm.s32 $0x3380;
	[smem:$0x779] =	sst s10  }
0x7e: {  	s12 =	simm.s32 $0x3780;
	[smem:$0x77D] =	sst s11  }
0x7f: {  	s14 =	simm.s32 $0x3B80;
	[smem:$0x77E] =	sst s12  }
0x80: {  	s15 =	simm.s32 $0x3F80;
	[smem:$0x77F] =	sst s14  }
0x81: {  	s16 =	simm.s32 $0x4000;
	[smem:$0x781] =	sst s15  }
0x82: {  	s17 =	simm.s32 $0x4400;
	[smem:$0x785] =	sst s16  }
0x83: {  	s18 =	simm.s32 $0x4800;
	[smem:$0x786] =	sst s17  }
0x84: {  	s19 =	simm.s32 $0x4C00;
	[smem:$0x787] =	sst s18  }
0x85: {  	s20 =	simm.s32 $0x4080;
	[smem:$0x789] =	sst s19  }
0x86: {  	s4 =	simm.s32 $0x2F80;
	[smem:$0x78D] =	sst s20  }
0x87: {  	s21 =	simm.s32 $0x4480;
	[smem:$0x741] =	sst s4  }
0x88: {  	s22 =	simm.s32 $0x4880;
	[smem:$0x78E] =	sst s21  }
0x89: {  	s23 =	simm.s32 $0x4C80;
	[smem:$0x78F] =	sst s22  }
0x8a: {  	s24 =	simm.s32 $0x4100;
	[smem:$0x791] =	sst s23  }
0x8b: {  	s25 =	simm.s32 $0x4500;
	[smem:$0x795] =	sst s24  }
0x8c: {  	s26 =	simm.s32 $0x4900;
	[smem:$0x796] =	sst s25  }
0x8d: {  	s5 =	simm.s32 $0x4180;
	[smem:$0x797] =	sst s26  }
0x8e: {  	s6 =	simm.s32 $0x4580;
	[smem:$0x79D] =	sst s5  }
0x8f: {  	s7 =	simm.s32 $0x4980;
	[smem:$0x79E] =	sst s6  }
0x90: {  	s8 =	simm.s32 $0x4D80;
	[smem:$0x79F] =	sst s7  }
0x91: {  	s9 =	simm.s32 $0x4200;
	[smem:$0x7A1] =	sst s8  }
0x92: {  	s10 =	simm.s32 $0x4600;
	[smem:$0x7A5] =	sst s9  }
0x93: {  	s11 =	simm.s32 $0x4A00;
	[smem:$0x7A6] =	sst s10  }
0x94: {  	s12 =	simm.s32 $0x4E00;
	[smem:$0x7A7] =	sst s11  }
0x95: {  	s14 =	simm.s32 $0x4280;
	[smem:$0x7A9] =	sst s12  }
0x96: {  	s15 =	simm.s32 $0x4680;
	[smem:$0x7AD] =	sst s14  }
0x97: {  	s16 =	simm.s32 $0x4A80;
	[smem:$0x7AE] =	sst s15  }
0x98: {  	s17 =	simm.s32 $0x4E80;
	[smem:$0x7AF] =	sst s16  }
0x99: {  	s18 =	simm.s32 $0x4300;
	[smem:$0x7B1] =	sst s17  }
0x9a: {  	s19 =	simm.s32 $0x4700;
	[smem:$0x7B5] =	sst s18  }
0x9b: {  	s20 =	simm.s32 $0x4B00;
	[smem:$0x7B6] =	sst s19  }
0x9c: {  	s4 =	simm.s32 $0x3680;
	[smem:$0x7B7] =	sst s20  }
0x9d: {  	s21 =	simm.s32 $0x4F00;
	[smem:$0x76E] =	sst s4  }
0x9e: {  	s22 =	simm.s32 $0x4380;
	[smem:$0x7B9] =	sst s21  }
0x9f: {  	s23 =	simm.s32 $0x4780;
	[smem:$0x7BD] =	sst s22  }
0xa0: {  	s24 =	simm.s32 $0x4B80;
	[smem:$0x7BE] =	sst s23  }
0xa1: {  	s25 =	simm.s32 $0x4F80;
	[smem:$0x7BF] =	sst s24  }
0xa2: {  	s26 =	simm.s32 $0x5000;
	[smem:$0x7C1] =	sst s25  }
0xa3: {  	s5 =	simm.s32 $0x5800;
	[smem:$0x7C5] =	sst s26  }
0xa4: {  	s6 =	simm.s32 $0x5C00;
	[smem:$0x7C7] =	sst s5  }
0xa5: {  	s7 =	simm.s32 $0x5080;
	[smem:$0x7C9] =	sst s6  }
0xa6: {  	s8 =	simm.s32 $0x5480;
	[smem:$0x7CD] =	sst s7  }
0xa7: {  	s9 =	simm.s32 $0x5880;
	[smem:$0x7CE] =	sst s8  }
0xa8: {  	s10 =	simm.s32 $0x5C80;
	[smem:$0x7CF] =	sst s9  }
0xa9: {  	s11 =	simm.s32 $0x5100;
	[smem:$0x7D1] =	sst s10  }
0xaa: {  	s12 =	simm.s32 $0x5500;
	[smem:$0x7D5] =	sst s11  }
0xab: {  	s14 =	simm.s32 $0x5900;
	[smem:$0x7D6] =	sst s12  }
0xac: {  	s15 =	simm.s32 $0x5D00;
	[smem:$0x7D7] =	sst s14  }
0xad: {  	s16 =	simm.s32 $0x5180;
	[smem:$0x7D9] =	sst s15  }
0xae: {  	s17 =	simm.s32 $0x5580;
	[smem:$0x7DD] =	sst s16  }
0xaf: {  	s18 =	simm.s32 $0x5980;
	[smem:$0x7DE] =	sst s17  }
0xb0: {  	s19 =	simm.s32 $0x5D80;
	[smem:$0x7DF] =	sst s18  }
0xb1: {  	s20 =	simm.s32 $0x5200;
	[smem:$0x7E1] =	sst s19  }
0xb2: {  	[smem:$0x7E5] =	sst s20  }
0xb3: {  	s4 =	simm.s32 $0x4D00;
	s20 =	rddreg [dreg:$0x3]  }
0xb4: {  	s21 =	simm.s32 $0x5600;
	[smem:$0x799] =	sst s4  }
0xb5: {  	s22 =	simm.s32 $0x5A00;
	[smem:$0x7E6] =	sst s21  }
0xb6: {  	s23 =	simm.s32 $0x5E00;
	[smem:$0x7E7] =	sst s22  }
0xb7: {  	s24 =	simm.s32 $0x5280;
	[smem:$0x7E9] =	sst s23  }
0xb8: {  	s25 =	simm.s32 $0x5680;
	[smem:$0x7EA] =	sst s24  }
0xb9: {  	s26 =	simm.s32 $0x5A80;
	[smem:$0x7EB] =	sst s25  }
0xba: {  	s5 =	simm.s32 $0x5300;
	[smem:$0x7EC] =	sst s26  }
0xbb: {  	s6 =	simm.s32 $0x5700;
	[smem:$0x7EE] =	sst s5  }
0xbc: {  	s7 =	simm.s32 $0x5B00;
	[smem:$0x7EF] =	sst s6  }
0xbd: {  	s8 =	simm.s32 $0x5F00;
	[smem:$0x7F0] =	sst s7  }
0xbe: {  	s9 =	simm.s32 $0x5380;
	[smem:$0x7F1] =	sst s8  }
0xbf: {  	s10 =	simm.s32 $0x5780;
	[smem:$0x7F2] =	sst s9  }
0xc0: {  	s11 =	simm.s32 $0x5B80;
	[smem:$0x7F3] =	sst s10  }
0xc1: {  	s12 =	simm.s32 $0x5F80;
	[smem:$0x7F4] =	sst s11  }
0xc2: {  	s14 =	simm.s32 $0x6000;
	[smem:$0x7F5] =	sst s12  }
0xc3: {  	s15 =	simm.s32 $0x6400;
	[smem:$0x7F6] =	sst s14  }
0xc4: {  	s16 =	simm.s32 $0x6800;
	[smem:$0x7F7] =	sst s15  }
0xc5: {  	s17 =	simm.s32 $0x6C00;
	[smem:$0x7F8] =	sst s16  }
0xc6: {  	s18 =	simm.s32 $0x6080;
	[smem:$0x7F9] =	sst s17  }
0xc7: {  	s19 =	simm.s32 $0x6480;
	[smem:$0x7FA] =	sst s18  }
0xc8: {  	[smem:$0x7FB] =	sst s19  }
0xc9: {  	s4 =	simm.s32 $0x5400;
	s5 =	rddreg [dreg:$0x4]  }
0xca: {  	s21 =	simm.s32 $0x6880;
	[smem:$0x7C6] =	sst s4  }
0xcb: {  	s1 =	smul.u32 $0x6400, s1;
	s6 =	simm.s32 $0x6C80;
	[smem:$0x7FC] =	sst s21  }
0xcc: {  	s7 =	simm.s32 $0x1000;
	s4 =	simm.s32 $0x5E80;
	[smem:$0x7FD] =	sst s6  }
0xcd: {  	[tilespmem:s2], [sflag:$0x1] =	stream.strided.gather [hbm4b:s20+s7], $0x7000, s5, s7, $0x38;
	[tilespmem:$0x7000] =	vst v63  }
0xce: {  	s3 =	simm.s32 $0x1;
	[smem:$0x7ED] =	sst s4  }
0xcf: {  	s1 =	sshrl.u32 s1, $0x3;
	_ =	swait.ge [sflag:s3], $0x7000  }
0xd0: {  	s9 =	sadd.s32 s0, s1;
	s22 =	rddreg [dreg:$0x5]  }
0xd1: {  	s23 =	sadd.s32 $0x10, s9;
	[sflag:s3] =	ssyncset.done $0x0;
	s24 =	rddreg [dreg:$0x6]  }
0xd2: {  	[smem:$0x6A3] =	sst s23;
	[sflag:s3] =	ssyncadd.s32 $0xFFFF9000  }
0xd3: {  	[hbm4b:s9+s2] =	stream.linear.scatter [tilespmem:s2], [sflag:$0x1], $0x80, $0x38;
	[tilespmem:$0x7000] =	vst v63  }
0xd4: {  	s25 =	sadd.s32 $0x20, s9;
	s26 =	rddreg [dreg:$0x7]  }
0xd5: {  	[hbm4b:s23+s2] =	stream.linear.scatter [tilespmem:s22], [sflag:$0x1], $0x80, $0x38;
	[tilespmem:$0x7000] =	vst v63  }
0xd6: {  	s5 =	sadd.s32 $0x30, s9;
	[smem:$0x6A4] =	sst s25  }
0xd7: {  	[hbm4b:s25+s2] =	stream.linear.scatter [tilespmem:s24], [sflag:$0x1], $0x80, $0x38;
	[tilespmem:$0x7000] =	vst v63  }
0xd8: {  	[smem:$0x6A5] =	sst s5  }
0xd9: {  	[hbm4b:s5+s2] =	stream.linear.scatter [tilespmem:s26], [sflag:$0x1], $0x80, $0x38;
	[tilespmem:$0x7000] =	vst v63  }
0xda: {  	_ =	swait.ge [sflag:s3], $0x200  }
0xdb: {  	s6 =	rddreg [dreg:$0x8]  }
0xdc: {  	s8 =	sadd.s32 $0x40, s9;
	s10 =	rddreg [dreg:$0x9]  }
0xdd: {  	s11 =	sadd.s32 $0x10, s8;
	s12 =	rddreg [dreg:$0xa]  }
0xde: {  	[sflag:s3] =	ssyncset.done $0x0;
	[smem:$0x6A6] =	sst s11  }
0xdf: {  	s14 =	sadd.s32 $0x20, s8;
	s15 =	rddreg [dreg:$0xb];
	[sflag:s3] =	ssyncadd.s32 $0xFFFFFE00  }
0xe0: {  	[hbm4b:s8+s2] =	stream.linear.scatter [tilespmem:s6], [sflag:$0x1], $0x80, $0x38;
	[tilespmem:$0x7000] =	vst v63  }
0xe1: {  	[smem:$0x6A7] =	sst s14  }
0xe2: {  	[hbm4b:s11+s2] =	stream.linear.scatter [tilespmem:s10], [sflag:$0x1], $0x80, $0x38;
	[tilespmem:$0x7000] =	vst v63  }
0xe3: {  	s16 =	sadd.s32 $0x30, s8;
	[smem:$0x6A8] =	sst s8  }
0xe4: {  	[hbm4b:s14+s2] =	stream.linear.scatter [tilespmem:s12], [sflag:$0x1], $0x80, $0x38;
	[tilespmem:$0x7000] =	vst v63  }
0xe5: {  	[smem:$0x6A9] =	sst s16  }
0xe6: {  	[hbm4b:s16+s2] =	stream.linear.scatter [tilespmem:s15], [sflag:$0x1], $0x80, $0x38;
	[tilespmem:$0x7000] =	vst v63  }
0xe7: {  	_ =	swait.ge [sflag:s3], $0x200  }
0xe8: {  	s17 =	rddreg [dreg:$0xc]  }
0xe9: {  	s18 =	sadd.s32 $0x80, s9;
	s19 =	rddreg [dreg:$0xd]  }
0xea: {  	s20 =	sadd.s32 $0x10, s18;
	s21 =	rddreg [dreg:$0xe]  }
0xeb: {  	[sflag:s3] =	ssyncset.done $0x0;
	[smem:$0x6AA] =	sst s20  }
0xec: {  	s22 =	sadd.s32 $0x20, s18;
	s23 =	rddreg [dreg:$0xf];
	[sflag:s3] =	ssyncadd.s32 $0xFFFFFE00  }
0xed: {  	[hbm4b:s18+s2] =	stream.linear.scatter [tilespmem:s17], [sflag:$0x1], $0x80, $0x38;
	[tilespmem:$0x7000] =	vst v63  }
0xee: {  	[smem:$0x6AB] =	sst s22  }
0xef: {  	[hbm4b:s20+s2] =	stream.linear.scatter [tilespmem:s19], [sflag:$0x1], $0x80, $0x38;
	[tilespmem:$0x7000] =	vst v63  }
0xf0: {  	s24 =	sadd.s32 $0x30, s18;
	[smem:$0x6AC] =	sst s18  }
0xf1: {  	[hbm4b:s22+s2] =	stream.linear.scatter [tilespmem:s21], [sflag:$0x1], $0x80, $0x38;
	[tilespmem:$0x7000] =	vst v63  }
0xf2: {  	[smem:$0x6AD] =	sst s24  }
0xf3: {  	[hbm4b:s24+s2] =	stream.linear.scatter [tilespmem:s23], [sflag:$0x1], $0x80, $0x38;
	[tilespmem:$0x7000] =	vst v63  }
0xf4: {  	_ =	swait.ge [sflag:s3], $0x200  }
0xf5: {  	s25 =	rddreg [dreg:$0x10]  }
0xf6: {  	s26 =	sadd.s32 $0xC0, s9;
	s5 =	rddreg [dreg:$0x11]  }
0xf7: {  	s6 =	sadd.s32 $0x10, s26;
	s8 =	rddreg [dreg:$0x12]  }
0xf8: {  	[sflag:s3] =	ssyncset.done $0x0;
	[smem:$0x6AE] =	sst s6  }
0xf9: {  	s10 =	sadd.s32 $0x20, s26;
	s11 =	rddreg [dreg:$0x13];
	[sflag:s3] =	ssyncadd.s32 $0xFFFFFE00  }
0xfa: {  	[hbm4b:s26+s2] =	stream.linear.scatter [tilespmem:s25], [sflag:$0x1], $0x80, $0x38;
	[tilespmem:$0x7000] =	vst v63  }
0xfb: {  	[smem:$0x6AF] =	sst s10  }
0xfc: {  	[hbm4b:s6+s2] =	stream.linear.scatter [tilespmem:s5], [sflag:$0x1], $0x80, $0x38;
	[tilespmem:$0x7000] =	vst v63  }
0xfd: {  	s12 =	sadd.s32 $0x30, s26;
	[smem:$0x6B0] =	sst s26  }
0xfe: {  	[hbm4b:s10+s2] =	stream.linear.scatter [tilespmem:s8], [sflag:$0x1], $0x80, $0x38;
	[tilespmem:$0x7000] =	vst v63  }
0xff: {  	[smem:$0x6B1] =	sst s12  }
0x100: {  	[hbm4b:s12+s2] =	stream.linear.scatter [tilespmem:s11], [sflag:$0x1], $0x80, $0x38;
	[tilespmem:$0x7000] =	vst v63  }
0x101: {  	_ =	swait.ge [sflag:s3], $0x200  }
0x102: {  	s14 =	rddreg [dreg:$0x14]  }
0x103: {  	s15 =	sadd.s32 $0x100, s9;
	s16 =	rddreg [dreg:$0x15]  }
0x104: {  	s17 =	sadd.s32 $0x10, s15;
	s18 =	rddreg [dreg:$0x16]  }
0x105: {  	[sflag:s3] =	ssyncset.done $0x0;
	[smem:$0x6B2] =	sst s17  }
0x106: {  	s19 =	sadd.s32 $0x20, s15;
	s20 =	rddreg [dreg:$0x17];
	[sflag:s3] =	ssyncadd.s32 $0xFFFFFE00  }
0x107: {  	[hbm4b:s15+s2] =	stream.linear.scatter [tilespmem:s14], [sflag:$0x1], $0x80, $0x38;
	[tilespmem:$0x7000] =	vst v63  }
0x108: {  	[smem:$0x6B3] =	sst s19  }
0x109: {  	[hbm4b:s17+s2] =	stream.linear.scatter [tilespmem:s16], [sflag:$0x1], $0x80, $0x38;
	[tilespmem:$0x7000] =	vst v63  }
0x10a: {  	s21 =	sadd.s32 $0x30, s15;
	[smem:$0x6B4] =	sst s15  }
0x10b: {  	[hbm4b:s19+s2] =	stream.linear.scatter [tilespmem:s18], [sflag:$0x1], $0x80, $0x38;
	[tilespmem:$0x7000] =	vst v63  }
0x10c: {  	[smem:$0x6B5] =	sst s21  }
0x10d: {  	[hbm4b:s21+s2] =	stream.linear.scatter [tilespmem:s20], [sflag:$0x1], $0x80, $0x38;
	[tilespmem:$0x7000] =	vst v63  }
0x10e: {  	_ =	swait.ge [sflag:s3], $0x200  }
0x10f: {  	s22 =	rddreg [dreg:$0x18]  }
0x110: {  	s23 =	sadd.s32 $0x140, s9;
	s24 =	rddreg [dreg:$0x19]  }
0x111: {  	s25 =	sadd.s32 $0x10, s23;
	s26 =	rddreg [dreg:$0x1a]  }
0x112: {  	[sflag:s3] =	ssyncset.done $0x0;
	[smem:$0x6B6] =	sst s25  }
0x113: {  	s6 =	sadd.s32 $0x20, s23;
	s8 =	rddreg [dreg:$0x1b];
	[sflag:s3] =	ssyncadd.s32 $0xFFFFFE00  }
0x114: {  	[hbm4b:s23+s2] =	stream.linear.scatter [tilespmem:s22], [sflag:$0x1], $0x80, $0x38;
	[tilespmem:$0x7000] =	vst v63  }
0x115: {  	[smem:$0x6B7] =	sst s6  }
0x116: {  	[hbm4b:s25+s2] =	stream.linear.scatter [tilespmem:s24], [sflag:$0x1], $0x80, $0x38;
	[tilespmem:$0x7000] =	vst v63  }
0x117: {  	s10 =	sadd.s32 $0x30, s23;
	[smem:$0x6B8] =	sst s23  }
0x118: {  	[hbm4b:s6+s2] =	stream.linear.scatter [tilespmem:s26], [sflag:$0x1], $0x80, $0x38;
	[tilespmem:$0x7000] =	vst v63  }
0x119: {  	[smem:$0x6B9] =	sst s10  }
0x11a: {  	[hbm4b:s10+s2] =	stream.linear.scatter [tilespmem:s8], [sflag:$0x1], $0x80, $0x38;
	[tilespmem:$0x7000] =	vst v63  }
0x11b: {  	_ =	swait.ge [sflag:s3], $0x200  }
0x11c: {  	s11 =	rddreg [dreg:$0x1c]  }
0x11d: {  	s12 =	sadd.s32 $0x180, s9;
	s14 =	rddreg [dreg:$0x1d]  }
0x11e: {  	s15 =	sadd.s32 $0x10, s12;
	s16 =	rddreg [dreg:$0x1e]  }
0x11f: {  	[sflag:s3] =	ssyncset.done $0x0;
	[smem:$0x6BA] =	sst s15  }
0x120: {  	s17 =	sadd.s32 $0x20, s12;
	s18 =	rddreg [dreg:$0x1f];
	[sflag:s3] =	ssyncadd.s32 $0xFFFFFE00  }
0x121: {  	[hbm4b:s12+s2] =	stream.linear.scatter [tilespmem:s11], [sflag:$0x1], $0x80, $0x38;
	[tilespmem:$0x7000] =	vst v63  }
0x122: {  	[smem:$0x6BB] =	sst s17  }
0x123: {  	[hbm4b:s15+s2] =	stream.linear.scatter [tilespmem:s14], [sflag:$0x1], $0x80, $0x38;
	[tilespmem:$0x7000] =	vst v63  }
0x124: {  	s19 =	sadd.s32 $0x30, s12;
	[smem:$0x6BC] =	sst s12  }
0x125: {  	[hbm4b:s17+s2] =	stream.linear.scatter [tilespmem:s16], [sflag:$0x1], $0x80, $0x38;
	[tilespmem:$0x7000] =	vst v63  }
0x126: {  	[smem:$0x6BD] =	sst s19  }
0x127: {  	[hbm4b:s19+s2] =	stream.linear.scatter [tilespmem:s18], [sflag:$0x1], $0x80, $0x38;
	[tilespmem:$0x7000] =	vst v63  }
0x128: {  	_ =	swait.ge [sflag:s3], $0x200  }
0x129: {  	s20 =	sld [smem:$0x6BE]  }
0x12a: {  	s21 =	sadd.s32 $0x1C0, s9;
	s22 =	sld [smem:$0x6BF]  }
0x12b: {  	s23 =	sadd.s32 $0x10, s21;
	s24 =	sld [smem:$0x6C0]  }
0x12c: {  	[sflag:s3] =	ssyncset.done $0x0;
	[smem:$0x6C1] =	sst s23  }
0x12d: {  	s25 =	sadd.s32 $0x20, s21;
	s26 =	sld [smem:$0x6C2];
	[sflag:s3] =	ssyncadd.s32 $0xFFFFFE00  }
0x12e: {  	[hbm4b:s21+s2] =	stream.linear.scatter [tilespmem:s20], [sflag:$0x1], $0x80, $0x38;
	[tilespmem:$0x7000] =	vst v63  }
0x12f: {  	[smem:$0x6C3] =	sst s25  }
0x130: {  	[hbm4b:s23+s2] =	stream.linear.scatter [tilespmem:s22], [sflag:$0x1], $0x80, $0x38;
	[tilespmem:$0x7000] =	vst v63  }
0x131: {  	s5 =	sadd.s32 $0x30, s21;
	[smem:$0x6C4] =	sst s21  }
0x132: {  	[hbm4b:s25+s2] =	stream.linear.scatter [tilespmem:s24], [sflag:$0x1], $0x80, $0x38;
	[tilespmem:$0x7000] =	vst v63  }
0x133: {  	[smem:$0x6C5] =	sst s5  }
0x134: {  	[hbm4b:s5+s2] =	stream.linear.scatter [tilespmem:s26], [sflag:$0x1], $0x80, $0x38;
	[tilespmem:$0x7000] =	vst v63  }
0x135: {  	_ =	swait.ge [sflag:s3], $0x200  }
0x136: {  	s6 =	sadd.s32 $0x200, s9;
	s8 =	sld [smem:$0x6C6]  }
0x137: {  	s10 =	sadd.s32 $0x10, s6;
	s11 =	sld [smem:$0x6C7]  }
0x138: {  	[sflag:s3] =	ssyncset.done $0x0;
	[smem:$0x6C8] =	sst s10  }
0x139: {  	s12 =	sadd.s32 $0x20, s6;
	s14 =	sld [smem:$0x6C9];
	[sflag:s3] =	ssyncadd.s32 $0xFFFFFE00  }
0x13a: {  	[hbm4b:s6+s2] =	stream.linear.scatter [tilespmem:s7], [sflag:$0x1], $0x80, $0x38;
	[tilespmem:$0x7000] =	vst v63  }
0x13b: {  	[smem:$0x6CA] =	sst s12  }
0x13c: {  	[hbm4b:s10+s2] =	stream.linear.scatter [tilespmem:s8], [sflag:$0x1], $0x80, $0x38;
	[tilespmem:$0x7000] =	vst v63  }
0x13d: {  	s15 =	sadd.s32 $0x30, s6;
	[smem:$0x6CB] =	sst s6  }
0x13e: {  	[hbm4b:s12+s2] =	stream.linear.scatter [tilespmem:s11], [sflag:$0x1], $0x80, $0x38;
	[tilespmem:$0x7000] =	vst v63  }
0x13f: {  	[smem:$0x6CC] =	sst s15  }
0x140: {  	[hbm4b:s15+s2] =	stream.linear.scatter [tilespmem:s14], [sflag:$0x1], $0x80, $0x38;
	[tilespmem:$0x7000] =	vst v63  }
0x141: {  	_ =	swait.ge [sflag:s3], $0x200  }
0x142: {  	s16 =	sld [smem:$0x6CD]  }
0x143: {  	s17 =	sadd.s32 $0x240, s9;
	s18 =	sld [smem:$0x6CE]  }
0x144: {  	s19 =	sadd.s32 $0x10, s17;
	s20 =	sld [smem:$0x6CF]  }
0x145: {  	[sflag:s3] =	ssyncset.done $0x0;
	[smem:$0x6D0] =	sst s19  }
0x146: {  	s21 =	sadd.s32 $0x20, s17;
	s22 =	sld [smem:$0x6D1];
	[sflag:s3] =	ssyncadd.s32 $0xFFFFFE00  }
0x147: {  	[hbm4b:s17+s2] =	stream.linear.scatter [tilespmem:s16], [sflag:$0x1], $0x80, $0x38;
	[tilespmem:$0x7000] =	vst v63  }
0x148: {  	[smem:$0x6D2] =	sst s21  }
0x149: {  	[hbm4b:s19+s2] =	stream.linear.scatter [tilespmem:s18], [sflag:$0x1], $0x80, $0x38;
	[tilespmem:$0x7000] =	vst v63  }
0x14a: {  	s23 =	sadd.s32 $0x30, s17;
	[smem:$0x6D3] =	sst s17  }
0x14b: {  	[hbm4b:s21+s2] =	stream.linear.scatter [tilespmem:s20], [sflag:$0x1], $0x80, $0x38;
	[tilespmem:$0x7000] =	vst v63  }
0x14c: {  	[smem:$0x6D4] =	sst s23  }
0x14d: {  	[hbm4b:s23+s2] =	stream.linear.scatter [tilespmem:s22], [sflag:$0x1], $0x80, $0x38;
	[tilespmem:$0x7000] =	vst v63  }
0x14e: {  	_ =	swait.ge [sflag:s3], $0x200  }
0x14f: {  	s24 =	sld [smem:$0x6D5]  }
0x150: {  	s25 =	sadd.s32 $0x280, s9;
	s26 =	sld [smem:$0x6D6]  }
0x151: {  	s0 =	sadd.s32 $0x10, s25;
	s6 =	sld [smem:$0x6D7]  }
0x152: {  	[sflag:s3] =	ssyncset.done $0x0;
	[smem:$0x6D8] =	sst s0  }
0x153: {  	s7 =	sadd.s32 $0x20, s25;
	s8 =	sld [smem:$0x6D9];
	[sflag:s3] =	ssyncadd.s32 $0xFFFFFE00  }
0x154: {  	[hbm4b:s25+s2] =	stream.linear.scatter [tilespmem:s24], [sflag:$0x1], $0x80, $0x38;
	[tilespmem:$0x7000] =	vst v63  }
0x155: {  	[smem:$0x6DA] =	sst s7  }
0x156: {  	[hbm4b:s0+s2] =	stream.linear.scatter [tilespmem:s26], [sflag:$0x1], $0x80, $0x38;
	[tilespmem:$0x7000] =	vst v63  }
0x157: {  	s10 =	sadd.s32 $0x30, s25;
	[smem:$0x6DB] =	sst s25  }
0x158: {  	[hbm4b:s7+s2] =	stream.linear.scatter [tilespmem:s6], [sflag:$0x1], $0x80, $0x38;
	[tilespmem:$0x7000] =	vst v63  }
0x159: {  	[smem:$0x6DC] =	sst s10  }
0x15a: {  	[hbm4b:s10+s2] =	stream.linear.scatter [tilespmem:s8], [sflag:$0x1], $0x80, $0x38;
	[tilespmem:$0x7000] =	vst v63  }
0x15b: {  	_ =	swait.ge [sflag:s3], $0x200  }
0x15c: {  	s11 =	sld [smem:$0x6DD]  }
0x15d: {  	s12 =	sadd.s32 $0x2C0, s9;
	s14 =	sld [smem:$0x6DE]  }
0x15e: {  	s15 =	sadd.s32 $0x10, s12;
	s16 =	sld [smem:$0x6DF]  }
0x15f: {  	[sflag:s3] =	ssyncset.done $0x0;
	[smem:$0x6E0] =	sst s15  }
0x160: {  	s17 =	sadd.s32 $0x20, s12;
	s18 =	sld [smem:$0x6E1];
	[sflag:s3] =	ssyncadd.s32 $0xFFFFFE00  }
0x161: {  	[hbm4b:s12+s2] =	stream.linear.scatter [tilespmem:s11], [sflag:$0x1], $0x80, $0x38;
	[tilespmem:$0x7000] =	vst v63  }
0x162: {  	[smem:$0x6E2] =	sst s17  }
0x163: {  	[hbm4b:s15+s2] =	stream.linear.scatter [tilespmem:s14], [sflag:$0x1], $0x80, $0x38;
	[tilespmem:$0x7000] =	vst v63  }
0x164: {  	s19 =	sadd.s32 $0x30, s12;
	[smem:$0x6E3] =	sst s12  }
0x165: {  	[hbm4b:s17+s2] =	stream.linear.scatter [tilespmem:s16], [sflag:$0x1], $0x80, $0x38;
	[tilespmem:$0x7000] =	vst v63  }
0x166: {  	[smem:$0x6E4] =	sst s19  }
0x167: {  	[hbm4b:s19+s2] =	stream.linear.scatter [tilespmem:s18], [sflag:$0x1], $0x80, $0x38;
	[tilespmem:$0x7000] =	vst v63  }
0x168: {  	_ =	swait.ge [sflag:s3], $0x200  }
0x169: {  	s20 =	sld [smem:$0x6E5]  }
0x16a: {  	s21 =	sadd.s32 $0x300, s9;
	s22 =	sld [smem:$0x6E6]  }
0x16b: {  	s23 =	sadd.s32 $0x10, s21;
	[sflag:s3] =	ssyncset.done $0x0;
	s24 =	sld [smem:$0x6E7]  }
0x16c: {  	[smem:$0x6E8] =	sst s23;
	[sflag:s3] =	ssyncadd.s32 $0xFFFFFE00  }
0x16d: {  	[hbm4b:s21+s2] =	stream.linear.scatter [tilespmem:s20], [sflag:$0x1], $0x80, $0x38;
	[tilespmem:$0x7000] =	vst v63  }
0x16e: {  	s25 =	sadd.s32 $0x20, s21;
	s26 =	sld [smem:$0x6E9]  }
0x16f: {  	[hbm4b:s23+s2] =	stream.linear.scatter [tilespmem:s22], [sflag:$0x1], $0x80, $0x38;
	[tilespmem:$0x7000] =	vst v63  }
0x170: {  	[smem:$0x6EA] =	sst s25  }
0x171: {  	[hbm4b:s25+s2] =	stream.linear.scatter [tilespmem:s24], [sflag:$0x1], $0x80, $0x38;
	[tilespmem:$0x7000] =	vst v63  }
0x172: {  	s5 =	sadd.s32 $0x30, s21;
	[smem:$0x6EB] =	sst s21  }
0x173: {  	[smem:$0x6EC] =	sst s5  }
0x174: {  	[hbm4b:s5+s2] =	stream.linear.scatter [tilespmem:s26], [sflag:$0x1], $0x80, $0x38;
	[tilespmem:$0x7000] =	vst v63  }
0x175: {  	_ =	swait.ge [sflag:s3], $0x200  }
0x176: {  	s6 =	sld [smem:$0x6ED]  }
0x177: {  	s7 =	sadd.s32 $0x340, s9;
	s8 =	sld [smem:$0x6EE]  }
0x178: {  	s10 =	sadd.s32 $0x10, s7;
	s11 =	sld [smem:$0x6EF]  }
0x179: {  	[sflag:s3] =	ssyncset.done $0x0;
	[smem:$0x6F0] =	sst s10  }
0x17a: {  	s12 =	sadd.s32 $0x20, s7;
	s14 =	sld [smem:$0x6F1];
	[sflag:s3] =	ssyncadd.s32 $0xFFFFFE00  }
0x17b: {  	[hbm4b:s7+s2] =	stream.linear.scatter [tilespmem:s6], [sflag:$0x1], $0x80, $0x38;
	[tilespmem:$0x7000] =	vst v63  }
0x17c: {  	[smem:$0x6F2] =	sst s12  }
0x17d: {  	[hbm4b:s10+s2] =	stream.linear.scatter [tilespmem:s8], [sflag:$0x1], $0x80, $0x38;
	[tilespmem:$0x7000] =	vst v63  }
0x17e: {  	s15 =	sadd.s32 $0x30, s7;
	[smem:$0x6F3] =	sst s7  }
0x17f: {  	[hbm4b:s12+s2] =	stream.linear.scatter [tilespmem:s11], [sflag:$0x1], $0x80, $0x38;
	[tilespmem:$0x7000] =	vst v63  }
0x180: {  	[smem:$0x6F4] =	sst s15  }
0x181: {  	[hbm4b:s15+s2] =	stream.linear.scatter [tilespmem:s14], [sflag:$0x1], $0x80, $0x38;
	[tilespmem:$0x7000] =	vst v63  }
0x182: {  	_ =	swait.ge [sflag:s3], $0x200  }
0x183: {  	s16 =	sld [smem:$0x6F5]  }
0x184: {  	s17 =	sadd.s32 $0x380, s9;
	s18 =	sld [smem:$0x6F6]  }
0x185: {  	s19 =	sadd.s32 $0x10, s17;
	s20 =	sld [smem:$0x6F7]  }
0x186: {  	[sflag:s3] =	ssyncset.done $0x0;
	[smem:$0x6F8] =	sst s19  }
0x187: {  	s21 =	sadd.s32 $0x20, s17;
	s22 =	sld [smem:$0x6F9];
	[sflag:s3] =	ssyncadd.s32 $0xFFFFFE00  }
0x188: {  	[hbm4b:s17+s2] =	stream.linear.scatter [tilespmem:s16], [sflag:$0x1], $0x80, $0x38;
	[tilespmem:$0x7000] =	vst v63  }
0x189: {  	[smem:$0x6FA] =	sst s21  }
0x18a: {  	[hbm4b:s19+s2] =	stream.linear.scatter [tilespmem:s18], [sflag:$0x1], $0x80, $0x38;
	[tilespmem:$0x7000] =	vst v63  }
0x18b: {  	s23 =	sadd.s32 $0x30, s17;
	[smem:$0x6FB] =	sst s17  }
0x18c: {  	[hbm4b:s21+s2] =	stream.linear.scatter [tilespmem:s20], [sflag:$0x1], $0x80, $0x38;
	[tilespmem:$0x7000] =	vst v63  }
0x18d: {  	[smem:$0x6FC] =	sst s23  }
0x18e: {  	[hbm4b:s23+s2] =	stream.linear.scatter [tilespmem:s22], [sflag:$0x1], $0x80, $0x38;
	[tilespmem:$0x7000] =	vst v63  }
0x18f: {  	_ =	swait.ge [sflag:s3], $0x200  }
0x190: {  	s24 =	sld [smem:$0x6FD]  }
0x191: {  	s25 =	sadd.s32 $0x3C0, s9;
	s26 =	sld [smem:$0x6FE]  }
0x192: {  	s0 =	sadd.s32 $0x10, s25;
	s6 =	sld [smem:$0x6FF]  }
0x193: {  	[sflag:s3] =	ssyncset.done $0x0;
	[smem:$0x700] =	sst s0  }
0x194: {  	s7 =	sadd.s32 $0x20, s25;
	s8 =	sld [smem:$0x701];
	[sflag:s3] =	ssyncadd.s32 $0xFFFFFE00  }
0x195: {  	[hbm4b:s25+s2] =	stream.linear.scatter [tilespmem:s24], [sflag:$0x1], $0x80, $0x38;
	[tilespmem:$0x7000] =	vst v63  }
0x196: {  	[smem:$0x702] =	sst s7  }
0x197: {  	[hbm4b:s0+s2] =	stream.linear.scatter [tilespmem:s26], [sflag:$0x1], $0x80, $0x38;
	[tilespmem:$0x7000] =	vst v63  }
0x198: {  	s10 =	sadd.s32 $0x30, s25;
	[smem:$0x703] =	sst s25  }
0x199: {  	[hbm4b:s7+s2] =	stream.linear.scatter [tilespmem:s6], [sflag:$0x1], $0x80, $0x38;
	[tilespmem:$0x7000] =	vst v63  }
0x19a: {  	[smem:$0x704] =	sst s10  }
0x19b: {  	[hbm4b:s10+s2] =	stream.linear.scatter [tilespmem:s8], [sflag:$0x1], $0x80, $0x38;
	[tilespmem:$0x7000] =	vst v63  }
0x19c: {  	_ =	swait.ge [sflag:s3], $0x200  }
0x19d: {  	s11 =	sld [smem:$0x705]  }
0x19e: {  	s12 =	sadd.s32 $0x400, s9;
	s14 =	sld [smem:$0x706]  }
0x19f: {  	s15 =	sadd.s32 $0x10, s12;
	s16 =	sld [smem:$0x707]  }
0x1a0: {  	[sflag:s3] =	ssyncset.done $0x0;
	[smem:$0x708] =	sst s15  }
0x1a1: {  	s17 =	sadd.s32 $0x20, s12;
	s18 =	sld [smem:$0x709];
	[sflag:s3] =	ssyncadd.s32 $0xFFFFFE00  }
0x1a2: {  	[hbm4b:s12+s2] =	stream.linear.scatter [tilespmem:s11], [sflag:$0x1], $0x80, $0x38;
	[tilespmem:$0x7000] =	vst v63  }
0x1a3: {  	[smem:$0x70A] =	sst s17  }
0x1a4: {  	[hbm4b:s15+s2] =	stream.linear.scatter [tilespmem:s14], [sflag:$0x1], $0x80, $0x38;
	[tilespmem:$0x7000] =	vst v63  }
0x1a5: {  	s19 =	sadd.s32 $0x30, s12;
	[smem:$0x70B] =	sst s12  }
0x1a6: {  	[hbm4b:s17+s2] =	stream.linear.scatter [tilespmem:s16], [sflag:$0x1], $0x80, $0x38;
	[tilespmem:$0x7000] =	vst v63  }
0x1a7: {  	[smem:$0x70C] =	sst s19  }
0x1a8: {  	[hbm4b:s19+s2] =	stream.linear.scatter [tilespmem:s18], [sflag:$0x1], $0x80, $0x38;
	[tilespmem:$0x7000] =	vst v63  }
0x1a9: {  	_ =	swait.ge [sflag:s3], $0x200  }
0x1aa: {  	s20 =	sld [smem:$0x70D]  }
0x1ab: {  	s21 =	sadd.s32 $0x440, s9;
	s22 =	sld [smem:$0x70E]  }
0x1ac: {  	s23 =	sadd.s32 $0x10, s21;
	s24 =	sld [smem:$0x70F]  }
0x1ad: {  	[sflag:s3] =	ssyncset.done $0x0;
	[smem:$0x710] =	sst s23  }
0x1ae: {  	s25 =	sadd.s32 $0x20, s21;
	s26 =	sld [smem:$0x711];
	[sflag:s3] =	ssyncadd.s32 $0xFFFFFE00  }
0x1af: {  	[hbm4b:s21+s2] =	stream.linear.scatter [tilespmem:s20], [sflag:$0x1], $0x80, $0x38;
	[tilespmem:$0x7000] =	vst v63  }
0x1b0: {  	[smem:$0x712] =	sst s25  }
0x1b1: {  	[hbm4b:s23+s2] =	stream.linear.scatter [tilespmem:s22], [sflag:$0x1], $0x80, $0x38;
	[tilespmem:$0x7000] =	vst v63  }
0x1b2: {  	s5 =	sadd.s32 $0x30, s21;
	[smem:$0x713] =	sst s21  }
0x1b3: {  	[hbm4b:s25+s2] =	stream.linear.scatter [tilespmem:s24], [sflag:$0x1], $0x80, $0x38;
	[tilespmem:$0x7000] =	vst v63  }
0x1b4: {  	[smem:$0x714] =	sst s5  }
0x1b5: {  	[hbm4b:s5+s2] =	stream.linear.scatter [tilespmem:s26], [sflag:$0x1], $0x80, $0x38;
	[tilespmem:$0x7000] =	vst v63  }
0x1b6: {  	_ =	swait.ge [sflag:s3], $0x200  }
0x1b7: {  	s6 =	sld [smem:$0x715]  }
0x1b8: {  	s7 =	sadd.s32 $0x480, s9;
	s8 =	sld [smem:$0x716]  }
0x1b9: {  	s10 =	sadd.s32 $0x10, s7;
	s11 =	sld [smem:$0x717]  }
0x1ba: {  	[sflag:s3] =	ssyncset.done $0x0;
	[smem:$0x718] =	sst s10  }
0x1bb: {  	s12 =	sadd.s32 $0x20, s7;
	s14 =	sld [smem:$0x719];
	[sflag:s3] =	ssyncadd.s32 $0xFFFFFE00  }
0x1bc: {  	[hbm4b:s7+s2] =	stream.linear.scatter [tilespmem:s6], [sflag:$0x1], $0x80, $0x38;
	[tilespmem:$0x7000] =	vst v63  }
0x1bd: {  	[smem:$0x71A] =	sst s12  }
0x1be: {  	[hbm4b:s10+s2] =	stream.linear.scatter [tilespmem:s8], [sflag:$0x1], $0x80, $0x38;
	[tilespmem:$0x7000] =	vst v63  }
0x1bf: {  	s15 =	sadd.s32 $0x30, s7;
	[smem:$0x71B] =	sst s7  }
0x1c0: {  	[hbm4b:s12+s2] =	stream.linear.scatter [tilespmem:s11], [sflag:$0x1], $0x80, $0x38;
	[tilespmem:$0x7000] =	vst v63  }
0x1c1: {  	[smem:$0x71C] =	sst s15  }
0x1c2: {  	[hbm4b:s15+s2] =	stream.linear.scatter [tilespmem:s14], [sflag:$0x1], $0x80, $0x38;
	[tilespmem:$0x7000] =	vst v63  }
0x1c3: {  	_ =	swait.ge [sflag:s3], $0x200  }
0x1c4: {  	s16 =	sld [smem:$0x71D]  }
0x1c5: {  	s17 =	sadd.s32 $0x4C0, s9;
	s18 =	sld [smem:$0x71E]  }
0x1c6: {  	s19 =	sadd.s32 $0x10, s17;
	s20 =	sld [smem:$0x71F]  }
0x1c7: {  	[sflag:s3] =	ssyncset.done $0x0;
	[smem:$0x720] =	sst s19  }
0x1c8: {  	s21 =	sadd.s32 $0x20, s17;
	s22 =	sld [smem:$0x721];
	[sflag:s3] =	ssyncadd.s32 $0xFFFFFE00  }
0x1c9: {  	[hbm4b:s17+s2] =	stream.linear.scatter [tilespmem:s16], [sflag:$0x1], $0x80, $0x38;
	[tilespmem:$0x7000] =	vst v63  }
0x1ca: {  	[smem:$0x722] =	sst s21  }
0x1cb: {  	[hbm4b:s19+s2] =	stream.linear.scatter [tilespmem:s18], [sflag:$0x1], $0x80, $0x38;
	[tilespmem:$0x7000] =	vst v63  }
0x1cc: {  	s23 =	sadd.s32 $0x30, s17;
	[smem:$0x723] =	sst s17  }
0x1cd: {  	[hbm4b:s21+s2] =	stream.linear.scatter [tilespmem:s20], [sflag:$0x1], $0x80, $0x38;
	[tilespmem:$0x7000] =	vst v63  }
0x1ce: {  	[smem:$0x724] =	sst s23  }
0x1cf: {  	[hbm4b:s23+s2] =	stream.linear.scatter [tilespmem:s22], [sflag:$0x1], $0x80, $0x38;
	[tilespmem:$0x7000] =	vst v63  }
0x1d0: {  	_ =	swait.ge [sflag:s3], $0x200  }
0x1d1: {  	s24 =	sld [smem:$0x725]  }
0x1d2: {  	s25 =	sadd.s32 $0x500, s9;
	s26 =	sld [smem:$0x726]  }
0x1d3: {  	s0 =	sadd.s32 $0x10, s25;
	s6 =	sld [smem:$0x727]  }
0x1d4: {  	[sflag:s3] =	ssyncset.done $0x0;
	[smem:$0x728] =	sst s0  }
0x1d5: {  	s7 =	sadd.s32 $0x20, s25;
	s8 =	sld [smem:$0x729];
	[sflag:s3] =	ssyncadd.s32 $0xFFFFFE00  }
0x1d6: {  	[hbm4b:s25+s2] =	stream.linear.scatter [tilespmem:s24], [sflag:$0x1], $0x80, $0x38;
	[tilespmem:$0x7000] =	vst v63  }
0x1d7: {  	[smem:$0x72A] =	sst s7  }
0x1d8: {  	[hbm4b:s0+s2] =	stream.linear.scatter [tilespmem:s26], [sflag:$0x1], $0x80, $0x38;
	[tilespmem:$0x7000] =	vst v63  }
0x1d9: {  	s10 =	sadd.s32 $0x30, s25;
	[smem:$0x72B] =	sst s25  }
0x1da: {  	[hbm4b:s7+s2] =	stream.linear.scatter [tilespmem:s6], [sflag:$0x1], $0x80, $0x38;
	[tilespmem:$0x7000] =	vst v63  }
0x1db: {  	[smem:$0x72C] =	sst s10  }
0x1dc: {  	[hbm4b:s10+s2] =	stream.linear.scatter [tilespmem:s8], [sflag:$0x1], $0x80, $0x38;
	[tilespmem:$0x7000] =	vst v63  }
0x1dd: {  	_ =	swait.ge [sflag:s3], $0x200  }
0x1de: {  	s11 =	sld [smem:$0x72D]  }
0x1df: {  	s12 =	sadd.s32 $0x540, s9;
	s14 =	sld [smem:$0x72E]  }
0x1e0: {  	s15 =	sadd.s32 $0x10, s12;
	s16 =	sld [smem:$0x72F]  }
0x1e1: {  	[sflag:s3] =	ssyncset.done $0x0;
	[smem:$0x730] =	sst s15  }
0x1e2: {  	s17 =	sadd.s32 $0x20, s12;
	s18 =	sld [smem:$0x731];
	[sflag:s3] =	ssyncadd.s32 $0xFFFFFE00  }
0x1e3: {  	[hbm4b:s12+s2] =	stream.linear.scatter [tilespmem:s11], [sflag:$0x1], $0x80, $0x38;
	[tilespmem:$0x7000] =	vst v63  }
0x1e4: {  	[smem:$0x732] =	sst s17  }
0x1e5: {  	[hbm4b:s15+s2] =	stream.linear.scatter [tilespmem:s14], [sflag:$0x1], $0x80, $0x38;
	[tilespmem:$0x7000] =	vst v63  }
0x1e6: {  	s19 =	sadd.s32 $0x30, s12;
	[smem:$0x733] =	sst s12  }
0x1e7: {  	[hbm4b:s17+s2] =	stream.linear.scatter [tilespmem:s16], [sflag:$0x1], $0x80, $0x38;
	[tilespmem:$0x7000] =	vst v63  }
0x1e8: {  	[smem:$0x734] =	sst s19  }
0x1e9: {  	[hbm4b:s19+s2] =	stream.linear.scatter [tilespmem:s18], [sflag:$0x1], $0x80, $0x38;
	[tilespmem:$0x7000] =	vst v63  }
0x1ea: {  	_ =	swait.ge [sflag:s3], $0x200  }
0x1eb: {  	s20 =	sld [smem:$0x735]  }
0x1ec: {  	s21 =	sadd.s32 $0x580, s9;
	s22 =	sld [smem:$0x736]  }
0x1ed: {  	s23 =	sadd.s32 $0x10, s21;
	s24 =	sld [smem:$0x737]  }
0x1ee: {  	[sflag:s3] =	ssyncset.done $0x0;
	[smem:$0x738] =	sst s23  }
0x1ef: {  	s25 =	sadd.s32 $0x20, s21;
	s26 =	sld [smem:$0x739];
	[sflag:s3] =	ssyncadd.s32 $0xFFFFFE00  }
0x1f0: {  	[hbm4b:s21+s2] =	stream.linear.scatter [tilespmem:s20], [sflag:$0x1], $0x80, $0x38;
	[tilespmem:$0x7000] =	vst v63  }
0x1f1: {  	[smem:$0x73A] =	sst s25  }
0x1f2: {  	[hbm4b:s23+s2] =	stream.linear.scatter [tilespmem:s22], [sflag:$0x1], $0x80, $0x38;
	[tilespmem:$0x7000] =	vst v63  }
0x1f3: {  	s5 =	sadd.s32 $0x30, s21;
	[smem:$0x73B] =	sst s21  }
0x1f4: {  	[hbm4b:s25+s2] =	stream.linear.scatter [tilespmem:s24], [sflag:$0x1], $0x80, $0x38;
	[tilespmem:$0x7000] =	vst v63  }
0x1f5: {  	[smem:$0x73C] =	sst s5  }
0x1f6: {  	[hbm4b:s5+s2] =	stream.linear.scatter [tilespmem:s26], [sflag:$0x1], $0x80, $0x38;
	[tilespmem:$0x7000] =	vst v63  }
0x1f7: {  	_ =	swait.ge [sflag:s3], $0x200  }
0x1f8: {  	s6 =	sld [smem:$0x73D]  }
0x1f9: {  	s7 =	sadd.s32 $0x5C0, s9;
	s8 =	sld [smem:$0x73E]  }
0x1fa: {  	s10 =	sadd.s32 $0x10, s7;
	s11 =	sld [smem:$0x73F]  }
0x1fb: {  	[sflag:s3] =	ssyncset.done $0x0;
	[smem:$0x740] =	sst s10  }
0x1fc: {  	s12 =	sadd.s32 $0x20, s7;
	s14 =	sld [smem:$0x741];
	[sflag:s3] =	ssyncadd.s32 $0xFFFFFE00  }
0x1fd: {  	[hbm4b:s7+s2] =	stream.linear.scatter [tilespmem:s6], [sflag:$0x1], $0x80, $0x38;
	[tilespmem:$0x7000] =	vst v63  }
0x1fe: {  	[smem:$0x742] =	sst s12  }
0x1ff: {  	[hbm4b:s10+s2] =	stream.linear.scatter [tilespmem:s8], [sflag:$0x1], $0x80, $0x38;
	[tilespmem:$0x7000] =	vst v63  }
0x200: {  	s15 =	sadd.s32 $0x30, s7;
	[smem:$0x743] =	sst s7  }
0x201: {  	[hbm4b:s12+s2] =	stream.linear.scatter [tilespmem:s11], [sflag:$0x1], $0x80, $0x38;
	[tilespmem:$0x7000] =	vst v63  }
0x202: {  	[smem:$0x744] =	sst s15  }
0x203: {  	[hbm4b:s15+s2] =	stream.linear.scatter [tilespmem:s14], [sflag:$0x1], $0x80, $0x38;
	[tilespmem:$0x7000] =	vst v63  }
0x204: {  	_ =	swait.ge [sflag:s3], $0x200  }
0x205: {  	s16 =	sld [smem:$0x745]  }
0x206: {  	s17 =	sadd.s32 $0x600, s9;
	s18 =	sld [smem:$0x746]  }
0x207: {  	s19 =	sadd.s32 $0x10, s17;
	s20 =	sld [smem:$0x747]  }
0x208: {  	[sflag:s3] =	ssyncset.done $0x0;
	[smem:$0x748] =	sst s19  }
0x209: {  	s21 =	sadd.s32 $0x20, s17;
	s22 =	sld [smem:$0x749];
	[sflag:s3] =	ssyncadd.s32 $0xFFFFFE00  }
0x20a: {  	[hbm4b:s17+s2] =	stream.linear.scatter [tilespmem:s16], [sflag:$0x1], $0x80, $0x38;
	[tilespmem:$0x7000] =	vst v63  }
0x20b: {  	[smem:$0x74A] =	sst s21  }
0x20c: {  	[hbm4b:s19+s2] =	stream.linear.scatter [tilespmem:s18], [sflag:$0x1], $0x80, $0x38;
	[tilespmem:$0x7000] =	vst v63  }
0x20d: {  	s23 =	sadd.s32 $0x30, s17;
	[smem:$0x74B] =	sst s17  }
0x20e: {  	[hbm4b:s21+s2] =	stream.linear.scatter [tilespmem:s20], [sflag:$0x1], $0x80, $0x38;
	[tilespmem:$0x7000] =	vst v63  }
0x20f: {  	[smem:$0x74C] =	sst s23  }
0x210: {  	[hbm4b:s23+s2] =	stream.linear.scatter [tilespmem:s22], [sflag:$0x1], $0x80, $0x38;
	[tilespmem:$0x7000] =	vst v63  }
0x211: {  	_ =	swait.ge [sflag:s3], $0x200  }
0x212: {  	s24 =	sld [smem:$0x74D]  }
0x213: {  	s25 =	sadd.s32 $0x640, s9;
	s26 =	sld [smem:$0x74E]  }
0x214: {  	s0 =	sadd.s32 $0x10, s25;
	s6 =	sld [smem:$0x74F]  }
0x215: {  	[sflag:s3] =	ssyncset.done $0x0;
	[smem:$0x750] =	sst s0  }
0x216: {  	s7 =	sadd.s32 $0x20, s25;
	s8 =	sld [smem:$0x751];
	[sflag:s3] =	ssyncadd.s32 $0xFFFFFE00  }
0x217: {  	[hbm4b:s25+s2] =	stream.linear.scatter [tilespmem:s24], [sflag:$0x1], $0x80, $0x38;
	[tilespmem:$0x7000] =	vst v63  }
0x218: {  	[smem:$0x752] =	sst s7  }
0x219: {  	[hbm4b:s0+s2] =	stream.linear.scatter [tilespmem:s26], [sflag:$0x1], $0x80, $0x38;
	[tilespmem:$0x7000] =	vst v63  }
0x21a: {  	s10 =	sadd.s32 $0x30, s25;
	[smem:$0x753] =	sst s25  }
0x21b: {  	[hbm4b:s7+s2] =	stream.linear.scatter [tilespmem:s6], [sflag:$0x1], $0x80, $0x38;
	[tilespmem:$0x7000] =	vst v63  }
0x21c: {  	[smem:$0x754] =	sst s10  }
0x21d: {  	[hbm4b:s10+s2] =	stream.linear.scatter [tilespmem:s8], [sflag:$0x1], $0x80, $0x38;
	[tilespmem:$0x7000] =	vst v63  }
0x21e: {  	_ =	swait.ge [sflag:s3], $0x200  }
0x21f: {  	s11 =	sld [smem:$0x755]  }
0x220: {  	s12 =	sadd.s32 $0x680, s9;
	s14 =	sld [smem:$0x756]  }
0x221: {  	s15 =	sadd.s32 $0x10, s12;
	s16 =	sld [smem:$0x757]  }
0x222: {  	[sflag:s3] =	ssyncset.done $0x0;
	[smem:$0x758] =	sst s15  }
0x223: {  	s17 =	sadd.s32 $0x20, s12;
	s18 =	sld [smem:$0x759];
	[sflag:s3] =	ssyncadd.s32 $0xFFFFFE00  }
0x224: {  	[hbm4b:s12+s2] =	stream.linear.scatter [tilespmem:s11], [sflag:$0x1], $0x80, $0x38;
	[tilespmem:$0x7000] =	vst v63  }
0x225: {  	[smem:$0x75A] =	sst s17  }
0x226: {  	[hbm4b:s15+s2] =	stream.linear.scatter [tilespmem:s14], [sflag:$0x1], $0x80, $0x38;
	[tilespmem:$0x7000] =	vst v63  }
0x227: {  	s19 =	sadd.s32 $0x30, s12;
	[smem:$0x75B] =	sst s12  }
0x228: {  	[hbm4b:s17+s2] =	stream.linear.scatter [tilespmem:s16], [sflag:$0x1], $0x80, $0x38;
	[tilespmem:$0x7000] =	vst v63  }
0x229: {  	[smem:$0x75C] =	sst s19  }
0x22a: {  	[hbm4b:s19+s2] =	stream.linear.scatter [tilespmem:s18], [sflag:$0x1], $0x80, $0x38;
	[tilespmem:$0x7000] =	vst v63  }
0x22b: {  	_ =	swait.ge [sflag:s3], $0x200  }
0x22c: {  	s20 =	sld [smem:$0x75D]  }
0x22d: {  	s21 =	sadd.s32 $0x6C0, s9;
	s22 =	sld [smem:$0x75E]  }
0x22e: {  	s23 =	sadd.s32 $0x10, s21;
	s24 =	sld [smem:$0x75F]  }
0x22f: {  	[sflag:s3] =	ssyncset.done $0x0;
	[smem:$0x760] =	sst s23  }
0x230: {  	s25 =	sadd.s32 $0x20, s21;
	s26 =	sld [smem:$0x761];
	[sflag:s3] =	ssyncadd.s32 $0xFFFFFE00  }
0x231: {  	[hbm4b:s21+s2] =	stream.linear.scatter [tilespmem:s20], [sflag:$0x1], $0x80, $0x38;
	[tilespmem:$0x7000] =	vst v63  }
0x232: {  	[smem:$0x762] =	sst s25  }
0x233: {  	[hbm4b:s23+s2] =	stream.linear.scatter [tilespmem:s22], [sflag:$0x1], $0x80, $0x38;
	[tilespmem:$0x7000] =	vst v63  }
0x234: {  	s5 =	sadd.s32 $0x30, s21;
	[smem:$0x763] =	sst s21  }
0x235: {  	[hbm4b:s25+s2] =	stream.linear.scatter [tilespmem:s24], [sflag:$0x1], $0x80, $0x38;
	[tilespmem:$0x7000] =	vst v63  }
0x236: {  	[smem:$0x764] =	sst s5  }
0x237: {  	[hbm4b:s5+s2] =	stream.linear.scatter [tilespmem:s26], [sflag:$0x1], $0x80, $0x38;
	[tilespmem:$0x7000] =	vst v63  }
0x238: {  	_ =	swait.ge [sflag:s3], $0x200  }
0x239: {  	s6 =	sld [smem:$0x765]  }
0x23a: {  	s7 =	sadd.s32 $0x700, s9;
	s8 =	sld [smem:$0x766]  }
0x23b: {  	s10 =	sadd.s32 $0x10, s7;
	s11 =	sld [smem:$0x767]  }
0x23c: {  	[sflag:s3] =	ssyncset.done $0x0;
	[smem:$0x768] =	sst s10  }
0x23d: {  	s12 =	sadd.s32 $0x20, s7;
	s14 =	sld [smem:$0x769];
	[sflag:s3] =	ssyncadd.s32 $0xFFFFFE00  }
0x23e: {  	[hbm4b:s7+s2] =	stream.linear.scatter [tilespmem:s6], [sflag:$0x1], $0x80, $0x38;
	[tilespmem:$0x7000] =	vst v63  }
0x23f: {  	[smem:$0x76A] =	sst s12  }
0x240: {  	[hbm4b:s10+s2] =	stream.linear.scatter [tilespmem:s8], [sflag:$0x1], $0x80, $0x38;
	[tilespmem:$0x7000] =	vst v63  }
0x241: {  	s15 =	sadd.s32 $0x30, s7;
	[smem:$0x76B] =	sst s7  }
0x242: {  	[hbm4b:s12+s2] =	stream.linear.scatter [tilespmem:s11], [sflag:$0x1], $0x80, $0x38;
	[tilespmem:$0x7000] =	vst v63  }
0x243: {  	[smem:$0x76C] =	sst s15  }
0x244: {  	[hbm4b:s15+s2] =	stream.linear.scatter [tilespmem:s14], [sflag:$0x1], $0x80, $0x38;
	[tilespmem:$0x7000] =	vst v63  }
0x245: {  	_ =	swait.ge [sflag:s3], $0x200  }
0x246: {  	s16 =	sld [smem:$0x76D]  }
0x247: {  	s17 =	sadd.s32 $0x740, s9;
	s18 =	sld [smem:$0x76E]  }
0x248: {  	s19 =	sadd.s32 $0x10, s17;
	s20 =	sld [smem:$0x76F]  }
0x249: {  	[sflag:s3] =	ssyncset.done $0x0;
	[smem:$0x770] =	sst s19  }
0x24a: {  	s21 =	sadd.s32 $0x20, s17;
	s22 =	sld [smem:$0x771];
	[sflag:s3] =	ssyncadd.s32 $0xFFFFFE00  }
0x24b: {  	[hbm4b:s17+s2] =	stream.linear.scatter [tilespmem:s16], [sflag:$0x1], $0x80, $0x38;
	[tilespmem:$0x7000] =	vst v63  }
0x24c: {  	[smem:$0x772] =	sst s21  }
0x24d: {  	[hbm4b:s19+s2] =	stream.linear.scatter [tilespmem:s18], [sflag:$0x1], $0x80, $0x38;
	[tilespmem:$0x7000] =	vst v63  }
0x24e: {  	s23 =	sadd.s32 $0x30, s17;
	[smem:$0x773] =	sst s17  }
0x24f: {  	[hbm4b:s21+s2] =	stream.linear.scatter [tilespmem:s20], [sflag:$0x1], $0x80, $0x38;
	[tilespmem:$0x7000] =	vst v63  }
0x250: {  	[smem:$0x774] =	sst s23  }
0x251: {  	[hbm4b:s23+s2] =	stream.linear.scatter [tilespmem:s22], [sflag:$0x1], $0x80, $0x38;
	[tilespmem:$0x7000] =	vst v63  }
0x252: {  	_ =	swait.ge [sflag:s3], $0x200  }
0x253: {  	s24 =	sld [smem:$0x775]  }
0x254: {  	s25 =	sadd.s32 $0x780, s9;
	s26 =	sld [smem:$0x776]  }
0x255: {  	s0 =	sadd.s32 $0x10, s25;
	s6 =	sld [smem:$0x777]  }
0x256: {  	[sflag:s3] =	ssyncset.done $0x0;
	[smem:$0x778] =	sst s0  }
0x257: {  	s7 =	sadd.s32 $0x20, s25;
	s8 =	sld [smem:$0x779];
	[sflag:s3] =	ssyncadd.s32 $0xFFFFFE00  }
0x258: {  	[hbm4b:s25+s2] =	stream.linear.scatter [tilespmem:s24], [sflag:$0x1], $0x80, $0x38;
	[tilespmem:$0x7000] =	vst v63  }
0x259: {  	[smem:$0x77A] =	sst s7  }
0x25a: {  	[hbm4b:s0+s2] =	stream.linear.scatter [tilespmem:s26], [sflag:$0x1], $0x80, $0x38;
	[tilespmem:$0x7000] =	vst v63  }
0x25b: {  	s10 =	sadd.s32 $0x30, s25;
	[smem:$0x77B] =	sst s25  }
0x25c: {  	[hbm4b:s7+s2] =	stream.linear.scatter [tilespmem:s6], [sflag:$0x1], $0x80, $0x38;
	[tilespmem:$0x7000] =	vst v63  }
0x25d: {  	[smem:$0x77C] =	sst s10  }
0x25e: {  	[hbm4b:s10+s2] =	stream.linear.scatter [tilespmem:s8], [sflag:$0x1], $0x80, $0x38;
	[tilespmem:$0x7000] =	vst v63  }
0x25f: {  	_ =	swait.ge [sflag:s3], $0x200  }
0x260: {  	s11 =	sld [smem:$0x77D]  }
0x261: {  	s12 =	sadd.s32 $0x7C0, s9;
	s14 =	sld [smem:$0x77E]  }
0x262: {  	s15 =	sadd.s32 $0x10, s12;
	s16 =	sld [smem:$0x77F]  }
0x263: {  	[sflag:s3] =	ssyncset.done $0x0;
	[smem:$0x780] =	sst s15  }
0x264: {  	s17 =	sadd.s32 $0x20, s12;
	s18 =	sld [smem:$0x781];
	[sflag:s3] =	ssyncadd.s32 $0xFFFFFE00  }
0x265: {  	[hbm4b:s12+s2] =	stream.linear.scatter [tilespmem:s11], [sflag:$0x1], $0x80, $0x38;
	[tilespmem:$0x7000] =	vst v63  }
0x266: {  	[smem:$0x782] =	sst s17  }
0x267: {  	[hbm4b:s15+s2] =	stream.linear.scatter [tilespmem:s14], [sflag:$0x1], $0x80, $0x38;
	[tilespmem:$0x7000] =	vst v63  }
0x268: {  	s19 =	sadd.s32 $0x30, s12;
	[smem:$0x783] =	sst s12  }
0x269: {  	[hbm4b:s17+s2] =	stream.linear.scatter [tilespmem:s16], [sflag:$0x1], $0x80, $0x38;
	[tilespmem:$0x7000] =	vst v63  }
0x26a: {  	[smem:$0x784] =	sst s19  }
0x26b: {  	[hbm4b:s19+s2] =	stream.linear.scatter [tilespmem:s18], [sflag:$0x1], $0x80, $0x38;
	[tilespmem:$0x7000] =	vst v63  }
0x26c: {  	_ =	swait.ge [sflag:s3], $0x200  }
0x26d: {  	s20 =	sld [smem:$0x785]  }
0x26e: {  	s21 =	sadd.s32 $0x800, s9;
	s22 =	sld [smem:$0x786]  }
0x26f: {  	s23 =	sadd.s32 $0x10, s21;
	s24 =	sld [smem:$0x787]  }
0x270: {  	[sflag:s3] =	ssyncset.done $0x0;
	[smem:$0x788] =	sst s23  }
0x271: {  	s25 =	sadd.s32 $0x20, s21;
	s26 =	sld [smem:$0x789];
	[sflag:s3] =	ssyncadd.s32 $0xFFFFFE00  }
0x272: {  	[hbm4b:s21+s2] =	stream.linear.scatter [tilespmem:s20], [sflag:$0x1], $0x80, $0x38;
	[tilespmem:$0x7000] =	vst v63  }
0x273: {  	[smem:$0x78A] =	sst s25  }
0x274: {  	[hbm4b:s23+s2] =	stream.linear.scatter [tilespmem:s22], [sflag:$0x1], $0x80, $0x38;
	[tilespmem:$0x7000] =	vst v63  }
0x275: {  	s5 =	sadd.s32 $0x30, s21;
	[smem:$0x78B] =	sst s21  }
0x276: {  	[hbm4b:s25+s2] =	stream.linear.scatter [tilespmem:s24], [sflag:$0x1], $0x80, $0x38;
	[tilespmem:$0x7000] =	vst v63  }
0x277: {  	[smem:$0x78C] =	sst s5  }
0x278: {  	[hbm4b:s5+s2] =	stream.linear.scatter [tilespmem:s26], [sflag:$0x1], $0x80, $0x38;
	[tilespmem:$0x7000] =	vst v63  }
0x279: {  	_ =	swait.ge [sflag:s3], $0x200  }
0x27a: {  	s6 =	sld [smem:$0x78D]  }
0x27b: {  	s7 =	sadd.s32 $0x840, s9;
	s8 =	sld [smem:$0x78E]  }
0x27c: {  	s10 =	sadd.s32 $0x10, s7;
	s11 =	sld [smem:$0x78F]  }
0x27d: {  	[sflag:s3] =	ssyncset.done $0x0;
	[smem:$0x790] =	sst s10  }
0x27e: {  	s12 =	sadd.s32 $0x20, s7;
	s14 =	sld [smem:$0x791];
	[sflag:s3] =	ssyncadd.s32 $0xFFFFFE00  }
0x27f: {  	[hbm4b:s7+s2] =	stream.linear.scatter [tilespmem:s6], [sflag:$0x1], $0x80, $0x38;
	[tilespmem:$0x7000] =	vst v63  }
0x280: {  	[smem:$0x792] =	sst s12  }
0x281: {  	[hbm4b:s10+s2] =	stream.linear.scatter [tilespmem:s8], [sflag:$0x1], $0x80, $0x38;
	[tilespmem:$0x7000] =	vst v63  }
0x282: {  	s15 =	sadd.s32 $0x30, s7;
	[smem:$0x793] =	sst s7  }
0x283: {  	[hbm4b:s12+s2] =	stream.linear.scatter [tilespmem:s11], [sflag:$0x1], $0x80, $0x38;
	[tilespmem:$0x7000] =	vst v63  }
0x284: {  	[smem:$0x794] =	sst s15  }
0x285: {  	[hbm4b:s15+s2] =	stream.linear.scatter [tilespmem:s14], [sflag:$0x1], $0x80, $0x38;
	[tilespmem:$0x7000] =	vst v63  }
0x286: {  	_ =	swait.ge [sflag:s3], $0x200  }
0x287: {  	s16 =	sld [smem:$0x795]  }
0x288: {  	s17 =	sadd.s32 $0x880, s9;
	s18 =	sld [smem:$0x796]  }
0x289: {  	s19 =	sadd.s32 $0x10, s17;
	s20 =	sld [smem:$0x797]  }
0x28a: {  	[sflag:s3] =	ssyncset.done $0x0;
	[smem:$0x798] =	sst s19  }
0x28b: {  	s21 =	sadd.s32 $0x20, s17;
	s22 =	sld [smem:$0x799];
	[sflag:s3] =	ssyncadd.s32 $0xFFFFFE00  }
0x28c: {  	[hbm4b:s17+s2] =	stream.linear.scatter [tilespmem:s16], [sflag:$0x1], $0x80, $0x38;
	[tilespmem:$0x7000] =	vst v63  }
0x28d: {  	[smem:$0x79A] =	sst s21  }
0x28e: {  	[hbm4b:s19+s2] =	stream.linear.scatter [tilespmem:s18], [sflag:$0x1], $0x80, $0x38;
	[tilespmem:$0x7000] =	vst v63  }
0x28f: {  	s23 =	sadd.s32 $0x30, s17;
	[smem:$0x79B] =	sst s17  }
0x290: {  	[hbm4b:s21+s2] =	stream.linear.scatter [tilespmem:s20], [sflag:$0x1], $0x80, $0x38;
	[tilespmem:$0x7000] =	vst v63  }
0x291: {  	[smem:$0x79C] =	sst s23  }
0x292: {  	[hbm4b:s23+s2] =	stream.linear.scatter [tilespmem:s22], [sflag:$0x1], $0x80, $0x38;
	[tilespmem:$0x7000] =	vst v63  }
0x293: {  	_ =	swait.ge [sflag:s3], $0x200  }
0x294: {  	s24 =	sld [smem:$0x79D]  }
0x295: {  	s25 =	sadd.s32 $0x8C0, s9;
	s26 =	sld [smem:$0x79E]  }
0x296: {  	s0 =	sadd.s32 $0x10, s25;
	s6 =	sld [smem:$0x79F]  }
0x297: {  	[sflag:s3] =	ssyncset.done $0x0;
	[smem:$0x7A0] =	sst s0  }
0x298: {  	s7 =	sadd.s32 $0x20, s25;
	s8 =	sld [smem:$0x7A1];
	[sflag:s3] =	ssyncadd.s32 $0xFFFFFE00  }
0x299: {  	[hbm4b:s25+s2] =	stream.linear.scatter [tilespmem:s24], [sflag:$0x1], $0x80, $0x38;
	[tilespmem:$0x7000] =	vst v63  }
0x29a: {  	[smem:$0x7A2] =	sst s7  }
0x29b: {  	[hbm4b:s0+s2] =	stream.linear.scatter [tilespmem:s26], [sflag:$0x1], $0x80, $0x38;
	[tilespmem:$0x7000] =	vst v63  }
0x29c: {  	s10 =	sadd.s32 $0x30, s25;
	[smem:$0x7A3] =	sst s25  }
0x29d: {  	[hbm4b:s7+s2] =	stream.linear.scatter [tilespmem:s6], [sflag:$0x1], $0x80, $0x38;
	[tilespmem:$0x7000] =	vst v63  }
0x29e: {  	[smem:$0x7A4] =	sst s10  }
0x29f: {  	[hbm4b:s10+s2] =	stream.linear.scatter [tilespmem:s8], [sflag:$0x1], $0x80, $0x38;
	[tilespmem:$0x7000] =	vst v63  }
0x2a0: {  	_ =	swait.ge [sflag:s3], $0x200  }
0x2a1: {  	s11 =	sld [smem:$0x7A5]  }
0x2a2: {  	s12 =	sadd.s32 $0x900, s9;
	s14 =	sld [smem:$0x7A6]  }
0x2a3: {  	s15 =	sadd.s32 $0x10, s12;
	s16 =	sld [smem:$0x7A7]  }
0x2a4: {  	[sflag:s3] =	ssyncset.done $0x0;
	[smem:$0x7A8] =	sst s15  }
0x2a5: {  	s17 =	sadd.s32 $0x20, s12;
	s18 =	sld [smem:$0x7A9];
	[sflag:s3] =	ssyncadd.s32 $0xFFFFFE00  }
0x2a6: {  	[hbm4b:s12+s2] =	stream.linear.scatter [tilespmem:s11], [sflag:$0x1], $0x80, $0x38;
	[tilespmem:$0x7000] =	vst v63  }
0x2a7: {  	[smem:$0x7AA] =	sst s17  }
0x2a8: {  	[hbm4b:s15+s2] =	stream.linear.scatter [tilespmem:s14], [sflag:$0x1], $0x80, $0x38;
	[tilespmem:$0x7000] =	vst v63  }
0x2a9: {  	s19 =	sadd.s32 $0x30, s12;
	[smem:$0x7AB] =	sst s12  }
0x2aa: {  	[hbm4b:s17+s2] =	stream.linear.scatter [tilespmem:s16], [sflag:$0x1], $0x80, $0x38;
	[tilespmem:$0x7000] =	vst v63  }
0x2ab: {  	[smem:$0x7AC] =	sst s19  }
0x2ac: {  	[hbm4b:s19+s2] =	stream.linear.scatter [tilespmem:s18], [sflag:$0x1], $0x80, $0x38;
	[tilespmem:$0x7000] =	vst v63  }
0x2ad: {  	_ =	swait.ge [sflag:s3], $0x200  }
0x2ae: {  	s20 =	sld [smem:$0x7AD]  }
0x2af: {  	s21 =	sadd.s32 $0x940, s9;
	s22 =	sld [smem:$0x7AE]  }
0x2b0: {  	s23 =	sadd.s32 $0x10, s21;
	s24 =	sld [smem:$0x7AF]  }
0x2b1: {  	[sflag:s3] =	ssyncset.done $0x0;
	[smem:$0x7B0] =	sst s23  }
0x2b2: {  	s25 =	sadd.s32 $0x20, s21;
	s26 =	sld [smem:$0x7B1];
	[sflag:s3] =	ssyncadd.s32 $0xFFFFFE00  }
0x2b3: {  	[hbm4b:s21+s2] =	stream.linear.scatter [tilespmem:s20], [sflag:$0x1], $0x80, $0x38;
	[tilespmem:$0x7000] =	vst v63  }
0x2b4: {  	[smem:$0x7B2] =	sst s25  }
0x2b5: {  	[hbm4b:s23+s2] =	stream.linear.scatter [tilespmem:s22], [sflag:$0x1], $0x80, $0x38;
	[tilespmem:$0x7000] =	vst v63  }
0x2b6: {  	s6 =	sadd.s32 $0x30, s21;
	[smem:$0x7B3] =	sst s21  }
0x2b7: {  	[hbm4b:s25+s2] =	stream.linear.scatter [tilespmem:s24], [sflag:$0x1], $0x80, $0x38;
	[tilespmem:$0x7000] =	vst v63  }
0x2b8: {  	[smem:$0x7B4] =	sst s6  }
0x2b9: {  	[hbm4b:s6+s2] =	stream.linear.scatter [tilespmem:s26], [sflag:$0x1], $0x80, $0x38;
	[tilespmem:$0x7000] =	vst v63  }
0x2ba: {  	_ =	swait.ge [sflag:s3], $0x200  }
0x2bb: {  	s7 =	sld [smem:$0x7B5]  }
0x2bc: {  	s8 =	sadd.s32 $0x980, s9;
	s10 =	sld [smem:$0x7B6]  }
0x2bd: {  	s11 =	sadd.s32 $0x10, s8;
	s12 =	sld [smem:$0x7B7]  }
0x2be: {  	[sflag:s3] =	ssyncset.done $0x0;
	[smem:$0x7B8] =	sst s11  }
0x2bf: {  	s14 =	sadd.s32 $0x20, s8;
	s15 =	sld [smem:$0x7B9];
	[sflag:s3] =	ssyncadd.s32 $0xFFFFFE00  }
0x2c0: {  	[hbm4b:s8+s2] =	stream.linear.scatter [tilespmem:s7], [sflag:$0x1], $0x80, $0x38;
	[tilespmem:$0x7000] =	vst v63  }
0x2c1: {  	[smem:$0x7BA] =	sst s14  }
0x2c2: {  	[hbm4b:s11+s2] =	stream.linear.scatter [tilespmem:s10], [sflag:$0x1], $0x80, $0x38;
	[tilespmem:$0x7000] =	vst v63  }
0x2c3: {  	s16 =	sadd.s32 $0x30, s8;
	[smem:$0x7BB] =	sst s8  }
0x2c4: {  	[hbm4b:s14+s2] =	stream.linear.scatter [tilespmem:s12], [sflag:$0x1], $0x80, $0x38;
	[tilespmem:$0x7000] =	vst v63  }
0x2c5: {  	[smem:$0x7BC] =	sst s16  }
0x2c6: {  	[hbm4b:s16+s2] =	stream.linear.scatter [tilespmem:s15], [sflag:$0x1], $0x80, $0x38;
	[tilespmem:$0x7000] =	vst v63  }
0x2c7: {  	_ =	swait.ge [sflag:s3], $0x200  }
0x2c8: {  	s17 =	sld [smem:$0x7BD]  }
0x2c9: {  	s18 =	sadd.s32 $0x9C0, s9;
	s19 =	sld [smem:$0x7BE]  }
0x2ca: {  	s20 =	sadd.s32 $0x10, s18;
	s21 =	sld [smem:$0x7BF]  }
0x2cb: {  	[sflag:s3] =	ssyncset.done $0x0;
	[smem:$0x7C0] =	sst s20  }
0x2cc: {  	s22 =	sadd.s32 $0x20, s18;
	s23 =	sld [smem:$0x7C1];
	[sflag:s3] =	ssyncadd.s32 $0xFFFFFE00  }
0x2cd: {  	[hbm4b:s18+s2] =	stream.linear.scatter [tilespmem:s17], [sflag:$0x1], $0x80, $0x38;
	[tilespmem:$0x7000] =	vst v63  }
0x2ce: {  	[smem:$0x7C2] =	sst s22  }
0x2cf: {  	[hbm4b:s20+s2] =	stream.linear.scatter [tilespmem:s19], [sflag:$0x1], $0x80, $0x38;
	[tilespmem:$0x7000] =	vst v63  }
0x2d0: {  	s24 =	sadd.s32 $0x30, s18;
	[smem:$0x7C3] =	sst s18  }
0x2d1: {  	[hbm4b:s22+s2] =	stream.linear.scatter [tilespmem:s21], [sflag:$0x1], $0x80, $0x38;
	[tilespmem:$0x7000] =	vst v63  }
0x2d2: {  	[smem:$0x7C4] =	sst s24  }
0x2d3: {  	[hbm4b:s24+s2] =	stream.linear.scatter [tilespmem:s23], [sflag:$0x1], $0x80, $0x38;
	[tilespmem:$0x7000] =	vst v63  }
0x2d4: {  	_ =	swait.ge [sflag:s3], $0x200  }
0x2d5: {  	s25 =	sld [smem:$0x7C5]  }
0x2d6: {  	s26 =	sadd.s32 $0xA00, s9;
	s6 =	sld [smem:$0x7C6]  }
0x2d7: {  	s7 =	sadd.s32 $0x10, s26;
	s8 =	sld [smem:$0x7C7]  }
0x2d8: {  	[sflag:s3] =	ssyncset.done $0x0;
	[smem:$0x7C8] =	sst s7  }
0x2d9: {  	s10 =	sadd.s32 $0x20, s26;
	s11 =	sld [smem:$0x7C9];
	[sflag:s3] =	ssyncadd.s32 $0xFFFFFE00  }
0x2da: {  	[hbm4b:s26+s2] =	stream.linear.scatter [tilespmem:s25], [sflag:$0x1], $0x80, $0x38;
	[tilespmem:$0x7000] =	vst v63  }
0x2db: {  	[smem:$0x7CA] =	sst s10  }
0x2dc: {  	[hbm4b:s7+s2] =	stream.linear.scatter [tilespmem:s6], [sflag:$0x1], $0x80, $0x38;
	[tilespmem:$0x7000] =	vst v63  }
0x2dd: {  	s12 =	sadd.s32 $0x30, s26;
	[smem:$0x7CB] =	sst s26  }
0x2de: {  	[hbm4b:s10+s2] =	stream.linear.scatter [tilespmem:s8], [sflag:$0x1], $0x80, $0x38;
	[tilespmem:$0x7000] =	vst v63  }
0x2df: {  	[smem:$0x7CC] =	sst s12  }
0x2e0: {  	[hbm4b:s12+s2] =	stream.linear.scatter [tilespmem:s11], [sflag:$0x1], $0x80, $0x38;
	[tilespmem:$0x7000] =	vst v63  }
0x2e1: {  	_ =	swait.ge [sflag:s3], $0x200  }
0x2e2: {  	s14 =	sld [smem:$0x7CD]  }
0x2e3: {  	s15 =	sadd.s32 $0xA40, s9;
	s16 =	sld [smem:$0x7CE]  }
0x2e4: {  	s17 =	sadd.s32 $0x10, s15;
	s18 =	sld [smem:$0x7CF]  }
0x2e5: {  	[sflag:s3] =	ssyncset.done $0x0;
	[smem:$0x7D0] =	sst s17  }
0x2e6: {  	s19 =	sadd.s32 $0x20, s15;
	s20 =	sld [smem:$0x7D1];
	[sflag:s3] =	ssyncadd.s32 $0xFFFFFE00  }
0x2e7: {  	[hbm4b:s15+s2] =	stream.linear.scatter [tilespmem:s14], [sflag:$0x1], $0x80, $0x38;
	[tilespmem:$0x7000] =	vst v63  }
0x2e8: {  	[smem:$0x7D2] =	sst s19  }
0x2e9: {  	[hbm4b:s17+s2] =	stream.linear.scatter [tilespmem:s16], [sflag:$0x1], $0x80, $0x38;
	[tilespmem:$0x7000] =	vst v63  }
0x2ea: {  	s21 =	sadd.s32 $0x30, s15;
	[smem:$0x7D3] =	sst s15  }
0x2eb: {  	[hbm4b:s19+s2] =	stream.linear.scatter [tilespmem:s18], [sflag:$0x1], $0x80, $0x38;
	[tilespmem:$0x7000] =	vst v63  }
0x2ec: {  	[smem:$0x7D4] =	sst s21  }
0x2ed: {  	[hbm4b:s21+s2] =	stream.linear.scatter [tilespmem:s20], [sflag:$0x1], $0x80, $0x38;
	[tilespmem:$0x7000] =	vst v63  }
0x2ee: {  	_ =	swait.ge [sflag:s3], $0x200  }
0x2ef: {  	s22 =	sld [smem:$0x7D5]  }
0x2f0: {  	s23 =	sadd.s32 $0xA80, s9;
	s24 =	sld [smem:$0x7D6]  }
0x2f1: {  	s25 =	sadd.s32 $0x10, s23;
	s26 =	sld [smem:$0x7D7]  }
0x2f2: {  	[sflag:s3] =	ssyncset.done $0x0;
	[smem:$0x7D8] =	sst s25  }
0x2f3: {  	s6 =	sadd.s32 $0x20, s23;
	s7 =	sld [smem:$0x7D9];
	[sflag:s3] =	ssyncadd.s32 $0xFFFFFE00  }
0x2f4: {  	[hbm4b:s23+s2] =	stream.linear.scatter [tilespmem:s22], [sflag:$0x1], $0x80, $0x38;
	[tilespmem:$0x7000] =	vst v63  }
0x2f5: {  	[smem:$0x7DA] =	sst s6  }
0x2f6: {  	[hbm4b:s25+s2] =	stream.linear.scatter [tilespmem:s24], [sflag:$0x1], $0x80, $0x38;
	[tilespmem:$0x7000] =	vst v63  }
0x2f7: {  	s8 =	sadd.s32 $0x30, s23;
	[smem:$0x7DB] =	sst s23  }
0x2f8: {  	[hbm4b:s6+s2] =	stream.linear.scatter [tilespmem:s26], [sflag:$0x1], $0x80, $0x38;
	[tilespmem:$0x7000] =	vst v63  }
0x2f9: {  	[smem:$0x7DC] =	sst s8  }
0x2fa: {  	[hbm4b:s8+s2] =	stream.linear.scatter [tilespmem:s7], [sflag:$0x1], $0x80, $0x38;
	[tilespmem:$0x7000] =	vst v63  }
0x2fb: {  	_ =	swait.ge [sflag:s3], $0x200  }
0x2fc: {  	s10 =	sld [smem:$0x7DD]  }
0x2fd: {  	s11 =	sadd.s32 $0xAC0, s9;
	s12 =	sld [smem:$0x7DE]  }
0x2fe: {  	s14 =	sadd.s32 $0x10, s11;
	s15 =	sld [smem:$0x7DF]  }
0x2ff: {  	[sflag:s3] =	ssyncset.done $0x0;
	[smem:$0x7E0] =	sst s14  }
0x300: {  	s16 =	sadd.s32 $0x20, s11;
	s17 =	sld [smem:$0x7E1];
	[sflag:s3] =	ssyncadd.s32 $0xFFFFFE00  }
0x301: {  	[hbm4b:s11+s2] =	stream.linear.scatter [tilespmem:s10], [sflag:$0x1], $0x80, $0x38;
	[tilespmem:$0x7000] =	vst v63  }
0x302: {  	[smem:$0x7E2] =	sst s16  }
0x303: {  	[hbm4b:s14+s2] =	stream.linear.scatter [tilespmem:s12], [sflag:$0x1], $0x80, $0x38;
	[tilespmem:$0x7000] =	vst v63  }
0x304: {  	s18 =	sadd.s32 $0x30, s11;
	[smem:$0x7E3] =	sst s11  }
0x305: {  	[hbm4b:s16+s2] =	stream.linear.scatter [tilespmem:s15], [sflag:$0x1], $0x80, $0x38;
	[tilespmem:$0x7000] =	vst v63  }
0x306: {  	[smem:$0x7E4] =	sst s18  }
0x307: {  	[hbm4b:s18+s2] =	stream.linear.scatter [tilespmem:s17], [sflag:$0x1], $0x80, $0x38;
	[tilespmem:$0x7000] =	vst v63  }
0x308: {  	_ =	swait.ge [sflag:s3], $0x200  }
0x309: {  	s19 =	sld [smem:$0x7E5]  }
0x30a: {  	[sflag:s3] =	ssyncset.done $0x0  }
0x30b: {  	s20 =	sadd.s32 $0xB00, s9;
	s21 =	sld [smem:$0x7E6];
	[sflag:s3] =	ssyncadd.s32 $0xFFFFFE00  }
0x30c: {  	[hbm4b:s20+s2] =	stream.linear.scatter [tilespmem:s19], [sflag:$0x1], $0x80, $0x38;
	[tilespmem:$0x7000] =	vst v63  }
0x30d: {  	s22 =	sadd.s32 $0x10, s20;
	s23 =	sld [smem:$0x7E7]  }
0x30e: {  	[hbm4b:s22+s2] =	stream.linear.scatter [tilespmem:s21], [sflag:$0x1], $0x80, $0x38;
	[tilespmem:$0x7000] =	vst v63  }
0x30f: {  	s1 =	sadd.s32 $0x20, s20;
	s24 =	sld [smem:$0x7E9]  }
0x310: {  	[hbm4b:s1+s2] =	stream.linear.scatter [tilespmem:s23], [sflag:$0x1], $0x80, $0x38;
	[tilespmem:$0x7000] =	vst v63  }
0x311: {  	s0 =	sadd.s32 $0x30, s20;
	[smem:$0x7E8] =	sst s22  }
0x312: {  	[hbm4b:s0+s2] =	stream.linear.scatter [tilespmem:s24], [sflag:$0x1], $0x80, $0x38;
	[tilespmem:$0x7000] =	vst v63  }
0x313: {  	_ =	swait.ge [sflag:s3], $0x200  }
0x314: {  	s25 =	sld [smem:$0x7EA]  }
0x315: {  	[sflag:s3] =	ssyncset.done $0x0  }
0x316: {  	s11 =	sadd.s32 $0xB40, s9;
	s26 =	sld [smem:$0x7EB];
	[sflag:s3] =	ssyncadd.s32 $0xFFFFFE00  }
0x317: {  	[hbm4b:s11+s2] =	stream.linear.scatter [tilespmem:s25], [sflag:$0x1], $0x80, $0x38;
	[tilespmem:$0x7000] =	vst v63  }
0x318: {  	s8 =	smov.u32 s0;
	s17 =	sadd.s32 $0x10, s11;
	s0 =	sld [smem:$0x7EC]  }
0x319: {  	[hbm4b:s17+s2] =	stream.linear.scatter [tilespmem:s26], [sflag:$0x1], $0x80, $0x38;
	[tilespmem:$0x7000] =	vst v63  }
0x31a: {  	s12 =	sadd.s32 $0x20, s11;
	s4 =	sld [smem:$0x7ED]  }
0x31b: {  	[hbm4b:s12+s2] =	stream.linear.scatter [tilespmem:s0], [sflag:$0x1], $0x80, $0x38;
	[tilespmem:$0x7000] =	vst v63  }
0x31c: {  	s14 =	sadd.s32 $0x30, s11  }
0x31d: {  	[hbm4b:s14+s2] =	stream.linear.scatter [tilespmem:s4], [sflag:$0x1], $0x80, $0x38;
	[tilespmem:$0x7000] =	vst v63  }
0x31e: {  	_ =	swait.ge [sflag:s3], $0x200  }
0x31f: {  	s10 =	sld [smem:$0x7EE]  }
0x320: {  	[sflag:s3] =	ssyncset.done $0x0  }
0x321: {  	s15 =	sadd.s32 $0xB80, s9;
	s16 =	sld [smem:$0x7EF];
	[sflag:s3] =	ssyncadd.s32 $0xFFFFFE00  }
0x322: {  	[hbm4b:s15+s2] =	stream.linear.scatter [tilespmem:s10], [sflag:$0x1], $0x80, $0x38;
	[tilespmem:$0x7000] =	vst v63  }
0x323: {  	s21 =	sadd.s32 $0x10, s15;
	s18 =	sld [smem:$0x7F0]  }
0x324: {  	[hbm4b:s21+s2] =	stream.linear.scatter [tilespmem:s16], [sflag:$0x1], $0x80, $0x38;
	[tilespmem:$0x7000] =	vst v63  }
0x325: {  	s19 =	sld [smem:$0x7F1];
	s16 =	sadd.s32 $0x20, s15  }
0x326: {  	[hbm4b:s16+s2] =	stream.linear.scatter [tilespmem:s18], [sflag:$0x1], $0x80, $0x38;
	[tilespmem:$0x7000] =	vst v63  }
0x327: {  	s18 =	sadd.s32 $0x30, s15  }
0x328: {  	[hbm4b:s18+s2] =	stream.linear.scatter [tilespmem:s19], [sflag:$0x1], $0x80, $0x38;
	[tilespmem:$0x7000] =	vst v63  }
0x329: {  	_ =	swait.ge [sflag:s3], $0x200  }
0x32a: {  	s7 =	smov.u32 s20;
	s20 =	sld [smem:$0x7F2]  }
0x32b: {  	[sflag:s3] =	ssyncset.done $0x0  }
0x32c: {  	s19 =	sadd.s32 $0xBC0, s9;
	s22 =	sld [smem:$0x7F3];
	[sflag:s3] =	ssyncadd.s32 $0xFFFFFE00  }
0x32d: {  	[hbm4b:s19+s2] =	stream.linear.scatter [tilespmem:s20], [sflag:$0x1], $0x80, $0x38;
	[tilespmem:$0x7000] =	vst v63  }
0x32e: {  	s25 =	sadd.s32 $0x10, s19;
	s23 =	sld [smem:$0x7F4]  }
0x32f: {  	[hbm4b:s25+s2] =	stream.linear.scatter [tilespmem:s22], [sflag:$0x1], $0x80, $0x38;
	[tilespmem:$0x7000] =	vst v63  }
0x330: {  	s24 =	sld [smem:$0x7F5];
	s20 =	sadd.s32 $0x20, s19  }
0x331: {  	[hbm4b:s20+s2] =	stream.linear.scatter [tilespmem:s23], [sflag:$0x1], $0x80, $0x38;
	[tilespmem:$0x7000] =	vst v63  }
0x332: {  	s22 =	sadd.s32 $0x30, s19  }
0x333: {  	[hbm4b:s22+s2] =	stream.linear.scatter [tilespmem:s24], [sflag:$0x1], $0x80, $0x38;
	[tilespmem:$0x7000] =	vst v63  }
0x334: {  	_ =	swait.ge [sflag:s3], $0x200  }
0x335: {  	s26 =	sld [smem:$0x7F6]  }
0x336: {  	[sflag:s3] =	ssyncset.done $0x0  }
0x337: {  	s23 =	sadd.s32 $0xC00, s9;
	s0 =	sld [smem:$0x7F7];
	[sflag:s3] =	ssyncadd.s32 $0xFFFFFE00  }
0x338: {  	[hbm4b:s23+s2] =	stream.linear.scatter [tilespmem:s26], [sflag:$0x1], $0x80, $0x38;
	[tilespmem:$0x7000] =	vst v63  }
0x339: {  	s31 =	sadd.s32 $0x10, s23;
	s4 =	sld [smem:$0x7F8]  }
0x33a: {  	[hbm4b:s31+s2] =	stream.linear.scatter [tilespmem:s0], [sflag:$0x1], $0x80, $0x38;
	[tilespmem:$0x7000] =	vst v63  }
0x33b: {  	s24 =	sadd.s32 $0x20, s23;
	s10 =	sld [smem:$0x7F9]  }
0x33c: {  	[hbm4b:s24+s2] =	stream.linear.scatter [tilespmem:s4], [sflag:$0x1], $0x80, $0x38;
	[tilespmem:$0x7000] =	vst v63  }
0x33d: {  	s26 =	sadd.s32 $0x30, s23  }
0x33e: {  	[hbm4b:s26+s2] =	stream.linear.scatter [tilespmem:s10], [sflag:$0x1], $0x80, $0x38;
	[tilespmem:$0x7000] =	vst v63  }
0x33f: {  	_ =	swait.ge [sflag:s3], $0x200  }
0x340: {  	s10 =	ssub.s32 $0x2, s13;
	s0 =	sld [smem:$0x7FA]  }
0x341: {  	s28 =	sadd.s32 $0xC40, s9;
	s30 =	sshrl.u32 s10, $0x1;
	[sflag:s3] =	ssyncset.done $0x0  }
0x342: {  	s29 =	sld [smem:$0x7FB];
	s30 =	ssub.s32 s10, s30;
	[sflag:s3] =	ssyncadd.s32 $0xFFFFFE00  }
0x343: {  	[hbm4b:s28+s2] =	stream.linear.scatter [tilespmem:s0], [sflag:$0x1], $0x80, $0x38;
	[tilespmem:$0x7000] =	vst v63  }
0x344: {  	s6 =	sadd.s32 $0x10, s28;
	s4 =	sld [smem:$0x7FC];
	s30 =	smax.u32 s30, $0x1  }
0x345: {  	[hbm4b:s6+s2] =	stream.linear.scatter [tilespmem:s29], [sflag:$0x1], $0x80, $0x38;
	[tilespmem:$0x7000] =	vst v63  }
0x346: {  	s13 =	sld [smem:$0x7FD];
	p0 =	sne.s32 s30, $0x1;
	s29 =	sadd.s32 $0x20, s28  }
0x347: {  	[hbm4b:s29+s2] =	stream.linear.scatter [tilespmem:s4], [sflag:$0x1], $0x80, $0x38;
	[tilespmem:$0x7000] =	vst v63  }
.Ltmp0:
0x348: {  	_ = 	snop;
	(pc) =	sbr.rel @!p0 .LBB2_3-.Ltmp0, $4  }
0x349: {  	s5 =	sadd.s32 $0x30, s28  }
0x34a: {  	[hbm4b:s5+s2] =	stream.linear.scatter [tilespmem:s13], [sflag:$0x1], $0x80, $0x38;
	[tilespmem:$0x7000] =	vst v63  }
0x34b: {  	_ =	swait.ge [sflag:s3], $0x200  }
0x34c: {  	s30 =	sadd.s32 $0xFFFFFFFF, s30;
	[sflag:s3] =	ssyncset.done $0x0  }
0x34d: {  	s10 =	smov.u32 s1;
	s4 =	smov.u32 s9  }
.LBB2_2:
0x34e: {  	s9 =	rddreg [dreg:$0x3]  }
0x34f: {  	[sflag:s3] =	ssyncadd.s32 $0xFFFFFE00;
	s1 =	rddreg [dreg:$0x4];
	s0 =	simm.s32 $0x1000  }
0x350: {  	[tilespmem:s2], [sflag:$0x1] =	stream.strided.gather [hbm4b:s9+s0], $0x7000, s1, s0, $0x38;
	[tilespmem:$0x7000] =	vst v63  }
0x351: {  	_ =	swait.ge [sflag:s3], $0x7000  }
0x352: {  	[sflag:s3] =	ssyncset.done $0x0  }
0x353: {  	s13 =	sld [smem:$0x6A3];
	[sflag:s3] =	ssyncadd.s32 $0xFFFF9000  }
0x354: {  	[hbm4b:s4+s2] =	stream.linear.scatter [tilespmem:s2], [sflag:$0x1], $0x80, $0x38;
	[tilespmem:$0x7000] =	vst v63  }
0x355: {  	s1 =	rddreg [dreg:$0x5]  }
0x356: {  	[hbm4b:s13+s2] =	stream.linear.scatter [tilespmem:s1], [sflag:$0x1], $0x80, $0x38;
	[tilespmem:$0x7000] =	vst v63  }
0x357: {  	s13 =	sld [smem:$0x6A4];
	_ =	sdelay $0x1  }
0x358: {  	s9 =	rddreg [dreg:$0x6]  }
0x359: {  	[hbm4b:s13+s2] =	stream.linear.scatter [tilespmem:s9], [sflag:$0x1], $0x80, $0x38;
	[tilespmem:$0x7000] =	vst v63  }
0x35a: {  	s13 =	sld [smem:$0x6A5];
	_ =	sdelay $0x1  }
0x35b: {  	s1 =	rddreg [dreg:$0x7]  }
0x35c: {  	[hbm4b:s13+s2] =	stream.linear.scatter [tilespmem:s1], [sflag:$0x1], $0x80, $0x38;
	[tilespmem:$0x7000] =	vst v63  }
0x35d: {  	_ =	swait.ge [sflag:s3], $0x200  }
0x35e: {  	s13 =	sld [smem:$0x6A8]  }
0x35f: {  	[sflag:s3] =	ssyncset.done $0x0  }
0x360: {  	s1 =	rddreg [dreg:$0x8];
	[sflag:s3] =	ssyncadd.s32 $0xFFFFFE00  }
0x361: {  	[hbm4b:s13+s2] =	stream.linear.scatter [tilespmem:s1], [sflag:$0x1], $0x80, $0x38;
	[tilespmem:$0x7000] =	vst v63  }
0x362: {  	s13 =	sld [smem:$0x6A6];
	_ =	sdelay $0x1  }
0x363: {  	s9 =	rddreg [dreg:$0x9]  }
0x364: {  	[hbm4b:s13+s2] =	stream.linear.scatter [tilespmem:s9], [sflag:$0x1], $0x80, $0x38;
	[tilespmem:$0x7000] =	vst v63  }
0x365: {  	s13 =	sld [smem:$0x6A7];
	_ =	sdelay $0x1  }
0x366: {  	s1 =	rddreg [dreg:$0xa]  }
0x367: {  	[hbm4b:s13+s2] =	stream.linear.scatter [tilespmem:s1], [sflag:$0x1], $0x80, $0x38;
	[tilespmem:$0x7000] =	vst v63  }
0x368: {  	s13 =	sld [smem:$0x6A9];
	_ =	sdelay $0x1  }
0x369: {  	s9 =	rddreg [dreg:$0xb]  }
0x36a: {  	[hbm4b:s13+s2] =	stream.linear.scatter [tilespmem:s9], [sflag:$0x1], $0x80, $0x38;
	[tilespmem:$0x7000] =	vst v63  }
0x36b: {  	_ =	swait.ge [sflag:s3], $0x200  }
0x36c: {  	s13 =	sld [smem:$0x6AC]  }
0x36d: {  	[sflag:s3] =	ssyncset.done $0x0  }
0x36e: {  	s1 =	rddreg [dreg:$0xc];
	[sflag:s3] =	ssyncadd.s32 $0xFFFFFE00  }
0x36f: {  	[hbm4b:s13+s2] =	stream.linear.scatter [tilespmem:s1], [sflag:$0x1], $0x80, $0x38;
	[tilespmem:$0x7000] =	vst v63  }
0x370: {  	s13 =	sld [smem:$0x6AA];
	_ =	sdelay $0x1  }
0x371: {  	s9 =	rddreg [dreg:$0xd]  }
0x372: {  	[hbm4b:s13+s2] =	stream.linear.scatter [tilespmem:s9], [sflag:$0x1], $0x80, $0x38;
	[tilespmem:$0x7000] =	vst v63  }
0x373: {  	s13 =	sld [smem:$0x6AB];
	_ =	sdelay $0x1  }
0x374: {  	s1 =	rddreg [dreg:$0xe]  }
0x375: {  	[hbm4b:s13+s2] =	stream.linear.scatter [tilespmem:s1], [sflag:$0x1], $0x80, $0x38;
	[tilespmem:$0x7000] =	vst v63  }
0x376: {  	s13 =	sld [smem:$0x6AD];
	_ =	sdelay $0x1  }
0x377: {  	s9 =	rddreg [dreg:$0xf]  }
0x378: {  	[hbm4b:s13+s2] =	stream.linear.scatter [tilespmem:s9], [sflag:$0x1], $0x80, $0x38;
	[tilespmem:$0x7000] =	vst v63  }
0x379: {  	_ =	swait.ge [sflag:s3], $0x200  }
0x37a: {  	s13 =	sld [smem:$0x6B0]  }
0x37b: {  	[sflag:s3] =	ssyncset.done $0x0  }
0x37c: {  	s1 =	rddreg [dreg:$0x10];
	[sflag:s3] =	ssyncadd.s32 $0xFFFFFE00  }
0x37d: {  	[hbm4b:s13+s2] =	stream.linear.scatter [tilespmem:s1], [sflag:$0x1], $0x80, $0x38;
	[tilespmem:$0x7000] =	vst v63  }
0x37e: {  	s13 =	sld [smem:$0x6AE];
	_ =	sdelay $0x1  }
0x37f: {  	s9 =	rddreg [dreg:$0x11]  }
0x380: {  	[hbm4b:s13+s2] =	stream.linear.scatter [tilespmem:s9], [sflag:$0x1], $0x80, $0x38;
	[tilespmem:$0x7000] =	vst v63  }
0x381: {  	s13 =	sld [smem:$0x6AF];
	_ =	sdelay $0x1  }
0x382: {  	s1 =	rddreg [dreg:$0x12]  }
0x383: {  	[hbm4b:s13+s2] =	stream.linear.scatter [tilespmem:s1], [sflag:$0x1], $0x80, $0x38;
	[tilespmem:$0x7000] =	vst v63  }
0x384: {  	s13 =	sld [smem:$0x6B1];
	_ =	sdelay $0x1  }
0x385: {  	s9 =	rddreg [dreg:$0x13]  }
0x386: {  	[hbm4b:s13+s2] =	stream.linear.scatter [tilespmem:s9], [sflag:$0x1], $0x80, $0x38;
	[tilespmem:$0x7000] =	vst v63  }
0x387: {  	_ =	swait.ge [sflag:s3], $0x200  }
0x388: {  	s13 =	sld [smem:$0x6B4]  }
0x389: {  	[sflag:s3] =	ssyncset.done $0x0  }
0x38a: {  	s1 =	rddreg [dreg:$0x14];
	[sflag:s3] =	ssyncadd.s32 $0xFFFFFE00  }
0x38b: {  	[hbm4b:s13+s2] =	stream.linear.scatter [tilespmem:s1], [sflag:$0x1], $0x80, $0x38;
	[tilespmem:$0x7000] =	vst v63  }
0x38c: {  	s13 =	sld [smem:$0x6B2];
	_ =	sdelay $0x1  }
0x38d: {  	s9 =	rddreg [dreg:$0x15]  }
0x38e: {  	[hbm4b:s13+s2] =	stream.linear.scatter [tilespmem:s9], [sflag:$0x1], $0x80, $0x38;
	[tilespmem:$0x7000] =	vst v63  }
0x38f: {  	s13 =	sld [smem:$0x6B3];
	_ =	sdelay $0x1  }
0x390: {  	s1 =	rddreg [dreg:$0x16]  }
0x391: {  	[hbm4b:s13+s2] =	stream.linear.scatter [tilespmem:s1], [sflag:$0x1], $0x80, $0x38;
	[tilespmem:$0x7000] =	vst v63  }
0x392: {  	s13 =	sld [smem:$0x6B5];
	_ =	sdelay $0x1  }
0x393: {  	s9 =	rddreg [dreg:$0x17]  }
0x394: {  	[hbm4b:s13+s2] =	stream.linear.scatter [tilespmem:s9], [sflag:$0x1], $0x80, $0x38;
	[tilespmem:$0x7000] =	vst v63  }
0x395: {  	_ =	swait.ge [sflag:s3], $0x200  }
0x396: {  	s13 =	sld [smem:$0x6B8]  }
0x397: {  	[sflag:s3] =	ssyncset.done $0x0  }
0x398: {  	s1 =	rddreg [dreg:$0x18];
	[sflag:s3] =	ssyncadd.s32 $0xFFFFFE00  }
0x399: {  	[hbm4b:s13+s2] =	stream.linear.scatter [tilespmem:s1], [sflag:$0x1], $0x80, $0x38;
	[tilespmem:$0x7000] =	vst v63  }
0x39a: {  	s13 =	sld [smem:$0x6B6];
	_ =	sdelay $0x1  }
0x39b: {  	s9 =	rddreg [dreg:$0x19]  }
0x39c: {  	[hbm4b:s13+s2] =	stream.linear.scatter [tilespmem:s9], [sflag:$0x1], $0x80, $0x38;
	[tilespmem:$0x7000] =	vst v63  }
0x39d: {  	s13 =	sld [smem:$0x6B7];
	_ =	sdelay $0x1  }
0x39e: {  	s1 =	rddreg [dreg:$0x1a]  }
0x39f: {  	[hbm4b:s13+s2] =	stream.linear.scatter [tilespmem:s1], [sflag:$0x1], $0x80, $0x38;
	[tilespmem:$0x7000] =	vst v63  }
0x3a0: {  	s13 =	sld [smem:$0x6B9];
	_ =	sdelay $0x1  }
0x3a1: {  	s9 =	rddreg [dreg:$0x1b]  }
0x3a2: {  	[hbm4b:s13+s2] =	stream.linear.scatter [tilespmem:s9], [sflag:$0x1], $0x80, $0x38;
	[tilespmem:$0x7000] =	vst v63  }
0x3a3: {  	_ =	swait.ge [sflag:s3], $0x200  }
0x3a4: {  	s13 =	sld [smem:$0x6BC]  }
0x3a5: {  	[sflag:s3] =	ssyncset.done $0x0  }
0x3a6: {  	s1 =	rddreg [dreg:$0x1c];
	[sflag:s3] =	ssyncadd.s32 $0xFFFFFE00  }
0x3a7: {  	[hbm4b:s13+s2] =	stream.linear.scatter [tilespmem:s1], [sflag:$0x1], $0x80, $0x38;
	[tilespmem:$0x7000] =	vst v63  }
0x3a8: {  	s13 =	sld [smem:$0x6BA];
	_ =	sdelay $0x1  }
0x3a9: {  	s9 =	rddreg [dreg:$0x1d]  }
0x3aa: {  	[hbm4b:s13+s2] =	stream.linear.scatter [tilespmem:s9], [sflag:$0x1], $0x80, $0x38;
	[tilespmem:$0x7000] =	vst v63  }
0x3ab: {  	s13 =	sld [smem:$0x6BB];
	_ =	sdelay $0x1  }
0x3ac: {  	s1 =	rddreg [dreg:$0x1e]  }
0x3ad: {  	[hbm4b:s13+s2] =	stream.linear.scatter [tilespmem:s1], [sflag:$0x1], $0x80, $0x38;
	[tilespmem:$0x7000] =	vst v63  }
0x3ae: {  	s13 =	sld [smem:$0x6BD];
	_ =	sdelay $0x1  }
0x3af: {  	s9 =	rddreg [dreg:$0x1f]  }
0x3b0: {  	[hbm4b:s13+s2] =	stream.linear.scatter [tilespmem:s9], [sflag:$0x1], $0x80, $0x38;
	[tilespmem:$0x7000] =	vst v63  }
0x3b1: {  	_ =	swait.ge [sflag:s3], $0x200  }
0x3b2: {  	s1 =	sld [smem:$0x6BE]  }
0x3b3: {  	s13 =	sld [smem:$0x6C4]  }
0x3b4: {  	[sflag:s3] =	ssyncset.done $0x0  }
0x3b5: {  	s9 =	sld [smem:$0x6BF];
	[sflag:s3] =	ssyncadd.s32 $0xFFFFFE00  }
0x3b6: {  	[hbm4b:s13+s2] =	stream.linear.scatter [tilespmem:s1], [sflag:$0x1], $0x80, $0x38;
	[tilespmem:$0x7000] =	vst v63  }
0x3b7: {  	s13 =	sld [smem:$0x6C1];
	_ =	sdelay $0x1  }
0x3b8: {  	s1 =	sld [smem:$0x6C0]  }
0x3b9: {  	[hbm4b:s13+s2] =	stream.linear.scatter [tilespmem:s9], [sflag:$0x1], $0x80, $0x38;
	[tilespmem:$0x7000] =	vst v63  }
0x3ba: {  	s13 =	sld [smem:$0x6C3];
	_ =	sdelay $0x1  }
0x3bb: {  	s9 =	sld [smem:$0x6C2]  }
0x3bc: {  	[hbm4b:s13+s2] =	stream.linear.scatter [tilespmem:s1], [sflag:$0x1], $0x80, $0x38;
	[tilespmem:$0x7000] =	vst v63  }
0x3bd: {  	s13 =	sld [smem:$0x6C5];
	_ =	sdelay $0x2  }
0x3be: {  	[hbm4b:s13+s2] =	stream.linear.scatter [tilespmem:s9], [sflag:$0x1], $0x80, $0x38;
	[tilespmem:$0x7000] =	vst v63  }
0x3bf: {  	_ =	swait.ge [sflag:s3], $0x200  }
0x3c0: {  	s13 =	sld [smem:$0x6CB]  }
0x3c1: {  	[sflag:s3] =	ssyncset.done $0x0  }
0x3c2: {  	s1 =	sld [smem:$0x6C6];
	[sflag:s3] =	ssyncadd.s32 $0xFFFFFE00  }
0x3c3: {  	[hbm4b:s13+s2] =	stream.linear.scatter [tilespmem:s0], [sflag:$0x1], $0x80, $0x38;
	[tilespmem:$0x7000] =	vst v63  }
0x3c4: {  	s13 =	sld [smem:$0x6C8];
	_ =	sdelay $0x1  }
0x3c5: {  	s9 =	sld [smem:$0x6C7]  }
0x3c6: {  	[hbm4b:s13+s2] =	stream.linear.scatter [tilespmem:s1], [sflag:$0x1], $0x80, $0x38;
	[tilespmem:$0x7000] =	vst v63  }
0x3c7: {  	s13 =	sld [smem:$0x6CA];
	_ =	sdelay $0x1  }
0x3c8: {  	s1 =	sld [smem:$0x6C9]  }
0x3c9: {  	[hbm4b:s13+s2] =	stream.linear.scatter [tilespmem:s9], [sflag:$0x1], $0x80, $0x38;
	[tilespmem:$0x7000] =	vst v63  }
0x3ca: {  	s13 =	sld [smem:$0x6CC];
	_ =	sdelay $0x2  }
0x3cb: {  	[hbm4b:s13+s2] =	stream.linear.scatter [tilespmem:s1], [sflag:$0x1], $0x80, $0x38;
	[tilespmem:$0x7000] =	vst v63  }
0x3cc: {  	_ =	swait.ge [sflag:s3], $0x200  }
0x3cd: {  	s0 =	sld [smem:$0x6CD]  }
0x3ce: {  	s13 =	sld [smem:$0x6D3]  }
0x3cf: {  	[sflag:s3] =	ssyncset.done $0x0  }
0x3d0: {  	s9 =	sld [smem:$0x6CE];
	[sflag:s3] =	ssyncadd.s32 $0xFFFFFE00  }
0x3d1: {  	[hbm4b:s13+s2] =	stream.linear.scatter [tilespmem:s0], [sflag:$0x1], $0x80, $0x38;
	[tilespmem:$0x7000] =	vst v63  }
0x3d2: {  	s13 =	sld [smem:$0x6D0];
	_ =	sdelay $0x1  }
0x3d3: {  	s1 =	sld [smem:$0x6CF]  }
0x3d4: {  	[hbm4b:s13+s2] =	stream.linear.scatter [tilespmem:s9], [sflag:$0x1], $0x80, $0x38;
	[tilespmem:$0x7000] =	vst v63  }
0x3d5: {  	s13 =	sld [smem:$0x6D2];
	_ =	sdelay $0x1  }
0x3d6: {  	s9 =	sld [smem:$0x6D1]  }
0x3d7: {  	[hbm4b:s13+s2] =	stream.linear.scatter [tilespmem:s1], [sflag:$0x1], $0x80, $0x38;
	[tilespmem:$0x7000] =	vst v63  }
0x3d8: {  	s13 =	sld [smem:$0x6D4];
	_ =	sdelay $0x2  }
0x3d9: {  	[hbm4b:s13+s2] =	stream.linear.scatter [tilespmem:s9], [sflag:$0x1], $0x80, $0x38;
	[tilespmem:$0x7000] =	vst v63  }
0x3da: {  	_ =	swait.ge [sflag:s3], $0x200  }
0x3db: {  	s0 =	sld [smem:$0x6D5]  }
0x3dc: {  	s13 =	sld [smem:$0x6DB]  }
0x3dd: {  	[sflag:s3] =	ssyncset.done $0x0  }
0x3de: {  	s9 =	sld [smem:$0x6D6];
	[sflag:s3] =	ssyncadd.s32 $0xFFFFFE00  }
0x3df: {  	[hbm4b:s13+s2] =	stream.linear.scatter [tilespmem:s0], [sflag:$0x1], $0x80, $0x38;
	[tilespmem:$0x7000] =	vst v63  }
0x3e0: {  	s13 =	sld [smem:$0x6D8];
	_ =	sdelay $0x1  }
0x3e1: {  	s1 =	sld [smem:$0x6D7]  }
0x3e2: {  	[hbm4b:s13+s2] =	stream.linear.scatter [tilespmem:s9], [sflag:$0x1], $0x80, $0x38;
	[tilespmem:$0x7000] =	vst v63  }
0x3e3: {  	s13 =	sld [smem:$0x6DA];
	_ =	sdelay $0x1  }
0x3e4: {  	s9 =	sld [smem:$0x6D9]  }
0x3e5: {  	[hbm4b:s13+s2] =	stream.linear.scatter [tilespmem:s1], [sflag:$0x1], $0x80, $0x38;
	[tilespmem:$0x7000] =	vst v63  }
0x3e6: {  	s13 =	sld [smem:$0x6DC];
	_ =	sdelay $0x2  }
0x3e7: {  	[hbm4b:s13+s2] =	stream.linear.scatter [tilespmem:s9], [sflag:$0x1], $0x80, $0x38;
	[tilespmem:$0x7000] =	vst v63  }
0x3e8: {  	_ =	swait.ge [sflag:s3], $0x200  }
0x3e9: {  	s0 =	sld [smem:$0x6DD]  }
0x3ea: {  	s13 =	sld [smem:$0x6E3]  }
0x3eb: {  	[sflag:s3] =	ssyncset.done $0x0  }
0x3ec: {  	s9 =	sld [smem:$0x6DE];
	[sflag:s3] =	ssyncadd.s32 $0xFFFFFE00  }
0x3ed: {  	[hbm4b:s13+s2] =	stream.linear.scatter [tilespmem:s0], [sflag:$0x1], $0x80, $0x38;
	[tilespmem:$0x7000] =	vst v63  }
0x3ee: {  	s13 =	sld [smem:$0x6E0];
	_ =	sdelay $0x1  }
0x3ef: {  	s1 =	sld [smem:$0x6DF]  }
0x3f0: {  	[hbm4b:s13+s2] =	stream.linear.scatter [tilespmem:s9], [sflag:$0x1], $0x80, $0x38;
	[tilespmem:$0x7000] =	vst v63  }
0x3f1: {  	s13 =	sld [smem:$0x6E2];
	_ =	sdelay $0x1  }
0x3f2: {  	s9 =	sld [smem:$0x6E1]  }
0x3f3: {  	[hbm4b:s13+s2] =	stream.linear.scatter [tilespmem:s1], [sflag:$0x1], $0x80, $0x38;
	[tilespmem:$0x7000] =	vst v63  }
0x3f4: {  	s13 =	sld [smem:$0x6E4];
	_ =	sdelay $0x2  }
0x3f5: {  	[hbm4b:s13+s2] =	stream.linear.scatter [tilespmem:s9], [sflag:$0x1], $0x80, $0x38;
	[tilespmem:$0x7000] =	vst v63  }
0x3f6: {  	_ =	swait.ge [sflag:s3], $0x200  }
0x3f7: {  	s0 =	sld [smem:$0x6E5]  }
0x3f8: {  	s13 =	sld [smem:$0x6EB]  }
0x3f9: {  	[sflag:s3] =	ssyncset.done $0x0  }
0x3fa: {  	s9 =	sld [smem:$0x6E6];
	[sflag:s3] =	ssyncadd.s32 $0xFFFFFE00  }
0x3fb: {  	[hbm4b:s13+s2] =	stream.linear.scatter [tilespmem:s0], [sflag:$0x1], $0x80, $0x38;
	[tilespmem:$0x7000] =	vst v63  }
0x3fc: {  	s13 =	sld [smem:$0x6E8];
	_ =	sdelay $0x1  }
0x3fd: {  	s1 =	sld [smem:$0x6E7]  }
0x3fe: {  	[hbm4b:s13+s2] =	stream.linear.scatter [tilespmem:s9], [sflag:$0x1], $0x80, $0x38;
	[tilespmem:$0x7000] =	vst v63  }
0x3ff: {  	s9 =	sld [smem:$0x6E9]  }
0x400: {  	s0 =	sld [smem:$0x6EA];
	_ =	sdelay $0x1  }
0x401: {  	s13 =	sld [smem:$0x6EC]  }
0x402: {  	[hbm4b:s0+s2] =	stream.linear.scatter [tilespmem:s1], [sflag:$0x1], $0x80, $0x38;
	[tilespmem:$0x7000] =	vst v63  }
0x403: {  	_ = 	snop  }
0x404: {  	[hbm4b:s13+s2] =	stream.linear.scatter [tilespmem:s9], [sflag:$0x1], $0x80, $0x38;
	[tilespmem:$0x7000] =	vst v63  }
0x405: {  	_ =	swait.ge [sflag:s3], $0x200  }
0x406: {  	s0 =	sld [smem:$0x6ED]  }
0x407: {  	s13 =	sld [smem:$0x6F3]  }
0x408: {  	[sflag:s3] =	ssyncset.done $0x0  }
0x409: {  	s9 =	sld [smem:$0x6EE];
	[sflag:s3] =	ssyncadd.s32 $0xFFFFFE00  }
0x40a: {  	[hbm4b:s13+s2] =	stream.linear.scatter [tilespmem:s0], [sflag:$0x1], $0x80, $0x38;
	[tilespmem:$0x7000] =	vst v63  }
0x40b: {  	s13 =	sld [smem:$0x6F0];
	_ =	sdelay $0x1  }
0x40c: {  	s1 =	sld [smem:$0x6EF]  }
0x40d: {  	[hbm4b:s13+s2] =	stream.linear.scatter [tilespmem:s9], [sflag:$0x1], $0x80, $0x38;
	[tilespmem:$0x7000] =	vst v63  }
0x40e: {  	s13 =	sld [smem:$0x6F2];
	_ =	sdelay $0x1  }
0x40f: {  	s9 =	sld [smem:$0x6F1]  }
0x410: {  	[hbm4b:s13+s2] =	stream.linear.scatter [tilespmem:s1], [sflag:$0x1], $0x80, $0x38;
	[tilespmem:$0x7000] =	vst v63  }
0x411: {  	s13 =	sld [smem:$0x6F4];
	_ =	sdelay $0x2  }
0x412: {  	[hbm4b:s13+s2] =	stream.linear.scatter [tilespmem:s9], [sflag:$0x1], $0x80, $0x38;
	[tilespmem:$0x7000] =	vst v63  }
0x413: {  	_ =	swait.ge [sflag:s3], $0x200  }
0x414: {  	s0 =	sld [smem:$0x6F5]  }
0x415: {  	s13 =	sld [smem:$0x6FB]  }
0x416: {  	[sflag:s3] =	ssyncset.done $0x0  }
0x417: {  	s9 =	sld [smem:$0x6F6];
	[sflag:s3] =	ssyncadd.s32 $0xFFFFFE00  }
0x418: {  	[hbm4b:s13+s2] =	stream.linear.scatter [tilespmem:s0], [sflag:$0x1], $0x80, $0x38;
	[tilespmem:$0x7000] =	vst v63  }
0x419: {  	s13 =	sld [smem:$0x6F8];
	_ =	sdelay $0x1  }
0x41a: {  	s1 =	sld [smem:$0x6F7]  }
0x41b: {  	[hbm4b:s13+s2] =	stream.linear.scatter [tilespmem:s9], [sflag:$0x1], $0x80, $0x38;
	[tilespmem:$0x7000] =	vst v63  }
0x41c: {  	s13 =	sld [smem:$0x6FA];
	_ =	sdelay $0x1  }
0x41d: {  	s9 =	sld [smem:$0x6F9]  }
0x41e: {  	[hbm4b:s13+s2] =	stream.linear.scatter [tilespmem:s1], [sflag:$0x1], $0x80, $0x38;
	[tilespmem:$0x7000] =	vst v63  }
0x41f: {  	s13 =	sld [smem:$0x6FC];
	_ =	sdelay $0x2  }
0x420: {  	[hbm4b:s13+s2] =	stream.linear.scatter [tilespmem:s9], [sflag:$0x1], $0x80, $0x38;
	[tilespmem:$0x7000] =	vst v63  }
0x421: {  	_ =	swait.ge [sflag:s3], $0x200  }
0x422: {  	s0 =	sld [smem:$0x6FD]  }
0x423: {  	s13 =	sld [smem:$0x703]  }
0x424: {  	[sflag:s3] =	ssyncset.done $0x0  }
0x425: {  	s9 =	sld [smem:$0x6FE];
	[sflag:s3] =	ssyncadd.s32 $0xFFFFFE00  }
0x426: {  	[hbm4b:s13+s2] =	stream.linear.scatter [tilespmem:s0], [sflag:$0x1], $0x80, $0x38;
	[tilespmem:$0x7000] =	vst v63  }
0x427: {  	s13 =	sld [smem:$0x700];
	_ =	sdelay $0x1  }
0x428: {  	s1 =	sld [smem:$0x6FF]  }
0x429: {  	[hbm4b:s13+s2] =	stream.linear.scatter [tilespmem:s9], [sflag:$0x1], $0x80, $0x38;
	[tilespmem:$0x7000] =	vst v63  }
0x42a: {  	s13 =	sld [smem:$0x702];
	_ =	sdelay $0x1  }
0x42b: {  	s9 =	sld [smem:$0x701]  }
0x42c: {  	[hbm4b:s13+s2] =	stream.linear.scatter [tilespmem:s1], [sflag:$0x1], $0x80, $0x38;
	[tilespmem:$0x7000] =	vst v63  }
0x42d: {  	s13 =	sld [smem:$0x704];
	_ =	sdelay $0x2  }
0x42e: {  	[hbm4b:s13+s2] =	stream.linear.scatter [tilespmem:s9], [sflag:$0x1], $0x80, $0x38;
	[tilespmem:$0x7000] =	vst v63  }
0x42f: {  	_ =	swait.ge [sflag:s3], $0x200  }
0x430: {  	s0 =	sld [smem:$0x705]  }
0x431: {  	s13 =	sld [smem:$0x70B]  }
0x432: {  	[sflag:s3] =	ssyncset.done $0x0  }
0x433: {  	s9 =	sld [smem:$0x706];
	[sflag:s3] =	ssyncadd.s32 $0xFFFFFE00  }
0x434: {  	[hbm4b:s13+s2] =	stream.linear.scatter [tilespmem:s0], [sflag:$0x1], $0x80, $0x38;
	[tilespmem:$0x7000] =	vst v63  }
0x435: {  	s13 =	sld [smem:$0x708];
	_ =	sdelay $0x1  }
0x436: {  	s1 =	sld [smem:$0x707]  }
0x437: {  	[hbm4b:s13+s2] =	stream.linear.scatter [tilespmem:s9], [sflag:$0x1], $0x80, $0x38;
	[tilespmem:$0x7000] =	vst v63  }
0x438: {  	s13 =	sld [smem:$0x70A];
	_ =	sdelay $0x1  }
0x439: {  	s9 =	sld [smem:$0x709]  }
0x43a: {  	[hbm4b:s13+s2] =	stream.linear.scatter [tilespmem:s1], [sflag:$0x1], $0x80, $0x38;
	[tilespmem:$0x7000] =	vst v63  }
0x43b: {  	s13 =	sld [smem:$0x70C];
	_ =	sdelay $0x2  }
0x43c: {  	[hbm4b:s13+s2] =	stream.linear.scatter [tilespmem:s9], [sflag:$0x1], $0x80, $0x38;
	[tilespmem:$0x7000] =	vst v63  }
0x43d: {  	_ =	swait.ge [sflag:s3], $0x200  }
0x43e: {  	s0 =	sld [smem:$0x70D]  }
0x43f: {  	s13 =	sld [smem:$0x713]  }
0x440: {  	[sflag:s3] =	ssyncset.done $0x0  }
0x441: {  	s9 =	sld [smem:$0x70E];
	[sflag:s3] =	ssyncadd.s32 $0xFFFFFE00  }
0x442: {  	[hbm4b:s13+s2] =	stream.linear.scatter [tilespmem:s0], [sflag:$0x1], $0x80, $0x38;
	[tilespmem:$0x7000] =	vst v63  }
0x443: {  	s13 =	sld [smem:$0x710];
	_ =	sdelay $0x1  }
0x444: {  	s1 =	sld [smem:$0x70F]  }
0x445: {  	[hbm4b:s13+s2] =	stream.linear.scatter [tilespmem:s9], [sflag:$0x1], $0x80, $0x38;
	[tilespmem:$0x7000] =	vst v63  }
0x446: {  	s13 =	sld [smem:$0x712];
	_ =	sdelay $0x1  }
0x447: {  	s9 =	sld [smem:$0x711]  }
0x448: {  	[hbm4b:s13+s2] =	stream.linear.scatter [tilespmem:s1], [sflag:$0x1], $0x80, $0x38;
	[tilespmem:$0x7000] =	vst v63  }
0x449: {  	s13 =	sld [smem:$0x714];
	_ =	sdelay $0x2  }
0x44a: {  	[hbm4b:s13+s2] =	stream.linear.scatter [tilespmem:s9], [sflag:$0x1], $0x80, $0x38;
	[tilespmem:$0x7000] =	vst v63  }
0x44b: {  	_ =	swait.ge [sflag:s3], $0x200  }
0x44c: {  	s0 =	sld [smem:$0x715]  }
0x44d: {  	s13 =	sld [smem:$0x71B]  }
0x44e: {  	[sflag:s3] =	ssyncset.done $0x0  }
0x44f: {  	s9 =	sld [smem:$0x716];
	[sflag:s3] =	ssyncadd.s32 $0xFFFFFE00  }
0x450: {  	[hbm4b:s13+s2] =	stream.linear.scatter [tilespmem:s0], [sflag:$0x1], $0x80, $0x38;
	[tilespmem:$0x7000] =	vst v63  }
0x451: {  	s13 =	sld [smem:$0x718];
	_ =	sdelay $0x1  }
0x452: {  	s1 =	sld [smem:$0x717]  }
0x453: {  	[hbm4b:s13+s2] =	stream.linear.scatter [tilespmem:s9], [sflag:$0x1], $0x80, $0x38;
	[tilespmem:$0x7000] =	vst v63  }
0x454: {  	s13 =	sld [smem:$0x71A];
	_ =	sdelay $0x1  }
0x455: {  	s9 =	sld [smem:$0x719]  }
0x456: {  	[hbm4b:s13+s2] =	stream.linear.scatter [tilespmem:s1], [sflag:$0x1], $0x80, $0x38;
	[tilespmem:$0x7000] =	vst v63  }
0x457: {  	s13 =	sld [smem:$0x71C];
	_ =	sdelay $0x2  }
0x458: {  	[hbm4b:s13+s2] =	stream.linear.scatter [tilespmem:s9], [sflag:$0x1], $0x80, $0x38;
	[tilespmem:$0x7000] =	vst v63  }
0x459: {  	_ =	swait.ge [sflag:s3], $0x200  }
0x45a: {  	s0 =	sld [smem:$0x71D]  }
0x45b: {  	s13 =	sld [smem:$0x723]  }
0x45c: {  	[sflag:s3] =	ssyncset.done $0x0  }
0x45d: {  	s9 =	sld [smem:$0x71E];
	[sflag:s3] =	ssyncadd.s32 $0xFFFFFE00  }
0x45e: {  	[hbm4b:s13+s2] =	stream.linear.scatter [tilespmem:s0], [sflag:$0x1], $0x80, $0x38;
	[tilespmem:$0x7000] =	vst v63  }
0x45f: {  	s13 =	sld [smem:$0x720];
	_ =	sdelay $0x1  }
0x460: {  	s1 =	sld [smem:$0x71F]  }
0x461: {  	[hbm4b:s13+s2] =	stream.linear.scatter [tilespmem:s9], [sflag:$0x1], $0x80, $0x38;
	[tilespmem:$0x7000] =	vst v63  }
0x462: {  	s13 =	sld [smem:$0x722];
	_ =	sdelay $0x1  }
0x463: {  	s9 =	sld [smem:$0x721]  }
0x464: {  	[hbm4b:s13+s2] =	stream.linear.scatter [tilespmem:s1], [sflag:$0x1], $0x80, $0x38;
	[tilespmem:$0x7000] =	vst v63  }
0x465: {  	s13 =	sld [smem:$0x724];
	_ =	sdelay $0x2  }
0x466: {  	[hbm4b:s13+s2] =	stream.linear.scatter [tilespmem:s9], [sflag:$0x1], $0x80, $0x38;
	[tilespmem:$0x7000] =	vst v63  }
0x467: {  	_ =	swait.ge [sflag:s3], $0x200  }
0x468: {  	s0 =	sld [smem:$0x725]  }
0x469: {  	s13 =	sld [smem:$0x72B]  }
0x46a: {  	[sflag:s3] =	ssyncset.done $0x0  }
0x46b: {  	s9 =	sld [smem:$0x726];
	[sflag:s3] =	ssyncadd.s32 $0xFFFFFE00  }
0x46c: {  	[hbm4b:s13+s2] =	stream.linear.scatter [tilespmem:s0], [sflag:$0x1], $0x80, $0x38;
	[tilespmem:$0x7000] =	vst v63  }
0x46d: {  	s13 =	sld [smem:$0x728];
	_ =	sdelay $0x1  }
0x46e: {  	s1 =	sld [smem:$0x727]  }
0x46f: {  	[hbm4b:s13+s2] =	stream.linear.scatter [tilespmem:s9], [sflag:$0x1], $0x80, $0x38;
	[tilespmem:$0x7000] =	vst v63  }
0x470: {  	s13 =	sld [smem:$0x72A];
	_ =	sdelay $0x1  }
0x471: {  	s9 =	sld [smem:$0x729]  }
0x472: {  	[hbm4b:s13+s2] =	stream.linear.scatter [tilespmem:s1], [sflag:$0x1], $0x80, $0x38;
	[tilespmem:$0x7000] =	vst v63  }
0x473: {  	s13 =	sld [smem:$0x72C];
	_ =	sdelay $0x2  }
0x474: {  	[hbm4b:s13+s2] =	stream.linear.scatter [tilespmem:s9], [sflag:$0x1], $0x80, $0x38;
	[tilespmem:$0x7000] =	vst v63  }
0x475: {  	_ =	swait.ge [sflag:s3], $0x200  }
0x476: {  	s0 =	sld [smem:$0x72D]  }
0x477: {  	s13 =	sld [smem:$0x733]  }
0x478: {  	[sflag:s3] =	ssyncset.done $0x0  }
0x479: {  	s9 =	sld [smem:$0x72E];
	[sflag:s3] =	ssyncadd.s32 $0xFFFFFE00  }
0x47a: {  	[hbm4b:s13+s2] =	stream.linear.scatter [tilespmem:s0], [sflag:$0x1], $0x80, $0x38;
	[tilespmem:$0x7000] =	vst v63  }
0x47b: {  	s13 =	sld [smem:$0x730];
	_ =	sdelay $0x1  }
0x47c: {  	s1 =	sld [smem:$0x72F]  }
0x47d: {  	[hbm4b:s13+s2] =	stream.linear.scatter [tilespmem:s9], [sflag:$0x1], $0x80, $0x38;
	[tilespmem:$0x7000] =	vst v63  }
0x47e: {  	s13 =	sld [smem:$0x732];
	_ =	sdelay $0x1  }
0x47f: {  	s9 =	sld [smem:$0x731]  }
0x480: {  	[hbm4b:s13+s2] =	stream.linear.scatter [tilespmem:s1], [sflag:$0x1], $0x80, $0x38;
	[tilespmem:$0x7000] =	vst v63  }
0x481: {  	s13 =	sld [smem:$0x734];
	_ =	sdelay $0x2  }
0x482: {  	[hbm4b:s13+s2] =	stream.linear.scatter [tilespmem:s9], [sflag:$0x1], $0x80, $0x38;
	[tilespmem:$0x7000] =	vst v63  }
0x483: {  	_ =	swait.ge [sflag:s3], $0x200  }
0x484: {  	s0 =	sld [smem:$0x735]  }
0x485: {  	s13 =	sld [smem:$0x73B]  }
0x486: {  	[sflag:s3] =	ssyncset.done $0x0  }
0x487: {  	s9 =	sld [smem:$0x736];
	[sflag:s3] =	ssyncadd.s32 $0xFFFFFE00  }
0x488: {  	[hbm4b:s13+s2] =	stream.linear.scatter [tilespmem:s0], [sflag:$0x1], $0x80, $0x38;
	[tilespmem:$0x7000] =	vst v63  }
0x489: {  	s13 =	sld [smem:$0x738];
	_ =	sdelay $0x1  }
0x48a: {  	s1 =	sld [smem:$0x737]  }
0x48b: {  	[hbm4b:s13+s2] =	stream.linear.scatter [tilespmem:s9], [sflag:$0x1], $0x80, $0x38;
	[tilespmem:$0x7000] =	vst v63  }
0x48c: {  	s13 =	sld [smem:$0x73A];
	_ =	sdelay $0x1  }
0x48d: {  	s9 =	sld [smem:$0x739]  }
0x48e: {  	[hbm4b:s13+s2] =	stream.linear.scatter [tilespmem:s1], [sflag:$0x1], $0x80, $0x38;
	[tilespmem:$0x7000] =	vst v63  }
0x48f: {  	s13 =	sld [smem:$0x73C];
	_ =	sdelay $0x2  }
0x490: {  	[hbm4b:s13+s2] =	stream.linear.scatter [tilespmem:s9], [sflag:$0x1], $0x80, $0x38;
	[tilespmem:$0x7000] =	vst v63  }
0x491: {  	_ =	swait.ge [sflag:s3], $0x200  }
0x492: {  	s0 =	sld [smem:$0x73D]  }
0x493: {  	s13 =	sld [smem:$0x743]  }
0x494: {  	[sflag:s3] =	ssyncset.done $0x0  }
0x495: {  	s9 =	sld [smem:$0x73E];
	[sflag:s3] =	ssyncadd.s32 $0xFFFFFE00  }
0x496: {  	[hbm4b:s13+s2] =	stream.linear.scatter [tilespmem:s0], [sflag:$0x1], $0x80, $0x38;
	[tilespmem:$0x7000] =	vst v63  }
0x497: {  	s13 =	sld [smem:$0x740];
	_ =	sdelay $0x1  }
0x498: {  	s1 =	sld [smem:$0x73F]  }
0x499: {  	[hbm4b:s13+s2] =	stream.linear.scatter [tilespmem:s9], [sflag:$0x1], $0x80, $0x38;
	[tilespmem:$0x7000] =	vst v63  }
0x49a: {  	s13 =	sld [smem:$0x742];
	_ =	sdelay $0x1  }
0x49b: {  	s9 =	sld [smem:$0x741]  }
0x49c: {  	[hbm4b:s13+s2] =	stream.linear.scatter [tilespmem:s1], [sflag:$0x1], $0x80, $0x38;
	[tilespmem:$0x7000] =	vst v63  }
0x49d: {  	s13 =	sld [smem:$0x744];
	_ =	sdelay $0x2  }
0x49e: {  	[hbm4b:s13+s2] =	stream.linear.scatter [tilespmem:s9], [sflag:$0x1], $0x80, $0x38;
	[tilespmem:$0x7000] =	vst v63  }
0x49f: {  	_ =	swait.ge [sflag:s3], $0x200  }
0x4a0: {  	s0 =	sld [smem:$0x745]  }
0x4a1: {  	s13 =	sld [smem:$0x74B]  }
0x4a2: {  	[sflag:s3] =	ssyncset.done $0x0  }
0x4a3: {  	s9 =	sld [smem:$0x746];
	[sflag:s3] =	ssyncadd.s32 $0xFFFFFE00  }
0x4a4: {  	[hbm4b:s13+s2] =	stream.linear.scatter [tilespmem:s0], [sflag:$0x1], $0x80, $0x38;
	[tilespmem:$0x7000] =	vst v63  }
0x4a5: {  	s13 =	sld [smem:$0x748];
	_ =	sdelay $0x1  }
0x4a6: {  	s1 =	sld [smem:$0x747]  }
0x4a7: {  	[hbm4b:s13+s2] =	stream.linear.scatter [tilespmem:s9], [sflag:$0x1], $0x80, $0x38;
	[tilespmem:$0x7000] =	vst v63  }
0x4a8: {  	s13 =	sld [smem:$0x74A];
	_ =	sdelay $0x1  }
0x4a9: {  	s9 =	sld [smem:$0x749]  }
0x4aa: {  	[hbm4b:s13+s2] =	stream.linear.scatter [tilespmem:s1], [sflag:$0x1], $0x80, $0x38;
	[tilespmem:$0x7000] =	vst v63  }
0x4ab: {  	s13 =	sld [smem:$0x74C];
	_ =	sdelay $0x2  }
0x4ac: {  	[hbm4b:s13+s2] =	stream.linear.scatter [tilespmem:s9], [sflag:$0x1], $0x80, $0x38;
	[tilespmem:$0x7000] =	vst v63  }
0x4ad: {  	_ =	swait.ge [sflag:s3], $0x200  }
0x4ae: {  	s0 =	sld [smem:$0x74D]  }
0x4af: {  	s13 =	sld [smem:$0x753]  }
0x4b0: {  	[sflag:s3] =	ssyncset.done $0x0  }
0x4b1: {  	s9 =	sld [smem:$0x74E];
	[sflag:s3] =	ssyncadd.s32 $0xFFFFFE00  }
0x4b2: {  	[hbm4b:s13+s2] =	stream.linear.scatter [tilespmem:s0], [sflag:$0x1], $0x80, $0x38;
	[tilespmem:$0x7000] =	vst v63  }
0x4b3: {  	s13 =	sld [smem:$0x750];
	_ =	sdelay $0x1  }
0x4b4: {  	s1 =	sld [smem:$0x74F]  }
0x4b5: {  	[hbm4b:s13+s2] =	stream.linear.scatter [tilespmem:s9], [sflag:$0x1], $0x80, $0x38;
	[tilespmem:$0x7000] =	vst v63  }
0x4b6: {  	s13 =	sld [smem:$0x752];
	_ =	sdelay $0x1  }
0x4b7: {  	s9 =	sld [smem:$0x751]  }
0x4b8: {  	[hbm4b:s13+s2] =	stream.linear.scatter [tilespmem:s1], [sflag:$0x1], $0x80, $0x38;
	[tilespmem:$0x7000] =	vst v63  }
0x4b9: {  	s13 =	sld [smem:$0x754];
	_ =	sdelay $0x2  }
0x4ba: {  	[hbm4b:s13+s2] =	stream.linear.scatter [tilespmem:s9], [sflag:$0x1], $0x80, $0x38;
	[tilespmem:$0x7000] =	vst v63  }
0x4bb: {  	_ =	swait.ge [sflag:s3], $0x200  }
0x4bc: {  	s0 =	sld [smem:$0x755]  }
0x4bd: {  	s13 =	sld [smem:$0x75B]  }
0x4be: {  	[sflag:s3] =	ssyncset.done $0x0  }
0x4bf: {  	s9 =	sld [smem:$0x756];
	[sflag:s3] =	ssyncadd.s32 $0xFFFFFE00  }
0x4c0: {  	[hbm4b:s13+s2] =	stream.linear.scatter [tilespmem:s0], [sflag:$0x1], $0x80, $0x38;
	[tilespmem:$0x7000] =	vst v63  }
0x4c1: {  	s13 =	sld [smem:$0x758];
	_ =	sdelay $0x1  }
0x4c2: {  	s1 =	sld [smem:$0x757]  }
0x4c3: {  	[hbm4b:s13+s2] =	stream.linear.scatter [tilespmem:s9], [sflag:$0x1], $0x80, $0x38;
	[tilespmem:$0x7000] =	vst v63  }
0x4c4: {  	s13 =	sld [smem:$0x75A];
	_ =	sdelay $0x1  }
0x4c5: {  	s9 =	sld [smem:$0x759]  }
0x4c6: {  	[hbm4b:s13+s2] =	stream.linear.scatter [tilespmem:s1], [sflag:$0x1], $0x80, $0x38;
	[tilespmem:$0x7000] =	vst v63  }
0x4c7: {  	s13 =	sld [smem:$0x75C];
	_ =	sdelay $0x2  }
0x4c8: {  	[hbm4b:s13+s2] =	stream.linear.scatter [tilespmem:s9], [sflag:$0x1], $0x80, $0x38;
	[tilespmem:$0x7000] =	vst v63  }
0x4c9: {  	_ =	swait.ge [sflag:s3], $0x200  }
0x4ca: {  	s0 =	sld [smem:$0x75D]  }
0x4cb: {  	s13 =	sld [smem:$0x763]  }
0x4cc: {  	[sflag:s3] =	ssyncset.done $0x0  }
0x4cd: {  	s9 =	sld [smem:$0x75E];
	[sflag:s3] =	ssyncadd.s32 $0xFFFFFE00  }
0x4ce: {  	[hbm4b:s13+s2] =	stream.linear.scatter [tilespmem:s0], [sflag:$0x1], $0x80, $0x38;
	[tilespmem:$0x7000] =	vst v63  }
0x4cf: {  	s13 =	sld [smem:$0x760];
	_ =	sdelay $0x1  }
0x4d0: {  	s1 =	sld [smem:$0x75F]  }
0x4d1: {  	[hbm4b:s13+s2] =	stream.linear.scatter [tilespmem:s9], [sflag:$0x1], $0x80, $0x38;
	[tilespmem:$0x7000] =	vst v63  }
0x4d2: {  	s13 =	sld [smem:$0x762];
	_ =	sdelay $0x1  }
0x4d3: {  	s9 =	sld [smem:$0x761]  }
0x4d4: {  	[hbm4b:s13+s2] =	stream.linear.scatter [tilespmem:s1], [sflag:$0x1], $0x80, $0x38;
	[tilespmem:$0x7000] =	vst v63  }
0x4d5: {  	s13 =	sld [smem:$0x764];
	_ =	sdelay $0x2  }
0x4d6: {  	[hbm4b:s13+s2] =	stream.linear.scatter [tilespmem:s9], [sflag:$0x1], $0x80, $0x38;
	[tilespmem:$0x7000] =	vst v63  }
0x4d7: {  	_ =	swait.ge [sflag:s3], $0x200  }
0x4d8: {  	s0 =	sld [smem:$0x765]  }
0x4d9: {  	s13 =	sld [smem:$0x76B]  }
0x4da: {  	[sflag:s3] =	ssyncset.done $0x0  }
0x4db: {  	s9 =	sld [smem:$0x766];
	[sflag:s3] =	ssyncadd.s32 $0xFFFFFE00  }
0x4dc: {  	[hbm4b:s13+s2] =	stream.linear.scatter [tilespmem:s0], [sflag:$0x1], $0x80, $0x38;
	[tilespmem:$0x7000] =	vst v63  }
0x4dd: {  	s13 =	sld [smem:$0x768];
	_ =	sdelay $0x1  }
0x4de: {  	s1 =	sld [smem:$0x767]  }
0x4df: {  	[hbm4b:s13+s2] =	stream.linear.scatter [tilespmem:s9], [sflag:$0x1], $0x80, $0x38;
	[tilespmem:$0x7000] =	vst v63  }
0x4e0: {  	s13 =	sld [smem:$0x76A];
	_ =	sdelay $0x1  }
0x4e1: {  	s9 =	sld [smem:$0x769]  }
0x4e2: {  	[hbm4b:s13+s2] =	stream.linear.scatter [tilespmem:s1], [sflag:$0x1], $0x80, $0x38;
	[tilespmem:$0x7000] =	vst v63  }
0x4e3: {  	s13 =	sld [smem:$0x76C];
	_ =	sdelay $0x2  }
0x4e4: {  	[hbm4b:s13+s2] =	stream.linear.scatter [tilespmem:s9], [sflag:$0x1], $0x80, $0x38;
	[tilespmem:$0x7000] =	vst v63  }
0x4e5: {  	_ =	swait.ge [sflag:s3], $0x200  }
0x4e6: {  	s0 =	sld [smem:$0x76D]  }
0x4e7: {  	s13 =	sld [smem:$0x773]  }
0x4e8: {  	[sflag:s3] =	ssyncset.done $0x0  }
0x4e9: {  	s9 =	sld [smem:$0x76E];
	[sflag:s3] =	ssyncadd.s32 $0xFFFFFE00  }
0x4ea: {  	[hbm4b:s13+s2] =	stream.linear.scatter [tilespmem:s0], [sflag:$0x1], $0x80, $0x38;
	[tilespmem:$0x7000] =	vst v63  }
0x4eb: {  	s13 =	sld [smem:$0x770];
	_ =	sdelay $0x1  }
0x4ec: {  	s1 =	sld [smem:$0x76F]  }
0x4ed: {  	[hbm4b:s13+s2] =	stream.linear.scatter [tilespmem:s9], [sflag:$0x1], $0x80, $0x38;
	[tilespmem:$0x7000] =	vst v63  }
0x4ee: {  	s13 =	sld [smem:$0x772];
	_ =	sdelay $0x1  }
0x4ef: {  	s9 =	sld [smem:$0x771]  }
0x4f0: {  	[hbm4b:s13+s2] =	stream.linear.scatter [tilespmem:s1], [sflag:$0x1], $0x80, $0x38;
	[tilespmem:$0x7000] =	vst v63  }
0x4f1: {  	s13 =	sld [smem:$0x774];
	_ =	sdelay $0x2  }
0x4f2: {  	[hbm4b:s13+s2] =	stream.linear.scatter [tilespmem:s9], [sflag:$0x1], $0x80, $0x38;
	[tilespmem:$0x7000] =	vst v63  }
0x4f3: {  	_ =	swait.ge [sflag:s3], $0x200  }
0x4f4: {  	s0 =	sld [smem:$0x775]  }
0x4f5: {  	s13 =	sld [smem:$0x77B]  }
0x4f6: {  	[sflag:s3] =	ssyncset.done $0x0  }
0x4f7: {  	s9 =	sld [smem:$0x776];
	[sflag:s3] =	ssyncadd.s32 $0xFFFFFE00  }
0x4f8: {  	[hbm4b:s13+s2] =	stream.linear.scatter [tilespmem:s0], [sflag:$0x1], $0x80, $0x38;
	[tilespmem:$0x7000] =	vst v63  }
0x4f9: {  	s13 =	sld [smem:$0x778];
	_ =	sdelay $0x1  }
0x4fa: {  	s1 =	sld [smem:$0x777]  }
0x4fb: {  	[hbm4b:s13+s2] =	stream.linear.scatter [tilespmem:s9], [sflag:$0x1], $0x80, $0x38;
	[tilespmem:$0x7000] =	vst v63  }
0x4fc: {  	s13 =	sld [smem:$0x77A];
	_ =	sdelay $0x1  }
0x4fd: {  	s9 =	sld [smem:$0x779]  }
0x4fe: {  	[hbm4b:s13+s2] =	stream.linear.scatter [tilespmem:s1], [sflag:$0x1], $0x80, $0x38;
	[tilespmem:$0x7000] =	vst v63  }
0x4ff: {  	s13 =	sld [smem:$0x77C];
	_ =	sdelay $0x2  }
0x500: {  	[hbm4b:s13+s2] =	stream.linear.scatter [tilespmem:s9], [sflag:$0x1], $0x80, $0x38;
	[tilespmem:$0x7000] =	vst v63  }
0x501: {  	_ =	swait.ge [sflag:s3], $0x200  }
0x502: {  	s0 =	sld [smem:$0x77D]  }
0x503: {  	s13 =	sld [smem:$0x783]  }
0x504: {  	[sflag:s3] =	ssyncset.done $0x0  }
0x505: {  	s9 =	sld [smem:$0x77E];
	[sflag:s3] =	ssyncadd.s32 $0xFFFFFE00  }
0x506: {  	[hbm4b:s13+s2] =	stream.linear.scatter [tilespmem:s0], [sflag:$0x1], $0x80, $0x38;
	[tilespmem:$0x7000] =	vst v63  }
0x507: {  	s13 =	sld [smem:$0x780];
	_ =	sdelay $0x1  }
0x508: {  	s1 =	sld [smem:$0x77F]  }
0x509: {  	[hbm4b:s13+s2] =	stream.linear.scatter [tilespmem:s9], [sflag:$0x1], $0x80, $0x38;
	[tilespmem:$0x7000] =	vst v63  }
0x50a: {  	s13 =	sld [smem:$0x782];
	_ =	sdelay $0x1  }
0x50b: {  	s9 =	sld [smem:$0x781]  }
0x50c: {  	[hbm4b:s13+s2] =	stream.linear.scatter [tilespmem:s1], [sflag:$0x1], $0x80, $0x38;
	[tilespmem:$0x7000] =	vst v63  }
0x50d: {  	s13 =	sld [smem:$0x784];
	_ =	sdelay $0x2  }
0x50e: {  	[hbm4b:s13+s2] =	stream.linear.scatter [tilespmem:s9], [sflag:$0x1], $0x80, $0x38;
	[tilespmem:$0x7000] =	vst v63  }
0x50f: {  	_ =	swait.ge [sflag:s3], $0x200  }
0x510: {  	s0 =	sld [smem:$0x785]  }
0x511: {  	s13 =	sld [smem:$0x78B]  }
0x512: {  	[sflag:s3] =	ssyncset.done $0x0  }
0x513: {  	s9 =	sld [smem:$0x786];
	[sflag:s3] =	ssyncadd.s32 $0xFFFFFE00  }
0x514: {  	[hbm4b:s13+s2] =	stream.linear.scatter [tilespmem:s0], [sflag:$0x1], $0x80, $0x38;
	[tilespmem:$0x7000] =	vst v63  }
0x515: {  	s13 =	sld [smem:$0x788];
	_ =	sdelay $0x1  }
0x516: {  	s1 =	sld [smem:$0x787]  }
0x517: {  	[hbm4b:s13+s2] =	stream.linear.scatter [tilespmem:s9], [sflag:$0x1], $0x80, $0x38;
	[tilespmem:$0x7000] =	vst v63  }
0x518: {  	s13 =	sld [smem:$0x78A];
	_ =	sdelay $0x1  }
0x519: {  	s9 =	sld [smem:$0x789]  }
0x51a: {  	[hbm4b:s13+s2] =	stream.linear.scatter [tilespmem:s1], [sflag:$0x1], $0x80, $0x38;
	[tilespmem:$0x7000] =	vst v63  }
0x51b: {  	s13 =	sld [smem:$0x78C];
	_ =	sdelay $0x2  }
0x51c: {  	[hbm4b:s13+s2] =	stream.linear.scatter [tilespmem:s9], [sflag:$0x1], $0x80, $0x38;
	[tilespmem:$0x7000] =	vst v63  }
0x51d: {  	_ =	swait.ge [sflag:s3], $0x200  }
0x51e: {  	s0 =	sld [smem:$0x78D]  }
0x51f: {  	s13 =	sld [smem:$0x793]  }
0x520: {  	[sflag:s3] =	ssyncset.done $0x0  }
0x521: {  	s9 =	sld [smem:$0x78E];
	[sflag:s3] =	ssyncadd.s32 $0xFFFFFE00  }
0x522: {  	[hbm4b:s13+s2] =	stream.linear.scatter [tilespmem:s0], [sflag:$0x1], $0x80, $0x38;
	[tilespmem:$0x7000] =	vst v63  }
0x523: {  	s13 =	sld [smem:$0x790];
	_ =	sdelay $0x1  }
0x524: {  	s1 =	sld [smem:$0x78F]  }
0x525: {  	[hbm4b:s13+s2] =	stream.linear.scatter [tilespmem:s9], [sflag:$0x1], $0x80, $0x38;
	[tilespmem:$0x7000] =	vst v63  }
0x526: {  	s13 =	sld [smem:$0x792];
	_ =	sdelay $0x1  }
0x527: {  	s9 =	sld [smem:$0x791]  }
0x528: {  	[hbm4b:s13+s2] =	stream.linear.scatter [tilespmem:s1], [sflag:$0x1], $0x80, $0x38;
	[tilespmem:$0x7000] =	vst v63  }
0x529: {  	s13 =	sld [smem:$0x794];
	_ =	sdelay $0x2  }
0x52a: {  	[hbm4b:s13+s2] =	stream.linear.scatter [tilespmem:s9], [sflag:$0x1], $0x80, $0x38;
	[tilespmem:$0x7000] =	vst v63  }
0x52b: {  	_ =	swait.ge [sflag:s3], $0x200  }
0x52c: {  	s0 =	sld [smem:$0x795]  }
0x52d: {  	s13 =	sld [smem:$0x79B]  }
0x52e: {  	[sflag:s3] =	ssyncset.done $0x0  }
0x52f: {  	s9 =	sld [smem:$0x796];
	[sflag:s3] =	ssyncadd.s32 $0xFFFFFE00  }
0x530: {  	[hbm4b:s13+s2] =	stream.linear.scatter [tilespmem:s0], [sflag:$0x1], $0x80, $0x38;
	[tilespmem:$0x7000] =	vst v63  }
0x531: {  	s13 =	sld [smem:$0x798];
	_ =	sdelay $0x1  }
0x532: {  	s1 =	sld [smem:$0x797]  }
0x533: {  	[hbm4b:s13+s2] =	stream.linear.scatter [tilespmem:s9], [sflag:$0x1], $0x80, $0x38;
	[tilespmem:$0x7000] =	vst v63  }
0x534: {  	s13 =	sld [smem:$0x79A];
	_ =	sdelay $0x1  }
0x535: {  	s9 =	sld [smem:$0x799]  }
0x536: {  	[hbm4b:s13+s2] =	stream.linear.scatter [tilespmem:s1], [sflag:$0x1], $0x80, $0x38;
	[tilespmem:$0x7000] =	vst v63  }
0x537: {  	s13 =	sld [smem:$0x79C];
	_ =	sdelay $0x2  }
0x538: {  	[hbm4b:s13+s2] =	stream.linear.scatter [tilespmem:s9], [sflag:$0x1], $0x80, $0x38;
	[tilespmem:$0x7000] =	vst v63  }
0x539: {  	_ =	swait.ge [sflag:s3], $0x200  }
0x53a: {  	s0 =	sld [smem:$0x79D]  }
0x53b: {  	s13 =	sld [smem:$0x7A3]  }
0x53c: {  	[sflag:s3] =	ssyncset.done $0x0  }
0x53d: {  	s9 =	sld [smem:$0x79E];
	[sflag:s3] =	ssyncadd.s32 $0xFFFFFE00  }
0x53e: {  	[hbm4b:s13+s2] =	stream.linear.scatter [tilespmem:s0], [sflag:$0x1], $0x80, $0x38;
	[tilespmem:$0x7000] =	vst v63  }
0x53f: {  	s13 =	sld [smem:$0x7A0];
	_ =	sdelay $0x1  }
0x540: {  	s1 =	sld [smem:$0x79F]  }
0x541: {  	[hbm4b:s13+s2] =	stream.linear.scatter [tilespmem:s9], [sflag:$0x1], $0x80, $0x38;
	[tilespmem:$0x7000] =	vst v63  }
0x542: {  	s13 =	sld [smem:$0x7A2];
	_ =	sdelay $0x1  }
0x543: {  	s9 =	sld [smem:$0x7A1]  }
0x544: {  	[hbm4b:s13+s2] =	stream.linear.scatter [tilespmem:s1], [sflag:$0x1], $0x80, $0x38;
	[tilespmem:$0x7000] =	vst v63  }
0x545: {  	s13 =	sld [smem:$0x7A4];
	_ =	sdelay $0x2  }
0x546: {  	[hbm4b:s13+s2] =	stream.linear.scatter [tilespmem:s9], [sflag:$0x1], $0x80, $0x38;
	[tilespmem:$0x7000] =	vst v63  }
0x547: {  	_ =	swait.ge [sflag:s3], $0x200  }
0x548: {  	s0 =	sld [smem:$0x7A5]  }
0x549: {  	s13 =	sld [smem:$0x7AB]  }
0x54a: {  	[sflag:s3] =	ssyncset.done $0x0  }
0x54b: {  	s9 =	sld [smem:$0x7A6];
	[sflag:s3] =	ssyncadd.s32 $0xFFFFFE00  }
0x54c: {  	[hbm4b:s13+s2] =	stream.linear.scatter [tilespmem:s0], [sflag:$0x1], $0x80, $0x38;
	[tilespmem:$0x7000] =	vst v63  }
0x54d: {  	s13 =	sld [smem:$0x7A8];
	_ =	sdelay $0x1  }
0x54e: {  	s1 =	sld [smem:$0x7A7]  }
0x54f: {  	[hbm4b:s13+s2] =	stream.linear.scatter [tilespmem:s9], [sflag:$0x1], $0x80, $0x38;
	[tilespmem:$0x7000] =	vst v63  }
0x550: {  	s13 =	sld [smem:$0x7AA];
	_ =	sdelay $0x1  }
0x551: {  	s9 =	sld [smem:$0x7A9]  }
0x552: {  	[hbm4b:s13+s2] =	stream.linear.scatter [tilespmem:s1], [sflag:$0x1], $0x80, $0x38;
	[tilespmem:$0x7000] =	vst v63  }
0x553: {  	s13 =	sld [smem:$0x7AC];
	_ =	sdelay $0x2  }
0x554: {  	[hbm4b:s13+s2] =	stream.linear.scatter [tilespmem:s9], [sflag:$0x1], $0x80, $0x38;
	[tilespmem:$0x7000] =	vst v63  }
0x555: {  	_ =	swait.ge [sflag:s3], $0x200  }
0x556: {  	s0 =	sld [smem:$0x7AD]  }
0x557: {  	s13 =	sld [smem:$0x7B3]  }
0x558: {  	[sflag:s3] =	ssyncset.done $0x0  }
0x559: {  	s9 =	sld [smem:$0x7AE];
	[sflag:s3] =	ssyncadd.s32 $0xFFFFFE00  }
0x55a: {  	[hbm4b:s13+s2] =	stream.linear.scatter [tilespmem:s0], [sflag:$0x1], $0x80, $0x38;
	[tilespmem:$0x7000] =	vst v63  }
0x55b: {  	s13 =	sld [smem:$0x7B0];
	_ =	sdelay $0x1  }
0x55c: {  	s1 =	sld [smem:$0x7AF]  }
0x55d: {  	[hbm4b:s13+s2] =	stream.linear.scatter [tilespmem:s9], [sflag:$0x1], $0x80, $0x38;
	[tilespmem:$0x7000] =	vst v63  }
0x55e: {  	s13 =	sld [smem:$0x7B2];
	_ =	sdelay $0x1  }
0x55f: {  	s9 =	sld [smem:$0x7B1]  }
0x560: {  	[hbm4b:s13+s2] =	stream.linear.scatter [tilespmem:s1], [sflag:$0x1], $0x80, $0x38;
	[tilespmem:$0x7000] =	vst v63  }
0x561: {  	s13 =	sld [smem:$0x7B4];
	_ =	sdelay $0x2  }
0x562: {  	[hbm4b:s13+s2] =	stream.linear.scatter [tilespmem:s9], [sflag:$0x1], $0x80, $0x38;
	[tilespmem:$0x7000] =	vst v63  }
0x563: {  	_ =	swait.ge [sflag:s3], $0x200  }
0x564: {  	s0 =	sld [smem:$0x7B5]  }
0x565: {  	s13 =	sld [smem:$0x7BB]  }
0x566: {  	[sflag:s3] =	ssyncset.done $0x0  }
0x567: {  	s9 =	sld [smem:$0x7B6];
	[sflag:s3] =	ssyncadd.s32 $0xFFFFFE00  }
0x568: {  	[hbm4b:s13+s2] =	stream.linear.scatter [tilespmem:s0], [sflag:$0x1], $0x80, $0x38;
	[tilespmem:$0x7000] =	vst v63  }
0x569: {  	s13 =	sld [smem:$0x7B8];
	_ =	sdelay $0x1  }
0x56a: {  	s1 =	sld [smem:$0x7B7]  }
0x56b: {  	[hbm4b:s13+s2] =	stream.linear.scatter [tilespmem:s9], [sflag:$0x1], $0x80, $0x38;
	[tilespmem:$0x7000] =	vst v63  }
0x56c: {  	s13 =	sld [smem:$0x7BA];
	_ =	sdelay $0x1  }
0x56d: {  	s9 =	sld [smem:$0x7B9]  }
0x56e: {  	[hbm4b:s13+s2] =	stream.linear.scatter [tilespmem:s1], [sflag:$0x1], $0x80, $0x38;
	[tilespmem:$0x7000] =	vst v63  }
0x56f: {  	s13 =	sld [smem:$0x7BC];
	_ =	sdelay $0x2  }
0x570: {  	[hbm4b:s13+s2] =	stream.linear.scatter [tilespmem:s9], [sflag:$0x1], $0x80, $0x38;
	[tilespmem:$0x7000] =	vst v63  }
0x571: {  	_ =	swait.ge [sflag:s3], $0x200  }
0x572: {  	s0 =	sld [smem:$0x7BD]  }
0x573: {  	s13 =	sld [smem:$0x7C3]  }
0x574: {  	[sflag:s3] =	ssyncset.done $0x0  }
0x575: {  	s9 =	sld [smem:$0x7BE];
	[sflag:s3] =	ssyncadd.s32 $0xFFFFFE00  }
0x576: {  	[hbm4b:s13+s2] =	stream.linear.scatter [tilespmem:s0], [sflag:$0x1], $0x80, $0x38;
	[tilespmem:$0x7000] =	vst v63  }
0x577: {  	s13 =	sld [smem:$0x7C0];
	_ =	sdelay $0x1  }
0x578: {  	s1 =	sld [smem:$0x7BF]  }
0x579: {  	[hbm4b:s13+s2] =	stream.linear.scatter [tilespmem:s9], [sflag:$0x1], $0x80, $0x38;
	[tilespmem:$0x7000] =	vst v63  }
0x57a: {  	s13 =	sld [smem:$0x7C2];
	_ =	sdelay $0x1  }
0x57b: {  	s9 =	sld [smem:$0x7C1]  }
0x57c: {  	[hbm4b:s13+s2] =	stream.linear.scatter [tilespmem:s1], [sflag:$0x1], $0x80, $0x38;
	[tilespmem:$0x7000] =	vst v63  }
0x57d: {  	s13 =	sld [smem:$0x7C4];
	_ =	sdelay $0x2  }
0x57e: {  	[hbm4b:s13+s2] =	stream.linear.scatter [tilespmem:s9], [sflag:$0x1], $0x80, $0x38;
	[tilespmem:$0x7000] =	vst v63  }
0x57f: {  	_ =	swait.ge [sflag:s3], $0x200  }
0x580: {  	s0 =	sld [smem:$0x7C5]  }
0x581: {  	s13 =	sld [smem:$0x7CB]  }
0x582: {  	[sflag:s3] =	ssyncset.done $0x0  }
0x583: {  	s9 =	sld [smem:$0x7C6];
	[sflag:s3] =	ssyncadd.s32 $0xFFFFFE00  }
0x584: {  	[hbm4b:s13+s2] =	stream.linear.scatter [tilespmem:s0], [sflag:$0x1], $0x80, $0x38;
	[tilespmem:$0x7000] =	vst v63  }
0x585: {  	s13 =	sld [smem:$0x7C8];
	_ =	sdelay $0x1  }
0x586: {  	s1 =	sld [smem:$0x7C7]  }
0x587: {  	[hbm4b:s13+s2] =	stream.linear.scatter [tilespmem:s9], [sflag:$0x1], $0x80, $0x38;
	[tilespmem:$0x7000] =	vst v63  }
0x588: {  	s13 =	sld [smem:$0x7CA];
	_ =	sdelay $0x1  }
0x589: {  	s9 =	sld [smem:$0x7C9]  }
0x58a: {  	[hbm4b:s13+s2] =	stream.linear.scatter [tilespmem:s1], [sflag:$0x1], $0x80, $0x38;
	[tilespmem:$0x7000] =	vst v63  }
0x58b: {  	s13 =	sld [smem:$0x7CC];
	_ =	sdelay $0x2  }
0x58c: {  	[hbm4b:s13+s2] =	stream.linear.scatter [tilespmem:s9], [sflag:$0x1], $0x80, $0x38;
	[tilespmem:$0x7000] =	vst v63  }
0x58d: {  	_ =	swait.ge [sflag:s3], $0x200  }
0x58e: {  	s0 =	sld [smem:$0x7CD]  }
0x58f: {  	s13 =	sld [smem:$0x7D3]  }
0x590: {  	[sflag:s3] =	ssyncset.done $0x0  }
0x591: {  	s9 =	sld [smem:$0x7CE];
	[sflag:s3] =	ssyncadd.s32 $0xFFFFFE00  }
0x592: {  	[hbm4b:s13+s2] =	stream.linear.scatter [tilespmem:s0], [sflag:$0x1], $0x80, $0x38;
	[tilespmem:$0x7000] =	vst v63  }
0x593: {  	s13 =	sld [smem:$0x7D0];
	_ =	sdelay $0x1  }
0x594: {  	s1 =	sld [smem:$0x7CF]  }
0x595: {  	[hbm4b:s13+s2] =	stream.linear.scatter [tilespmem:s9], [sflag:$0x1], $0x80, $0x38;
	[tilespmem:$0x7000] =	vst v63  }
0x596: {  	s13 =	sld [smem:$0x7D2];
	_ =	sdelay $0x1  }
0x597: {  	s9 =	sld [smem:$0x7D1]  }
0x598: {  	[hbm4b:s13+s2] =	stream.linear.scatter [tilespmem:s1], [sflag:$0x1], $0x80, $0x38;
	[tilespmem:$0x7000] =	vst v63  }
0x599: {  	s13 =	sld [smem:$0x7D4];
	_ =	sdelay $0x2  }
0x59a: {  	[hbm4b:s13+s2] =	stream.linear.scatter [tilespmem:s9], [sflag:$0x1], $0x80, $0x38;
	[tilespmem:$0x7000] =	vst v63  }
0x59b: {  	_ =	swait.ge [sflag:s3], $0x200  }
0x59c: {  	s0 =	sld [smem:$0x7D5]  }
0x59d: {  	s13 =	sld [smem:$0x7DB]  }
0x59e: {  	[sflag:s3] =	ssyncset.done $0x0  }
0x59f: {  	s9 =	sld [smem:$0x7D6];
	[sflag:s3] =	ssyncadd.s32 $0xFFFFFE00  }
0x5a0: {  	[hbm4b:s13+s2] =	stream.linear.scatter [tilespmem:s0], [sflag:$0x1], $0x80, $0x38;
	[tilespmem:$0x7000] =	vst v63  }
0x5a1: {  	s13 =	sld [smem:$0x7D8];
	_ =	sdelay $0x1  }
0x5a2: {  	s1 =	sld [smem:$0x7D7]  }
0x5a3: {  	[hbm4b:s13+s2] =	stream.linear.scatter [tilespmem:s9], [sflag:$0x1], $0x80, $0x38;
	[tilespmem:$0x7000] =	vst v63  }
0x5a4: {  	s13 =	sld [smem:$0x7DA];
	_ =	sdelay $0x1  }
0x5a5: {  	s9 =	sld [smem:$0x7D9]  }
0x5a6: {  	[hbm4b:s13+s2] =	stream.linear.scatter [tilespmem:s1], [sflag:$0x1], $0x80, $0x38;
	[tilespmem:$0x7000] =	vst v63  }
0x5a7: {  	s13 =	sld [smem:$0x7DC];
	_ =	sdelay $0x2  }
0x5a8: {  	[hbm4b:s13+s2] =	stream.linear.scatter [tilespmem:s9], [sflag:$0x1], $0x80, $0x38;
	[tilespmem:$0x7000] =	vst v63  }
0x5a9: {  	_ =	swait.ge [sflag:s3], $0x200  }
0x5aa: {  	s0 =	sld [smem:$0x7DD]  }
0x5ab: {  	s13 =	sld [smem:$0x7E3]  }
0x5ac: {  	[sflag:s3] =	ssyncset.done $0x0  }
0x5ad: {  	s9 =	sld [smem:$0x7DE];
	[sflag:s3] =	ssyncadd.s32 $0xFFFFFE00  }
0x5ae: {  	[hbm4b:s13+s2] =	stream.linear.scatter [tilespmem:s0], [sflag:$0x1], $0x80, $0x38;
	[tilespmem:$0x7000] =	vst v63  }
0x5af: {  	s13 =	sld [smem:$0x7E0];
	_ =	sdelay $0x1  }
0x5b0: {  	s1 =	sld [smem:$0x7DF]  }
0x5b1: {  	[hbm4b:s13+s2] =	stream.linear.scatter [tilespmem:s9], [sflag:$0x1], $0x80, $0x38;
	[tilespmem:$0x7000] =	vst v63  }
0x5b2: {  	s13 =	sld [smem:$0x7E2];
	_ =	sdelay $0x1  }
0x5b3: {  	s9 =	sld [smem:$0x7E1]  }
0x5b4: {  	[hbm4b:s13+s2] =	stream.linear.scatter [tilespmem:s1], [sflag:$0x1], $0x80, $0x38;
	[tilespmem:$0x7000] =	vst v63  }
0x5b5: {  	s1 =	sld [smem:$0x7E4];
	_ =	sdelay $0x2  }
0x5b6: {  	[hbm4b:s1+s2] =	stream.linear.scatter [tilespmem:s9], [sflag:$0x1], $0x80, $0x38;
	[tilespmem:$0x7000] =	vst v63  }
0x5b7: {  	_ =	swait.ge [sflag:s3], $0x200  }
0x5b8: {  	s13 =	sld [smem:$0x7E5]  }
0x5b9: {  	[sflag:s3] =	ssyncset.done $0x0  }
0x5ba: {  	s0 =	sld [smem:$0x7E6];
	[sflag:s3] =	ssyncadd.s32 $0xFFFFFE00  }
0x5bb: {  	[hbm4b:s7+s2] =	stream.linear.scatter [tilespmem:s13], [sflag:$0x1], $0x80, $0x38;
	[tilespmem:$0x7000] =	vst v63  }
0x5bc: {  	s13 =	sld [smem:$0x7E8];
	_ =	sdelay $0x1  }
0x5bd: {  	s1 =	sld [smem:$0x7E7]  }
0x5be: {  	[hbm4b:s13+s2] =	stream.linear.scatter [tilespmem:s0], [sflag:$0x1], $0x80, $0x38;
	[tilespmem:$0x7000] =	vst v63  }
0x5bf: {  	s0 =	sld [smem:$0x7E9]  }
0x5c0: {  	[hbm4b:s10+s2] =	stream.linear.scatter [tilespmem:s1], [sflag:$0x1], $0x80, $0x38;
	[tilespmem:$0x7000] =	vst v63  }
0x5c1: {  	_ = 	snop  }
0x5c2: {  	[hbm4b:s8+s2] =	stream.linear.scatter [tilespmem:s0], [sflag:$0x1], $0x80, $0x38;
	[tilespmem:$0x7000] =	vst v63  }
0x5c3: {  	_ =	swait.ge [sflag:s3], $0x200  }
0x5c4: {  	s13 =	sld [smem:$0x7EA]  }
0x5c5: {  	[sflag:s3] =	ssyncset.done $0x0  }
0x5c6: {  	s0 =	sld [smem:$0x7EB];
	[sflag:s3] =	ssyncadd.s32 $0xFFFFFE00  }
0x5c7: {  	[hbm4b:s11+s2] =	stream.linear.scatter [tilespmem:s13], [sflag:$0x1], $0x80, $0x38;
	[tilespmem:$0x7000] =	vst v63  }
0x5c8: {  	s13 =	sld [smem:$0x7EC]  }
0x5c9: {  	[hbm4b:s17+s2] =	stream.linear.scatter [tilespmem:s0], [sflag:$0x1], $0x80, $0x38;
	[tilespmem:$0x7000] =	vst v63  }
0x5ca: {  	s0 =	sld [smem:$0x7ED]  }
0x5cb: {  	[hbm4b:s12+s2] =	stream.linear.scatter [tilespmem:s13], [sflag:$0x1], $0x80, $0x38;
	[tilespmem:$0x7000] =	vst v63  }
0x5cc: {  	_ = 	snop  }
0x5cd: {  	[hbm4b:s14+s2] =	stream.linear.scatter [tilespmem:s0], [sflag:$0x1], $0x80, $0x38;
	[tilespmem:$0x7000] =	vst v63  }
0x5ce: {  	_ =	swait.ge [sflag:s3], $0x200  }
0x5cf: {  	s13 =	sld [smem:$0x7EE]  }
0x5d0: {  	[sflag:s3] =	ssyncset.done $0x0  }
0x5d1: {  	s0 =	sld [smem:$0x7EF];
	[sflag:s3] =	ssyncadd.s32 $0xFFFFFE00  }
0x5d2: {  	[hbm4b:s15+s2] =	stream.linear.scatter [tilespmem:s13], [sflag:$0x1], $0x80, $0x38;
	[tilespmem:$0x7000] =	vst v63  }
0x5d3: {  	s13 =	sld [smem:$0x7F0]  }
0x5d4: {  	[hbm4b:s21+s2] =	stream.linear.scatter [tilespmem:s0], [sflag:$0x1], $0x80, $0x38;
	[tilespmem:$0x7000] =	vst v63  }
0x5d5: {  	s0 =	sld [smem:$0x7F1]  }
0x5d6: {  	[hbm4b:s16+s2] =	stream.linear.scatter [tilespmem:s13], [sflag:$0x1], $0x80, $0x38;
	[tilespmem:$0x7000] =	vst v63  }
0x5d7: {  	_ = 	snop  }
0x5d8: {  	[hbm4b:s18+s2] =	stream.linear.scatter [tilespmem:s0], [sflag:$0x1], $0x80, $0x38;
	[tilespmem:$0x7000] =	vst v63  }
0x5d9: {  	_ =	swait.ge [sflag:s3], $0x200  }
0x5da: {  	s13 =	sld [smem:$0x7F2]  }
0x5db: {  	[sflag:s3] =	ssyncset.done $0x0  }
0x5dc: {  	s0 =	sld [smem:$0x7F3];
	[sflag:s3] =	ssyncadd.s32 $0xFFFFFE00  }
0x5dd: {  	[hbm4b:s19+s2] =	stream.linear.scatter [tilespmem:s13], [sflag:$0x1], $0x80, $0x38;
	[tilespmem:$0x7000] =	vst v63  }
0x5de: {  	s13 =	sld [smem:$0x7F4]  }
0x5df: {  	[hbm4b:s25+s2] =	stream.linear.scatter [tilespmem:s0], [sflag:$0x1], $0x80, $0x38;
	[tilespmem:$0x7000] =	vst v63  }
0x5e0: {  	s0 =	sld [smem:$0x7F5]  }
0x5e1: {  	[hbm4b:s20+s2] =	stream.linear.scatter [tilespmem:s13], [sflag:$0x1], $0x80, $0x38;
	[tilespmem:$0x7000] =	vst v63  }
0x5e2: {  	_ = 	snop  }
0x5e3: {  	[hbm4b:s22+s2] =	stream.linear.scatter [tilespmem:s0], [sflag:$0x1], $0x80, $0x38;
	[tilespmem:$0x7000] =	vst v63  }
0x5e4: {  	_ =	swait.ge [sflag:s3], $0x200  }
0x5e5: {  	s13 =	sld [smem:$0x7F6]  }
0x5e6: {  	[sflag:s3] =	ssyncset.done $0x0  }
0x5e7: {  	s0 =	sld [smem:$0x7F7];
	[sflag:s3] =	ssyncadd.s32 $0xFFFFFE00  }
0x5e8: {  	[hbm4b:s23+s2] =	stream.linear.scatter [tilespmem:s13], [sflag:$0x1], $0x80, $0x38;
	[tilespmem:$0x7000] =	vst v63  }
0x5e9: {  	s13 =	sld [smem:$0x7F8]  }
0x5ea: {  	[hbm4b:s31+s2] =	stream.linear.scatter [tilespmem:s0], [sflag:$0x1], $0x80, $0x38;
	[tilespmem:$0x7000] =	vst v63  }
0x5eb: {  	s0 =	sld [smem:$0x7F9]  }
0x5ec: {  	[hbm4b:s24+s2] =	stream.linear.scatter [tilespmem:s13], [sflag:$0x1], $0x80, $0x38;
	[tilespmem:$0x7000] =	vst v63  }
0x5ed: {  	_ = 	snop  }
0x5ee: {  	[hbm4b:s26+s2] =	stream.linear.scatter [tilespmem:s0], [sflag:$0x1], $0x80, $0x38;
	[tilespmem:$0x7000] =	vst v63  }
0x5ef: {  	_ =	swait.ge [sflag:s3], $0x200  }
0x5f0: {  	s9 =	sld [smem:$0x7FA]  }
0x5f1: {  	[sflag:s3] =	ssyncset.done $0x0  }
0x5f2: {  	s13 =	sld [smem:$0x7FB];
	[sflag:s3] =	ssyncadd.s32 $0xFFFFFE00  }
0x5f3: {  	[hbm4b:s28+s2] =	stream.linear.scatter [tilespmem:s9], [sflag:$0x1], $0x80, $0x38;
	[tilespmem:$0x7000] =	vst v63  }
0x5f4: {  	s0 =	sld [smem:$0x7FC]  }
0x5f5: {  	[hbm4b:s6+s2] =	stream.linear.scatter [tilespmem:s13], [sflag:$0x1], $0x80, $0x38;
	[tilespmem:$0x7000] =	vst v63  }
0x5f6: {  	p0 =	sne.s32 s30, $0x1;
	s13 =	sld [smem:$0x7FD]  }
0x5f7: {  	[hbm4b:s29+s2] =	stream.linear.scatter [tilespmem:s0], [sflag:$0x1], $0x80, $0x38;
	[tilespmem:$0x7000] =	vst v63  }
.Ltmp1:
0x5f8: {  	_ = 	snop;
	(pc) =	sbr.rel @p0 .LBB2_2-.Ltmp1, $4  }
0x5f9: {  	_ = 	snop  }
0x5fa: {  	[hbm4b:s5+s2] =	stream.linear.scatter [tilespmem:s13], [sflag:$0x1], $0x80, $0x38;
	[tilespmem:$0x7000] =	vst v63  }
0x5fb: {  	_ =	swait.ge [sflag:s3], $0x200  }
0x5fc: {  	s30 =	sadd.s32 $0xFFFFFFFF, s30;
	[sflag:s3] =	ssyncset.done $0x0  }
.LBB2_3:
0x5fd: {  	[sflag:s3] =	ssyncadd.s32 $0xFFFFFE00  }
0x5fe: {  	_ =	sfence.sel $0x180000  }
0x5ff: {  	[bflag:$0x0] =	sbarrier.arrive $0xFFFF  }
0x600: {  	_ =	strace $0x90000047  }
0x601: {  	s0 =	stileid.u32;
	[bflag:$0x2] =	sbarrier.arrive $0xFFFF  }
0x602: {  	p0 =	sne.s32 s0, $0x0;
	s0 =	rddreg [dreg:$0x2]  }
0x603: {  	s0 =	sadd.s32 @!p0 $0x100000, s0  }
0x604: {  	[sflag:s0] =	ssyncadd.tile.s32 @!p0 $0x1;
	_ =	shalt  }
.Lfunc_end2:
_tile_overlayer_lowered:
.L_overlay_start_2:
0x605: {  	(tag) =	ssettag $0x2  }
0x606: {  	s0 =	rddreg [dreg:$0x0];
	s2 =	stileid.u32  }
0x607: {  	s1 =	rddreg [dreg:$0x1];
	p0 =	sne.s32 s2, $0x0  }
0x608: {  	s3 =	rddreg [dreg:$0x2];
	[bflag:$0x3] =	sbarrier.arrive $0xFFFF;
	s2 =	simm.s32 @!p0 $0x1C01  }
0x609: {  	[timem:s3], [sflag:s2] =	dma.local @!p0 [hbm:s0], s1  }
0x60a: {  	s0 =	simm.s32 @!p0 $0x1  }
0x60b: {  	_ =	swait.ge @!p0 [sflag:s0], s1  }
0x60c: {  	s1 =	ssub.s32 @!p0 $0x0, s1;
	[sflag:s0] =	ssyncset.done @!p0 $0x0  }
0x60d: {  	[sflag:s0] =	ssyncadd.s32 @!p0 s1  }
0x60e: {  	[bflag:$0x3] =	sbarrier.arrive $0xFFFF  }
0x60f: {  	_ =	shalt  }

</sc_bundles>
